<compile_context>
chip_gen: v7x
topology: tpu7x:2x2x1
jax: 0.10.2.dev20260603
libtpu: 0.0.44.dev20260713+nightly
codegen_flags: <defaults>
</compile_context>

<pallas_src>
import functools

import jax
import jax.numpy as jnp
from jax import lax
from jax.experimental import pallas as pl
from jax.experimental.pallas import tpu as pltpu
from jax.experimental.pallas import tpu_sc as plsc

N = 10000
E = 320000
D = 128
NC = 2
NS = 16
NW = NC * NS
K = 80
CH = 128
DK = 128
DCH = 80
EWP = CH * K
EP = NW * EWP
NP = 10240
BT = NP // NS

_mesh = plsc.VectorSubcoreMesh(core_axis_name="c", subcore_axis_name="s")


@functools.partial(
    pl.kernel,
    out_type=jax.ShapeDtypeStruct((NC, NP, D), jnp.float32),
    mesh=_mesh,
    scratch_types=[
        pltpu.VMEM((DCH, DK), jnp.int32),
        pltpu.VMEM((DK, D), jnp.float32),
        pltpu.VMEM_SHARED((NP, D), jnp.float32),
        pltpu.SemaphoreType.DMA,
        pltpu.SemaphoreType.DMA,
    ],
)
def _sc_deg(dst_hbm, ones_hbm, zeros_hbm, out_hbm, idx_v, row_v, deg_sh,
            ds0, ds1):
    c = lax.axis_index("c")
    s = lax.axis_index("s")
    wid = s * NC + c
    pltpu.sync_copy(zeros_hbm, row_v)
    base = s * BT
    for k in range(BT // DK):
        pltpu.sync_copy(row_v, deg_sh.at[pl.ds(base + k * DK, DK)])
    pltpu.sync_copy(dst_hbm.at[wid], idx_v)
    pltpu.sync_copy(ones_hbm, row_v)
    plsc.subcore_barrier()

    def sca(ci, sem):
        pltpu.async_copy(row_v, deg_sh.at[idx_v.at[ci]], sem, add=True)

    def wsca(ci, sem):
        pltpu.make_async_copy(row_v, deg_sh.at[idx_v.at[ci]], sem).wait()

    def pair(i, carry):
        ci = 2 * i
        @pl.when(i > 0)
        def _():
            wsca(ci - 2, ds0)
        sca(ci, ds0)
        @pl.when(i > 0)
        def _():
            wsca(ci - 1, ds1)
        sca(ci + 1, ds1)
        return carry

    lax.fori_loop(0, DCH // 2, pair, 0)
    wsca(DCH - 2, ds0)
    wsca(DCH - 1, ds1)
    plsc.subcore_barrier()
    pltpu.sync_copy(deg_sh.at[pl.ds(base, BT)], out_hbm.at[c, pl.ds(base, BT)])


_RING = 4


@functools.partial(
    pl.kernel,
    out_type=jax.ShapeDtypeStruct((NC, NP, D), jnp.float32),
    mesh=_mesh,
    scratch_types=(
        [pltpu.VMEM((2, K), jnp.int32) for _ in range(_RING)]
        + [pltpu.VMEM((K, D), jnp.float32) for _ in range(_RING)]
        + [pltpu.VMEM_SHARED((NP, D), jnp.float32)]
        + [pltpu.SemaphoreType.DMA] * (3 * _RING)
    ),
)
def _sc_agg(y_hbm, ei_hbm, zeros_hbm, out_hbm, *sc):
    iv = sc[0:_RING]
    bv = sc[_RING:2 * _RING]
    acc_sh = sc[2 * _RING]
    si = sc[2 * _RING + 1: 3 * _RING + 1]
    sg = sc[3 * _RING + 1: 4 * _RING + 1]
    ss = sc[4 * _RING + 1: 5 * _RING + 1]

    c = lax.axis_index("c")
    s = lax.axis_index("s")
    wid = s * NC + c
    pltpu.sync_copy(zeros_hbm, bv[0])
    base = s * BT
    for k in range(BT // K):
        pltpu.sync_copy(bv[0], acc_sh.at[pl.ds(base + k * K, K)])

    def fetch_idx(ci, k):
        pltpu.async_copy(ei_hbm.at[wid, ci], iv[k], si[k])

    def wait_idx(ci, k):
        pltpu.make_async_copy(ei_hbm.at[wid, ci], iv[k], si[k]).wait()

    def start_gather(k):
        pltpu.async_copy(y_hbm.at[iv[k].at[0]], bv[k], sg[k])

    def wait_gather(k):
        pltpu.make_async_copy(y_hbm.at[iv[k].at[0]], bv[k], sg[k]).wait()

    def start_scatter(k):
        pltpu.async_copy(bv[k], acc_sh.at[iv[k].at[1]], ss[k], add=True)

    def wait_scatter(k):
        pltpu.make_async_copy(bv[k], acc_sh.at[iv[k].at[1]], ss[k]).wait()

    fetch_idx(0, 0)
    fetch_idx(1, 1)
    plsc.subcore_barrier()
    wait_idx(0, 0)
    start_gather(0)

    def group(g, carry):
        ci0 = _RING * g
        for j in range(_RING):
            ci = ci0 + j
            wait_gather(j)
            start_scatter(j)
            @pl.when(ci + 1 < CH)
            def _():
                wait_idx(ci + 1, (j + 1) % _RING)
                start_gather((j + 1) % _RING)
            @pl.when(ci + 2 < CH)
            def _():
                @pl.when(ci >= 2)
                def _():
                    wait_scatter((j + 2) % _RING)
                fetch_idx(ci + 2, (j + 2) % _RING)
        return carry

    lax.fori_loop(0, CH // _RING, group, 0)
    wait_scatter((CH - 2) % _RING)
    wait_scatter((CH - 1) % _RING)
    plsc.subcore_barrier()
    pltpu.sync_copy(acc_sh.at[pl.ds(base, BT)], out_hbm.at[c, pl.ds(base, BT)])


_BLK = 1000
_GRID = N // _BLK


def _deg_r(h0, h1):
    deg = h0[:, 0:1] + h1[:, 0:1] + 1.0
    return lax.rsqrt(deg)


def _tc_a_body(h0_ref, h1_ref, x_ref, w1_ref, yp_ref):
    r = _deg_r(h0_ref[...], h1_ref[...])
    y = lax.dot_general(x_ref[...], w1_ref[...], (((1,), (1,)), ((), ())),
                        preferred_element_type=jnp.float32)
    yp_ref[...] = r * y


def _tc_b_body(p0_ref, p1_ref, yp1_ref, h0_ref, h1_ref, b1_ref, w2_ref,
               yp2_ref):
    r = _deg_r(h0_ref[...], h1_ref[...])
    s1 = r * (p0_ref[...] + p1_ref[...] + yp1_ref[...]) + b1_ref[...]
    h = jnp.maximum(s1, 0.0)
    z = lax.dot_general(h, w2_ref[...], (((1,), (1,)), ((), ())),
                        preferred_element_type=jnp.float32)
    yp2_ref[...] = r * z


def _tc_c_body(q0_ref, q1_ref, yp2_ref, h0_ref, h1_ref, b2_ref, out_ref):
    r = _deg_r(h0_ref[...], h1_ref[...])
    out_ref[...] = (r * (q0_ref[...] + q1_ref[...] + yp2_ref[...])
                    + b2_ref[...])


def _rowspec(w):
    return pl.BlockSpec((_BLK, w), lambda i: (i, 0))


def _bcast(shape):
    return pl.BlockSpec(shape, lambda i: (0,) * len(shape))


def kernel(x, edge_index, W1, b1, W2, b2):
    pad = EP - E
    fill = jnp.arange(pad, dtype=edge_index.dtype)
    src = jnp.concatenate([edge_index[0], fill % N]).reshape(NW, CH, K)
    dstf = jnp.concatenate([edge_index[1], N + fill % (NP - N)])
    dst = dstf.reshape(NW, CH, K)
    ei = jnp.stack([src, dst], axis=2)
    zerosD = jnp.zeros((K, D), jnp.float32)
    onesDK = jnp.ones((DK, D), jnp.float32)
    zerosDK = jnp.zeros((DK, D), jnp.float32)

    hist = _sc_deg(dstf.reshape(NW, DCH, DK), onesDK, zerosDK)
    h0 = hist[0, :N]
    h1 = hist[1, :N]

    yp1 = pl.pallas_call(
        _tc_a_body,
        grid=(_GRID,),
        in_specs=[_rowspec(D), _rowspec(D), _rowspec(D), _bcast((D, D))],
        out_specs=_rowspec(D),
        out_shape=jax.ShapeDtypeStruct((N, D), jnp.float32),
    )(h0, h1, x, W1)

    P = _sc_agg(yp1, ei, zerosD)

    yp2 = pl.pallas_call(
        _tc_b_body,
        grid=(_GRID,),
        in_specs=[_rowspec(D), _rowspec(D), _rowspec(D), _rowspec(D),
                  _rowspec(D), _bcast((1, D)), _bcast((D, D))],
        out_specs=_rowspec(D),
        out_shape=jax.ShapeDtypeStruct((N, D), jnp.float32),
    )(P[0, :N], P[1, :N], yp1, h0, h1, b1.reshape(1, D), W2)

    Q = _sc_agg(yp2, ei, zerosD)

    out = pl.pallas_call(
        _tc_c_body,
        grid=(_GRID,),
        in_specs=[_rowspec(D), _rowspec(D), _rowspec(D), _rowspec(D),
                  _rowspec(D), _bcast((1, D))],
        out_specs=_rowspec(D),
        out_shape=jax.ShapeDtypeStruct((N, D), jnp.float32),
    )(Q[0, :N], Q[1, :N], yp2, h0, h1, b2.reshape(1, D))
    return out

# --- scband reference (transcript-rebuilt; emitter-appended) ---
"""Pipeline reference for scband-my-gcn-55353538510962 (READ-ONLY COPY).

The authoritative reference and input builder live on the scoring server;
editing this copy changes nothing except your own understanding.
"""

import jax, jax.numpy as jnp
import numpy as np

N_NODES = 10000
N_EDGES = 320000
D_IN = 128
D_HID = 128
D_OUT = 128


def setup_inputs(seed: int = 0) -> dict:
    key = jax.random.key(seed)
    k1, k2, k3, k4, k5, k6 = jax.random.split(key, 6)
    x = jax.random.normal(k1, (N_NODES, D_IN), dtype=jnp.float32)
    edge_index = jax.random.randint(k2, (2, N_EDGES), 0, N_NODES, dtype=jnp.int32)
    # Linear layer params (torch nn.Linear: y = x @ W.T + b)
    bound1 = 1.0 / np.sqrt(D_IN)
    W1 = jax.random.uniform(k3, (D_HID, D_IN), dtype=jnp.float32, minval=-bound1, maxval=bound1)
    b1 = jax.random.uniform(k4, (D_HID,), dtype=jnp.float32, minval=-bound1, maxval=bound1)
    bound2 = 1.0 / np.sqrt(D_HID)
    W2 = jax.random.uniform(k5, (D_OUT, D_HID), dtype=jnp.float32, minval=-bound2, maxval=bound2)
    b2 = jax.random.uniform(k6, (D_OUT,), dtype=jnp.float32, minval=-bound2, maxval=bound2)
    return {"x": x, "edge_index": edge_index, "W1": W1, "b1": b1, "W2": W2, "b2": b2}


def reference(x, edge_index, W1, b1, W2, b2):
    n = x.shape[0]
    # add_self_edges
    node_inds = jnp.arange(n, dtype=edge_index.dtype)
    self_edges = jnp.stack([node_inds, node_inds])
    ei = jnp.concatenate([edge_index, self_edges], axis=1)
    src, dst = ei[0], ei[1]
    # symmetric normalization based on in-degree (bincount over dst)
    deg = jnp.bincount(dst, length=n).astype(jnp.float32)
    norms = 1.0 / jnp.sqrt(deg[src] * deg[dst])

    def spmm_t(h):
        # (A^T @ h)[j] = sum over edges (i->j) of norm * h[i]
        msgs = norms[:, None] * jnp.take(h, src, axis=0)
        return jax.ops.segment_sum(msgs, dst, num_segments=n)

    h = spmm_t(x) @ W1.T + b1
    h = jax.nn.relu(h)
    out = spmm_t(h) @ W2.T + b2
    return out

if __name__ == "__main__":
    import jax
    _d = setup_inputs()
    print(jax.jit(kernel)(*tuple(_d.values())))

</pallas_src>

<mosaic_0001>
#map = affine_map<(d0, d1) -> (0, 0)>
#map1 = affine_map<(d0, d1) -> (0, 0, 0, 0)>
#map2 = affine_map<(d0, d1) -> (0, 0, 0)>
module attributes {stable_mosaic.version = 14 : i64} {
  func.func @_sc_agg(%arg0: i32, %arg1: i32, %arg2: memref<10000x128xf32, #tpu.memory_space<hbm>>, %arg3: memref<32x128x2x80xi32, #tpu.memory_space<hbm>>, %arg4: memref<80x128xf32, #tpu.memory_space<hbm>>, %arg5: memref<2x10240x128xf32, #tpu.memory_space<hbm>>, %arg6: memref<2x80xi32, #tpu.memory_space<vmem>>, %arg7: memref<2x80xi32, #tpu.memory_space<vmem>>, %arg8: memref<2x80xi32, #tpu.memory_space<vmem>>, %arg9: memref<2x80xi32, #tpu.memory_space<vmem>>, %arg10: memref<80x128xf32, #tpu.memory_space<vmem>>, %arg11: memref<80x128xf32, #tpu.memory_space<vmem>>, %arg12: memref<80x128xf32, #tpu.memory_space<vmem>>, %arg13: memref<80x128xf32, #tpu.memory_space<vmem>>, %arg14: memref<10240x128xf32, #tpu.memory_space<vmem_shared>>, %arg15: memref<!tpu.dma_semaphore, #tpu.memory_space<semaphore_mem>>, %arg16: memref<!tpu.dma_semaphore, #tpu.memory_space<semaphore_mem>>, %arg17: memref<!tpu.dma_semaphore, #tpu.memory_space<semaphore_mem>>, %arg18: memref<!tpu.dma_semaphore, #tpu.memory_space<semaphore_mem>>, %arg19: memref<!tpu.dma_semaphore, #tpu.memory_space<semaphore_mem>>, %arg20: memref<!tpu.dma_semaphore, #tpu.memory_space<semaphore_mem>>, %arg21: memref<!tpu.dma_semaphore, #tpu.memory_space<semaphore_mem>>, %arg22: memref<!tpu.dma_semaphore, #tpu.memory_space<semaphore_mem>>, %arg23: memref<!tpu.dma_semaphore, #tpu.memory_space<semaphore_mem>>, %arg24: memref<!tpu.dma_semaphore, #tpu.memory_space<semaphore_mem>>, %arg25: memref<!tpu.dma_semaphore, #tpu.memory_space<semaphore_mem>>, %arg26: memref<!tpu.dma_semaphore, #tpu.memory_space<semaphore_mem>>) attributes {dimension_semantics = [#tpu.dimension_semantics<core_parallel>, #tpu.dimension_semantics<subcore_parallel>], iteration_bounds = array<i64: 2, 16>, scalar_prefetch = 0 : i64, scratch_operands = 21 : i64, tpu.core_type = #tpu.core_type<sc_vector_subcore>, window_params = [{transform_indices = #map}, {transform_indices = #map1}, {transform_indices = #map}, {transform_indices = #map2}]} {
    %mul3A = arith.constant 2 : i32
    %mul3A_0 = arith.muli %arg1, %mul3A : i32
    %add3A = arith.addi %mul3A_0, %arg0 : i32
    "tpu.region"() ({
      %run_scoped3A = tpu.sem_alloc : memref<!tpu.dma_semaphore, #tpu.memory_space<semaphore_mem>>
      tpu.enqueue_dma source(%arg4 : memref<80x128xf32, #tpu.memory_space<hbm>>) target(%arg10 : memref<80x128xf32, #tpu.memory_space<vmem>>) target_semaphore(%run_scoped3A : memref<!tpu.dma_semaphore, #tpu.memory_space<semaphore_mem>>)
      tpu.wait_dma2 semaphore(%run_scoped3A : memref<!tpu.dma_semaphore, #tpu.memory_space<semaphore_mem>>) src(%arg4 : memref<80x128xf32, #tpu.memory_space<hbm>>) dst(%arg10 : memref<80x128xf32, #tpu.memory_space<vmem>>)
      tpu.yield
    }) : () -> ()
    %mul3A_1 = arith.constant 640 : i32
    %mul3A_2 = arith.muli %arg1, %mul3A_1 : i32
    %add3A_3 = arith.constant 0 : i32
    %add3A_4 = arith.addi %mul3A_2, %add3A_3 : i32
    "tpu.region"() ({
      %run_scoped3A = tpu.sem_alloc : memref<!tpu.dma_semaphore, #tpu.memory_space<semaphore_mem>>
      %dma_start3A_71 = arith.constant 0 : i32
      %dma_start3A_72 = tpu.memref_slice %arg14[%add3A_4, %dma_start3A_71] : memref<10240x128xf32, #tpu.memory_space<vmem_shared>> -> memref<80x128xf32, #tpu.memory_space<vmem_shared>>
      %dma_start3A_73 = arith.constant 0 : i32
      %dma_start3A_74 = tpu.memref_slice %arg14[%add3A_4, %dma_start3A_73] : memref<10240x128xf32, #tpu.memory_space<vmem_shared>> -> memref<80x128xf32, #tpu.memory_space<vmem_shared>>
      tpu.enqueue_dma source(%arg10 : memref<80x128xf32, #tpu.memory_space<vmem>>) target(%dma_start3A_74 : memref<80x128xf32, #tpu.memory_space<vmem_shared>>) target_semaphore(%run_scoped3A : memref<!tpu.dma_semaphore, #tpu.memory_space<semaphore_mem>>)
      %dma_wait3A_75 = arith.constant 0 : i32
      %dma_wait3A_76 = tpu.memref_slice %arg14[%add3A_4, %dma_wait3A_75] : memref<10240x128xf32, #tpu.memory_space<vmem_shared>> -> memref<80x128xf32, #tpu.memory_space<vmem_shared>>
      %dma_wait3A_77 = arith.constant 0 : i32
      %dma_wait3A_78 = tpu.memref_slice %arg14[%add3A_4, %dma_wait3A_77] : memref<10240x128xf32, #tpu.memory_space<vmem_shared>> -> memref<80x128xf32, #tpu.memory_space<vmem_shared>>
      tpu.wait_dma2 semaphore(%run_scoped3A : memref<!tpu.dma_semaphore, #tpu.memory_space<semaphore_mem>>) src(%arg10 : memref<80x128xf32, #tpu.memory_space<vmem>>) dst(%dma_wait3A_78 : memref<80x128xf32, #tpu.memory_space<vmem_shared>>)
      tpu.yield
    }) : () -> ()
    %add3A_5 = arith.constant 80 : i32
    %add3A_6 = arith.addi %mul3A_2, %add3A_5 : i32
    "tpu.region"() ({
      %run_scoped3A = tpu.sem_alloc : memref<!tpu.dma_semaphore, #tpu.memory_space<semaphore_mem>>
      %dma_start3A_71 = arith.constant 0 : i32
      %dma_start3A_72 = tpu.memref_slice %arg14[%add3A_6, %dma_start3A_71] : memref<10240x128xf32, #tpu.memory_space<vmem_shared>> -> memref<80x128xf32, #tpu.memory_space<vmem_shared>>
      %dma_start3A_73 = arith.constant 0 : i32
      %dma_start3A_74 = tpu.memref_slice %arg14[%add3A_6, %dma_start3A_73] : memref<10240x128xf32, #tpu.memory_space<vmem_shared>> -> memref<80x128xf32, #tpu.memory_space<vmem_shared>>
      tpu.enqueue_dma source(%arg10 : memref<80x128xf32, #tpu.memory_space<vmem>>) target(%dma_start3A_74 : memref<80x128xf32, #tpu.memory_space<vmem_shared>>) target_semaphore(%run_scoped3A : memref<!tpu.dma_semaphore, #tpu.memory_space<semaphore_mem>>)
      %dma_wait3A_75 = arith.constant 0 : i32
      %dma_wait3A_76 = tpu.memref_slice %arg14[%add3A_6, %dma_wait3A_75] : memref<10240x128xf32, #tpu.memory_space<vmem_shared>> -> memref<80x128xf32, #tpu.memory_space<vmem_shared>>
      %dma_wait3A_77 = arith.constant 0 : i32
      %dma_wait3A_78 = tpu.memref_slice %arg14[%add3A_6, %dma_wait3A_77] : memref<10240x128xf32, #tpu.memory_space<vmem_shared>> -> memref<80x128xf32, #tpu.memory_space<vmem_shared>>
      tpu.wait_dma2 semaphore(%run_scoped3A : memref<!tpu.dma_semaphore, #tpu.memory_space<semaphore_mem>>) src(%arg10 : memref<80x128xf32, #tpu.memory_space<vmem>>) dst(%dma_wait3A_78 : memref<80x128xf32, #tpu.memory_space<vmem_shared>>)
      tpu.yield
    }) : () -> ()
    %add3A_7 = arith.constant 160 : i32
    %add3A_8 = arith.addi %mul3A_2, %add3A_7 : i32
    "tpu.region"() ({
      %run_scoped3A = tpu.sem_alloc : memref<!tpu.dma_semaphore, #tpu.memory_space<semaphore_mem>>
      %dma_start3A_71 = arith.constant 0 : i32
      %dma_start3A_72 = tpu.memref_slice %arg14[%add3A_8, %dma_start3A_71] : memref<10240x128xf32, #tpu.memory_space<vmem_shared>> -> memref<80x128xf32, #tpu.memory_space<vmem_shared>>
      %dma_start3A_73 = arith.constant 0 : i32
      %dma_start3A_74 = tpu.memref_slice %arg14[%add3A_8, %dma_start3A_73] : memref<10240x128xf32, #tpu.memory_space<vmem_shared>> -> memref<80x128xf32, #tpu.memory_space<vmem_shared>>
      tpu.enqueue_dma source(%arg10 : memref<80x128xf32, #tpu.memory_space<vmem>>) target(%dma_start3A_74 : memref<80x128xf32, #tpu.memory_space<vmem_shared>>) target_semaphore(%run_scoped3A : memref<!tpu.dma_semaphore, #tpu.memory_space<semaphore_mem>>)
      %dma_wait3A_75 = arith.constant 0 : i32
      %dma_wait3A_76 = tpu.memref_slice %arg14[%add3A_8, %dma_wait3A_75] : memref<10240x128xf32, #tpu.memory_space<vmem_shared>> -> memref<80x128xf32, #tpu.memory_space<vmem_shared>>
      %dma_wait3A_77 = arith.constant 0 : i32
      %dma_wait3A_78 = tpu.memref_slice %arg14[%add3A_8, %dma_wait3A_77] : memref<10240x128xf32, #tpu.memory_space<vmem_shared>> -> memref<80x128xf32, #tpu.memory_space<vmem_shared>>
      tpu.wait_dma2 semaphore(%run_scoped3A : memref<!tpu.dma_semaphore, #tpu.memory_space<semaphore_mem>>) src(%arg10 : memref<80x128xf32, #tpu.memory_space<vmem>>) dst(%dma_wait3A_78 : memref<80x128xf32, #tpu.memory_space<vmem_shared>>)
      tpu.yield
    }) : () -> ()
    %add3A_9 = arith.constant 240 : i32
    %add3A_10 = arith.addi %mul3A_2, %add3A_9 : i32
    "tpu.region"() ({
      %run_scoped3A = tpu.sem_alloc : memref<!tpu.dma_semaphore, #tpu.memory_space<semaphore_mem>>
      %dma_start3A_71 = arith.constant 0 : i32
      %dma_start3A_72 = tpu.memref_slice %arg14[%add3A_10, %dma_start3A_71] : memref<10240x128xf32, #tpu.memory_space<vmem_shared>> -> memref<80x128xf32, #tpu.memory_space<vmem_shared>>
      %dma_start3A_73 = arith.constant 0 : i32
      %dma_start3A_74 = tpu.memref_slice %arg14[%add3A_10, %dma_start3A_73] : memref<10240x128xf32, #tpu.memory_space<vmem_shared>> -> memref<80x128xf32, #tpu.memory_space<vmem_shared>>
      tpu.enqueue_dma source(%arg10 : memref<80x128xf32, #tpu.memory_space<vmem>>) target(%dma_start3A_74 : memref<80x128xf32, #tpu.memory_space<vmem_shared>>) target_semaphore(%run_scoped3A : memref<!tpu.dma_semaphore, #tpu.memory_space<semaphore_mem>>)
      %dma_wait3A_75 = arith.constant 0 : i32
      %dma_wait3A_76 = tpu.memref_slice %arg14[%add3A_10, %dma_wait3A_75] : memref<10240x128xf32, #tpu.memory_space<vmem_shared>> -> memref<80x128xf32, #tpu.memory_space<vmem_shared>>
      %dma_wait3A_77 = arith.constant 0 : i32
      %dma_wait3A_78 = tpu.memref_slice %arg14[%add3A_10, %dma_wait3A_77] : memref<10240x128xf32, #tpu.memory_space<vmem_shared>> -> memref<80x128xf32, #tpu.memory_space<vmem_shared>>
      tpu.wait_dma2 semaphore(%run_scoped3A : memref<!tpu.dma_semaphore, #tpu.memory_space<semaphore_mem>>) src(%arg10 : memref<80x128xf32, #tpu.memory_space<vmem>>) dst(%dma_wait3A_78 : memref<80x128xf32, #tpu.memory_space<vmem_shared>>)
      tpu.yield
    }) : () -> ()
    %add3A_11 = arith.constant 320 : i32
    %add3A_12 = arith.addi %mul3A_2, %add3A_11 : i32
    "tpu.region"() ({
      %run_scoped3A = tpu.sem_alloc : memref<!tpu.dma_semaphore, #tpu.memory_space<semaphore_mem>>
      %dma_start3A_71 = arith.constant 0 : i32
      %dma_start3A_72 = tpu.memref_slice %arg14[%add3A_12, %dma_start3A_71] : memref<10240x128xf32, #tpu.memory_space<vmem_shared>> -> memref<80x128xf32, #tpu.memory_space<vmem_shared>>
      %dma_start3A_73 = arith.constant 0 : i32
      %dma_start3A_74 = tpu.memref_slice %arg14[%add3A_12, %dma_start3A_73] : memref<10240x128xf32, #tpu.memory_space<vmem_shared>> -> memref<80x128xf32, #tpu.memory_space<vmem_shared>>
      tpu.enqueue_dma source(%arg10 : memref<80x128xf32, #tpu.memory_space<vmem>>) target(%dma_start3A_74 : memref<80x128xf32, #tpu.memory_space<vmem_shared>>) target_semaphore(%run_scoped3A : memref<!tpu.dma_semaphore, #tpu.memory_space<semaphore_mem>>)
      %dma_wait3A_75 = arith.constant 0 : i32
      %dma_wait3A_76 = tpu.memref_slice %arg14[%add3A_12, %dma_wait3A_75] : memref<10240x128xf32, #tpu.memory_space<vmem_shared>> -> memref<80x128xf32, #tpu.memory_space<vmem_shared>>
      %dma_wait3A_77 = arith.constant 0 : i32
      %dma_wait3A_78 = tpu.memref_slice %arg14[%add3A_12, %dma_wait3A_77] : memref<10240x128xf32, #tpu.memory_space<vmem_shared>> -> memref<80x128xf32, #tpu.memory_space<vmem_shared>>
      tpu.wait_dma2 semaphore(%run_scoped3A : memref<!tpu.dma_semaphore, #tpu.memory_space<semaphore_mem>>) src(%arg10 : memref<80x128xf32, #tpu.memory_space<vmem>>) dst(%dma_wait3A_78 : memref<80x128xf32, #tpu.memory_space<vmem_shared>>)
      tpu.yield
    }) : () -> ()
    %add3A_13 = arith.constant 400 : i32
    %add3A_14 = arith.addi %mul3A_2, %add3A_13 : i32
    "tpu.region"() ({
      %run_scoped3A = tpu.sem_alloc : memref<!tpu.dma_semaphore, #tpu.memory_space<semaphore_mem>>
      %dma_start3A_71 = arith.constant 0 : i32
      %dma_start3A_72 = tpu.memref_slice %arg14[%add3A_14, %dma_start3A_71] : memref<10240x128xf32, #tpu.memory_space<vmem_shared>> -> memref<80x128xf32, #tpu.memory_space<vmem_shared>>
      %dma_start3A_73 = arith.constant 0 : i32
      %dma_start3A_74 = tpu.memref_slice %arg14[%add3A_14, %dma_start3A_73] : memref<10240x128xf32, #tpu.memory_space<vmem_shared>> -> memref<80x128xf32, #tpu.memory_space<vmem_shared>>
      tpu.enqueue_dma source(%arg10 : memref<80x128xf32, #tpu.memory_space<vmem>>) target(%dma_start3A_74 : memref<80x128xf32, #tpu.memory_space<vmem_shared>>) target_semaphore(%run_scoped3A : memref<!tpu.dma_semaphore, #tpu.memory_space<semaphore_mem>>)
      %dma_wait3A_75 = arith.constant 0 : i32
      %dma_wait3A_76 = tpu.memref_slice %arg14[%add3A_14, %dma_wait3A_75] : memref<10240x128xf32, #tpu.memory_space<vmem_shared>> -> memref<80x128xf32, #tpu.memory_space<vmem_shared>>
      %dma_wait3A_77 = arith.constant 0 : i32
      %dma_wait3A_78 = tpu.memref_slice %arg14[%add3A_14, %dma_wait3A_77] : memref<10240x128xf32, #tpu.memory_space<vmem_shared>> -> memref<80x128xf32, #tpu.memory_space<vmem_shared>>
      tpu.wait_dma2 semaphore(%run_scoped3A : memref<!tpu.dma_semaphore, #tpu.memory_space<semaphore_mem>>) src(%arg10 : memref<80x128xf32, #tpu.memory_space<vmem>>) dst(%dma_wait3A_78 : memref<80x128xf32, #tpu.memory_space<vmem_shared>>)
      tpu.yield
    }) : () -> ()
    %add3A_15 = arith.constant 480 : i32
    %add3A_16 = arith.addi %mul3A_2, %add3A_15 : i32
    "tpu.region"() ({
      %run_scoped3A = tpu.sem_alloc : memref<!tpu.dma_semaphore, #tpu.memory_space<semaphore_mem>>
      %dma_start3A_71 = arith.constant 0 : i32
      %dma_start3A_72 = tpu.memref_slice %arg14[%add3A_16, %dma_start3A_71] : memref<10240x128xf32, #tpu.memory_space<vmem_shared>> -> memref<80x128xf32, #tpu.memory_space<vmem_shared>>
      %dma_start3A_73 = arith.constant 0 : i32
      %dma_start3A_74 = tpu.memref_slice %arg14[%add3A_16, %dma_start3A_73] : memref<10240x128xf32, #tpu.memory_space<vmem_shared>> -> memref<80x128xf32, #tpu.memory_space<vmem_shared>>
      tpu.enqueue_dma source(%arg10 : memref<80x128xf32, #tpu.memory_space<vmem>>) target(%dma_start3A_74 : memref<80x128xf32, #tpu.memory_space<vmem_shared>>) target_semaphore(%run_scoped3A : memref<!tpu.dma_semaphore, #tpu.memory_space<semaphore_mem>>)
      %dma_wait3A_75 = arith.constant 0 : i32
      %dma_wait3A_76 = tpu.memref_slice %arg14[%add3A_16, %dma_wait3A_75] : memref<10240x128xf32, #tpu.memory_space<vmem_shared>> -> memref<80x128xf32, #tpu.memory_space<vmem_shared>>
      %dma_wait3A_77 = arith.constant 0 : i32
      %dma_wait3A_78 = tpu.memref_slice %arg14[%add3A_16, %dma_wait3A_77] : memref<10240x128xf32, #tpu.memory_space<vmem_shared>> -> memref<80x128xf32, #tpu.memory_space<vmem_shared>>
      tpu.wait_dma2 semaphore(%run_scoped3A : memref<!tpu.dma_semaphore, #tpu.memory_space<semaphore_mem>>) src(%arg10 : memref<80x128xf32, #tpu.memory_space<vmem>>) dst(%dma_wait3A_78 : memref<80x128xf32, #tpu.memory_space<vmem_shared>>)
      tpu.yield
    }) : () -> ()
    %add3A_17 = arith.constant 560 : i32
    %add3A_18 = arith.addi %mul3A_2, %add3A_17 : i32
    "tpu.region"() ({
      %run_scoped3A = tpu.sem_alloc : memref<!tpu.dma_semaphore, #tpu.memory_space<semaphore_mem>>
      %dma_start3A_71 = arith.constant 0 : i32
      %dma_start3A_72 = tpu.memref_slice %arg14[%add3A_18, %dma_start3A_71] : memref<10240x128xf32, #tpu.memory_space<vmem_shared>> -> memref<80x128xf32, #tpu.memory_space<vmem_shared>>
      %dma_start3A_73 = arith.constant 0 : i32
      %dma_start3A_74 = tpu.memref_slice %arg14[%add3A_18, %dma_start3A_73] : memref<10240x128xf32, #tpu.memory_space<vmem_shared>> -> memref<80x128xf32, #tpu.memory_space<vmem_shared>>
      tpu.enqueue_dma source(%arg10 : memref<80x128xf32, #tpu.memory_space<vmem>>) target(%dma_start3A_74 : memref<80x128xf32, #tpu.memory_space<vmem_shared>>) target_semaphore(%run_scoped3A : memref<!tpu.dma_semaphore, #tpu.memory_space<semaphore_mem>>)
      %dma_wait3A_75 = arith.constant 0 : i32
      %dma_wait3A_76 = tpu.memref_slice %arg14[%add3A_18, %dma_wait3A_75] : memref<10240x128xf32, #tpu.memory_space<vmem_shared>> -> memref<80x128xf32, #tpu.memory_space<vmem_shared>>
      %dma_wait3A_77 = arith.constant 0 : i32
      %dma_wait3A_78 = tpu.memref_slice %arg14[%add3A_18, %dma_wait3A_77] : memref<10240x128xf32, #tpu.memory_space<vmem_shared>> -> memref<80x128xf32, #tpu.memory_space<vmem_shared>>
      tpu.wait_dma2 semaphore(%run_scoped3A : memref<!tpu.dma_semaphore, #tpu.memory_space<semaphore_mem>>) src(%arg10 : memref<80x128xf32, #tpu.memory_space<vmem>>) dst(%dma_wait3A_78 : memref<80x128xf32, #tpu.memory_space<vmem_shared>>)
      tpu.yield
    }) : () -> ()
    %dma_start3A = arith.constant 0 : i32
    %dma_start3A_19 = arith.constant 0 : i32
    %dma_start3A_20 = arith.constant 0 : i32
    %dma_start3A_21 = tpu.memref_slice %arg3[%add3A, %dma_start3A, %dma_start3A_19, %dma_start3A_20] : memref<32x128x2x80xi32, #tpu.memory_space<hbm>> -> memref<1x1x2x80xi32, #tpu.memory_space<hbm>>
    %dma_start3A_22 = tpu.memref_squeeze %dma_start3A_21 : memref<1x1x2x80xi32, #tpu.memory_space<hbm>> -> memref<2x80xi32, #tpu.memory_space<hbm>>
    %dma_start3A_23 = arith.constant 0 : i32
    %dma_start3A_24 = arith.constant 0 : i32
    %dma_start3A_25 = tpu.memref_slice %arg3[%add3A, %dma_start3A, %dma_start3A_23, %dma_start3A_24] : memref<32x128x2x80xi32, #tpu.memory_space<hbm>> -> memref<1x1x2x80xi32, #tpu.memory_space<hbm>>
    %dma_start3A_26 = tpu.memref_squeeze %dma_start3A_25 : memref<1x1x2x80xi32, #tpu.memory_space<hbm>> -> memref<2x80xi32, #tpu.memory_space<hbm>>
    tpu.enqueue_dma source(%dma_start3A_26 : memref<2x80xi32, #tpu.memory_space<hbm>>) target(%arg6 : memref<2x80xi32, #tpu.memory_space<vmem>>) target_semaphore(%arg15 : memref<!tpu.dma_semaphore, #tpu.memory_space<semaphore_mem>>)
    %dma_start3A_27 = arith.constant 1 : i32
    %dma_start3A_28 = arith.constant 0 : i32
    %dma_start3A_29 = arith.constant 0 : i32
    %dma_start3A_30 = tpu.memref_slice %arg3[%add3A, %dma_start3A_27, %dma_start3A_28, %dma_start3A_29] : memref<32x128x2x80xi32, #tpu.memory_space<hbm>> -> memref<1x1x2x80xi32, #tpu.memory_space<hbm>>
    %dma_start3A_31 = tpu.memref_squeeze %dma_start3A_30 : memref<1x1x2x80xi32, #tpu.memory_space<hbm>> -> memref<2x80xi32, #tpu.memory_space<hbm>>
    %dma_start3A_32 = arith.constant 0 : i32
    %dma_start3A_33 = arith.constant 0 : i32
    %dma_start3A_34 = tpu.memref_slice %arg3[%add3A, %dma_start3A_27, %dma_start3A_32, %dma_start3A_33] : memref<32x128x2x80xi32, #tpu.memory_space<hbm>> -> memref<1x1x2x80xi32, #tpu.memory_space<hbm>>
    %dma_start3A_35 = tpu.memref_squeeze %dma_start3A_34 : memref<1x1x2x80xi32, #tpu.memory_space<hbm>> -> memref<2x80xi32, #tpu.memory_space<hbm>>
    tpu.enqueue_dma source(%dma_start3A_35 : memref<2x80xi32, #tpu.memory_space<hbm>>) target(%arg7 : memref<2x80xi32, #tpu.memory_space<vmem>>) target_semaphore(%arg16 : memref<!tpu.dma_semaphore, #tpu.memory_space<semaphore_mem>>)
    %barrier3A = arith.constant 0 : index
    tpu.barrier barrier_id(%barrier3A)
    %dma_wait3A = arith.constant 0 : i32
    %dma_wait3A_36 = arith.constant 0 : i32
    %dma_wait3A_37 = arith.constant 0 : i32
    %dma_wait3A_38 = tpu.memref_slice %arg3[%add3A, %dma_wait3A, %dma_wait3A_36, %dma_wait3A_37] : memref<32x128x2x80xi32, #tpu.memory_space<hbm>> -> memref<1x1x2x80xi32, #tpu.memory_space<hbm>>
    %dma_wait3A_39 = tpu.memref_squeeze %dma_wait3A_38 : memref<1x1x2x80xi32, #tpu.memory_space<hbm>> -> memref<2x80xi32, #tpu.memory_space<hbm>>
    %dma_wait3A_40 = arith.constant 0 : i32
    %dma_wait3A_41 = arith.constant 0 : i32
    %dma_wait3A_42 = tpu.memref_slice %arg3[%add3A, %dma_wait3A, %dma_wait3A_40, %dma_wait3A_41] : memref<32x128x2x80xi32, #tpu.memory_space<hbm>> -> memref<1x1x2x80xi32, #tpu.memory_space<hbm>>
    %dma_wait3A_43 = tpu.memref_squeeze %dma_wait3A_42 : memref<1x1x2x80xi32, #tpu.memory_space<hbm>> -> memref<2x80xi32, #tpu.memory_space<hbm>>
    tpu.wait_dma2 semaphore(%arg15 : memref<!tpu.dma_semaphore, #tpu.memory_space<semaphore_mem>>) src(%dma_wait3A_43 : memref<2x80xi32, #tpu.memory_space<hbm>>) dst(%arg6 : memref<2x80xi32, #tpu.memory_space<vmem>>)
    %dma_start3A_44 = arith.constant 0 : i32
    %dma_start3A_45 = arith.constant 0 : i32
    %dma_start3A_46 = tpu.memref_slice %arg6[%dma_start3A_44, %dma_start3A_45] : memref<2x80xi32, #tpu.memory_space<vmem>> -> memref<1x80xi32, #tpu.memory_space<vmem>>
    %dma_start3A_47 = tpu.memref_squeeze %dma_start3A_46 : memref<1x80xi32, #tpu.memory_space<vmem>> -> memref<80xi32, #tpu.memory_space<vmem>>
    %dma_start3A_48 = arith.constant 0 : i32
    %dma_start3A_49 = arith.constant 0 : i32
    %dma_start3A_50 = tpu.memref_slice %arg2[%dma_start3A_48, %dma_start3A_49] : memref<10000x128xf32, #tpu.memory_space<hbm>> -> memref<10000x128xf32, #tpu.memory_space<hbm>>
    tpu.enqueue_indirect_dma source(%dma_start3A_50 : memref<10000x128xf32, #tpu.memory_space<hbm>>) target(%arg10 : memref<80x128xf32, #tpu.memory_space<vmem>>) offsets(%dma_start3A_47 : memref<80xi32, #tpu.memory_space<vmem>>) semaphore(%arg19 : memref<!tpu.dma_semaphore, #tpu.memory_space<semaphore_mem>>)
    %scan3A = arith.constant 0 : i32
    %scan3A_51 = arith.constant 0 : i32
    %scan3A_52 = arith.constant 32 : i32
    %scan3A_53 = arith.addi %scan3A_51, %scan3A_52 : i32
    %scan3A_54 = arith.constant 1 : i32
    scf.for %scan3A_71 = %scan3A_51 to %scan3A_53 step %scan3A_54  : i32 {
      %mul3A_72 = arith.constant 4 : i32
      %mul3A_73 = arith.muli %mul3A_72, %scan3A_71 : i32
      %add3A_74 = arith.constant 0 : i32
      %add3A_75 = arith.addi %mul3A_73, %add3A_74 : i32
      %dma_wait3A_76 = arith.constant 0 : i32
      %dma_wait3A_77 = arith.constant 0 : i32
      %dma_wait3A_78 = tpu.memref_slice %arg6[%dma_wait3A_76, %dma_wait3A_77] : memref<2x80xi32, #tpu.memory_space<vmem>> -> memref<1x80xi32, #tpu.memory_space<vmem>>
      %dma_wait3A_79 = tpu.memref_squeeze %dma_wait3A_78 : memref<1x80xi32, #tpu.memory_space<vmem>> -> memref<80xi32, #tpu.memory_space<vmem>>
      %dma_wait3A_80 = arith.constant 0 : i32
      %dma_wait3A_81 = arith.constant 0 : i32
      %dma_wait3A_82 = tpu.memref_slice %arg2[%dma_wait3A_80, %dma_wait3A_81] : memref<10000x128xf32, #tpu.memory_space<hbm>> -> memref<10000x128xf32, #tpu.memory_space<hbm>>
      tpu.wait_indirect_dma semaphore(%arg19 : memref<!tpu.dma_semaphore, #tpu.memory_space<semaphore_mem>>) src(%dma_wait3A_82 : memref<10000x128xf32, #tpu.memory_space<hbm>>) dst(%arg10 : memref<80x128xf32, #tpu.memory_space<vmem>>)
      %dma_start3A_83 = arith.constant 1 : i32
      %dma_start3A_84 = arith.constant 0 : i32
      %dma_start3A_85 = tpu.memref_slice %arg6[%dma_start3A_83, %dma_start3A_84] : memref<2x80xi32, #tpu.memory_space<vmem>> -> memref<1x80xi32, #tpu.memory_space<vmem>>
      %dma_start3A_86 = tpu.memref_squeeze %dma_start3A_85 : memref<1x80xi32, #tpu.memory_space<vmem>> -> memref<80xi32, #tpu.memory_space<vmem>>
      %dma_start3A_87 = arith.constant 0 : i32
      %dma_start3A_88 = arith.constant 0 : i32
      %dma_start3A_89 = tpu.memref_slice %arg14[%dma_start3A_87, %dma_start3A_88] : memref<10240x128xf32, #tpu.memory_space<vmem_shared>> -> memref<10240x128xf32, #tpu.memory_space<vmem_shared>>
      tpu.enqueue_indirect_dma source(%arg10 : memref<80x128xf32, #tpu.memory_space<vmem>>) target(%dma_start3A_89 : memref<10240x128xf32, #tpu.memory_space<vmem_shared>>) offsets(%dma_start3A_86 : memref<80xi32, #tpu.memory_space<vmem>>) semaphore(%arg23 : memref<!tpu.dma_semaphore, #tpu.memory_space<semaphore_mem>>) {add = true}
      %add3A_90 = arith.constant 1 : i32
      %add3A_91 = arith.addi %add3A_75, %add3A_90 : i32
      %lt3A = arith.constant 128 : i32
      %lt3A_92 = arith.cmpi slt, %add3A_91, %lt3A : i32
      %convert_element_type3A = arith.extui %lt3A_92 : i1 to i32
      %cond3A = arith.constant 0 : i32
      %cond3A_93 = arith.cmpi ne, %convert_element_type3A, %cond3A : i32
      scf.if %cond3A_93 {
        %add3A_191 = arith.constant 1 : i32
        %add3A_192 = arith.addi %add3A_75, %add3A_191 : i32
        %dma_wait3A_193 = arith.constant 0 : i32
        %dma_wait3A_194 = arith.constant 0 : i32
        %dma_wait3A_195 = tpu.memref_slice %arg3[%add3A, %add3A_192, %dma_wait3A_193, %dma_wait3A_194] : memref<32x128x2x80xi32, #tpu.memory_space<hbm>> -> memref<1x1x2x80xi32, #tpu.memory_space<hbm>>
        %dma_wait3A_196 = tpu.memref_squeeze %dma_wait3A_195 : memref<1x1x2x80xi32, #tpu.memory_space<hbm>> -> memref<2x80xi32, #tpu.memory_space<hbm>>
        %dma_wait3A_197 = arith.constant 0 : i32
        %dma_wait3A_198 = arith.constant 0 : i32
        %dma_wait3A_199 = tpu.memref_slice %arg3[%add3A, %add3A_192, %dma_wait3A_197, %dma_wait3A_198] : memref<32x128x2x80xi32, #tpu.memory_space<hbm>> -> memref<1x1x2x80xi32, #tpu.memory_space<hbm>>
        %dma_wait3A_200 = tpu.memref_squeeze %dma_wait3A_199 : memref<1x1x2x80xi32, #tpu.memory_space<hbm>> -> memref<2x80xi32, #tpu.memory_space<hbm>>
        tpu.wait_dma2 semaphore(%arg16 : memref<!tpu.dma_semaphore, #tpu.memory_space<semaphore_mem>>) src(%dma_wait3A_200 : memref<2x80xi32, #tpu.memory_space<hbm>>) dst(%arg7 : memref<2x80xi32, #tpu.memory_space<vmem>>)
        %dma_start3A_201 = arith.constant 0 : i32
        %dma_start3A_202 = arith.constant 0 : i32
        %dma_start3A_203 = tpu.memref_slice %arg7[%dma_start3A_201, %dma_start3A_202] : memref<2x80xi32, #tpu.memory_space<vmem>> -> memref<1x80xi32, #tpu.memory_space<vmem>>
        %dma_start3A_204 = tpu.memref_squeeze %dma_start3A_203 : memref<1x80xi32, #tpu.memory_space<vmem>> -> memref<80xi32, #tpu.memory_space<vmem>>
        %dma_start3A_205 = arith.constant 0 : i32
        %dma_start3A_206 = arith.constant 0 : i32
        %dma_start3A_207 = tpu.memref_slice %arg2[%dma_start3A_205, %dma_start3A_206] : memref<10000x128xf32, #tpu.memory_space<hbm>> -> memref<10000x128xf32, #tpu.memory_space<hbm>>
        tpu.enqueue_indirect_dma source(%dma_start3A_207 : memref<10000x128xf32, #tpu.memory_space<hbm>>) target(%arg11 : memref<80x128xf32, #tpu.memory_space<vmem>>) offsets(%dma_start3A_204 : memref<80xi32, #tpu.memory_space<vmem>>) semaphore(%arg20 : memref<!tpu.dma_semaphore, #tpu.memory_space<semaphore_mem>>)
      } else {
      }
      %add3A_94 = arith.constant 2 : i32
      %add3A_95 = arith.addi %add3A_75, %add3A_94 : i32
      %lt3A_96 = arith.constant 128 : i32
      %lt3A_97 = arith.cmpi slt, %add3A_95, %lt3A_96 : i32
      %convert_element_type3A_98 = arith.extui %lt3A_97 : i1 to i32
      %cond3A_99 = arith.constant 0 : i32
      %cond3A_100 = arith.cmpi ne, %convert_element_type3A_98, %cond3A_99 : i32
      scf.if %cond3A_100 {
        %ge3A = arith.constant 2 : i32
        %ge3A_191 = arith.cmpi sge, %add3A_75, %ge3A : i32
        %convert_element_type3A_192 = arith.extui %ge3A_191 : i1 to i32
        %cond3A_193 = arith.constant 0 : i32
        %cond3A_194 = arith.cmpi ne, %convert_element_type3A_192, %cond3A_193 : i32
        scf.if %cond3A_194 {
          %dma_wait3A_205 = arith.constant 1 : i32
          %dma_wait3A_206 = arith.constant 0 : i32
          %dma_wait3A_207 = tpu.memref_slice %arg8[%dma_wait3A_205, %dma_wait3A_206] : memref<2x80xi32, #tpu.memory_space<vmem>> -> memref<1x80xi32, #tpu.memory_space<vmem>>
          %dma_wait3A_208 = tpu.memref_squeeze %dma_wait3A_207 : memref<1x80xi32, #tpu.memory_space<vmem>> -> memref<80xi32, #tpu.memory_space<vmem>>
          %dma_wait3A_209 = arith.constant 0 : i32
          %dma_wait3A_210 = arith.constant 0 : i32
          %dma_wait3A_211 = tpu.memref_slice %arg14[%dma_wait3A_209, %dma_wait3A_210] : memref<10240x128xf32, #tpu.memory_space<vmem_shared>> -> memref<10240x128xf32, #tpu.memory_space<vmem_shared>>
          tpu.wait_indirect_dma semaphore(%arg25 : memref<!tpu.dma_semaphore, #tpu.memory_space<semaphore_mem>>) src(%arg12 : memref<80x128xf32, #tpu.memory_space<vmem>>) dst(%dma_wait3A_211 : memref<10240x128xf32, #tpu.memory_space<vmem_shared>>)
        } else {
        }
        %add3A_195 = arith.constant 2 : i32
        %add3A_196 = arith.addi %add3A_75, %add3A_195 : i32
        %dma_start3A_197 = arith.constant 0 : i32
        %dma_start3A_198 = arith.constant 0 : i32
        %dma_start3A_199 = tpu.memref_slice %arg3[%add3A, %add3A_196, %dma_start3A_197, %dma_start3A_198] : memref<32x128x2x80xi32, #tpu.memory_space<hbm>> -> memref<1x1x2x80xi32, #tpu.memory_space<hbm>>
        %dma_start3A_200 = tpu.memref_squeeze %dma_start3A_199 : memref<1x1x2x80xi32, #tpu.memory_space<hbm>> -> memref<2x80xi32, #tpu.memory_space<hbm>>
        %dma_start3A_201 = arith.constant 0 : i32
        %dma_start3A_202 = arith.constant 0 : i32
        %dma_start3A_203 = tpu.memref_slice %arg3[%add3A, %add3A_196, %dma_start3A_201, %dma_start3A_202] : memref<32x128x2x80xi32, #tpu.memory_space<hbm>> -> memref<1x1x2x80xi32, #tpu.memory_space<hbm>>
        %dma_start3A_204 = tpu.memref_squeeze %dma_start3A_203 : memref<1x1x2x80xi32, #tpu.memory_space<hbm>> -> memref<2x80xi32, #tpu.memory_space<hbm>>
        tpu.enqueue_dma source(%dma_start3A_204 : memref<2x80xi32, #tpu.memory_space<hbm>>) target(%arg8 : memref<2x80xi32, #tpu.memory_space<vmem>>) target_semaphore(%arg17 : memref<!tpu.dma_semaphore, #tpu.memory_space<semaphore_mem>>)
      } else {
      }
      %add3A_101 = arith.constant 1 : i32
      %add3A_102 = arith.addi %mul3A_73, %add3A_101 : i32
      %dma_wait3A_103 = arith.constant 0 : i32
      %dma_wait3A_104 = arith.constant 0 : i32
      %dma_wait3A_105 = tpu.memref_slice %arg7[%dma_wait3A_103, %dma_wait3A_104] : memref<2x80xi32, #tpu.memory_space<vmem>> -> memref<1x80xi32, #tpu.memory_space<vmem>>
      %dma_wait3A_106 = tpu.memref_squeeze %dma_wait3A_105 : memref<1x80xi32, #tpu.memory_space<vmem>> -> memref<80xi32, #tpu.memory_space<vmem>>
      %dma_wait3A_107 = arith.constant 0 : i32
      %dma_wait3A_108 = arith.constant 0 : i32
      %dma_wait3A_109 = tpu.memref_slice %arg2[%dma_wait3A_107, %dma_wait3A_108] : memref<10000x128xf32, #tpu.memory_space<hbm>> -> memref<10000x128xf32, #tpu.memory_space<hbm>>
      tpu.wait_indirect_dma semaphore(%arg20 : memref<!tpu.dma_semaphore, #tpu.memory_space<semaphore_mem>>) src(%dma_wait3A_109 : memref<10000x128xf32, #tpu.memory_space<hbm>>) dst(%arg11 : memref<80x128xf32, #tpu.memory_space<vmem>>)
      %dma_start3A_110 = arith.constant 1 : i32
      %dma_start3A_111 = arith.constant 0 : i32
      %dma_start3A_112 = tpu.memref_slice %arg7[%dma_start3A_110, %dma_start3A_111] : memref<2x80xi32, #tpu.memory_space<vmem>> -> memref<1x80xi32, #tpu.memory_space<vmem>>
      %dma_start3A_113 = tpu.memref_squeeze %dma_start3A_112 : memref<1x80xi32, #tpu.memory_space<vmem>> -> memref<80xi32, #tpu.memory_space<vmem>>
      %dma_start3A_114 = arith.constant 0 : i32
      %dma_start3A_115 = arith.constant 0 : i32
      %dma_start3A_116 = tpu.memref_slice %arg14[%dma_start3A_114, %dma_start3A_115] : memref<10240x128xf32, #tpu.memory_space<vmem_shared>> -> memref<10240x128xf32, #tpu.memory_space<vmem_shared>>
      tpu.enqueue_indirect_dma source(%arg11 : memref<80x128xf32, #tpu.memory_space<vmem>>) target(%dma_start3A_116 : memref<10240x128xf32, #tpu.memory_space<vmem_shared>>) offsets(%dma_start3A_113 : memref<80xi32, #tpu.memory_space<vmem>>) semaphore(%arg24 : memref<!tpu.dma_semaphore, #tpu.memory_space<semaphore_mem>>) {add = true}
      %add3A_117 = arith.constant 1 : i32
      %add3A_118 = arith.addi %add3A_102, %add3A_117 : i32
      %lt3A_119 = arith.constant 128 : i32
      %lt3A_120 = arith.cmpi slt, %add3A_118, %lt3A_119 : i32
      %convert_element_type3A_121 = arith.extui %lt3A_120 : i1 to i32
      %cond3A_122 = arith.constant 0 : i32
      %cond3A_123 = arith.cmpi ne, %convert_element_type3A_121, %cond3A_122 : i32
      scf.if %cond3A_123 {
        %add3A_191 = arith.constant 1 : i32
        %add3A_192 = arith.addi %add3A_102, %add3A_191 : i32
        %dma_wait3A_193 = arith.constant 0 : i32
        %dma_wait3A_194 = arith.constant 0 : i32
        %dma_wait3A_195 = tpu.memref_slice %arg3[%add3A, %add3A_192, %dma_wait3A_193, %dma_wait3A_194] : memref<32x128x2x80xi32, #tpu.memory_space<hbm>> -> memref<1x1x2x80xi32, #tpu.memory_space<hbm>>
        %dma_wait3A_196 = tpu.memref_squeeze %dma_wait3A_195 : memref<1x1x2x80xi32, #tpu.memory_space<hbm>> -> memref<2x80xi32, #tpu.memory_space<hbm>>
        %dma_wait3A_197 = arith.constant 0 : i32
        %dma_wait3A_198 = arith.constant 0 : i32
        %dma_wait3A_199 = tpu.memref_slice %arg3[%add3A, %add3A_192, %dma_wait3A_197, %dma_wait3A_198] : memref<32x128x2x80xi32, #tpu.memory_space<hbm>> -> memref<1x1x2x80xi32, #tpu.memory_space<hbm>>
        %dma_wait3A_200 = tpu.memref_squeeze %dma_wait3A_199 : memref<1x1x2x80xi32, #tpu.memory_space<hbm>> -> memref<2x80xi32, #tpu.memory_space<hbm>>
        tpu.wait_dma2 semaphore(%arg17 : memref<!tpu.dma_semaphore, #tpu.memory_space<semaphore_mem>>) src(%dma_wait3A_200 : memref<2x80xi32, #tpu.memory_space<hbm>>) dst(%arg8 : memref<2x80xi32, #tpu.memory_space<vmem>>)
        %dma_start3A_201 = arith.constant 0 : i32
        %dma_start3A_202 = arith.constant 0 : i32
        %dma_start3A_203 = tpu.memref_slice %arg8[%dma_start3A_201, %dma_start3A_202] : memref<2x80xi32, #tpu.memory_space<vmem>> -> memref<1x80xi32, #tpu.memory_space<vmem>>
        %dma_start3A_204 = tpu.memref_squeeze %dma_start3A_203 : memref<1x80xi32, #tpu.memory_space<vmem>> -> memref<80xi32, #tpu.memory_space<vmem>>
        %dma_start3A_205 = arith.constant 0 : i32
        %dma_start3A_206 = arith.constant 0 : i32
        %dma_start3A_207 = tpu.memref_slice %arg2[%dma_start3A_205, %dma_start3A_206] : memref<10000x128xf32, #tpu.memory_space<hbm>> -> memref<10000x128xf32, #tpu.memory_space<hbm>>
        tpu.enqueue_indirect_dma source(%dma_start3A_207 : memref<10000x128xf32, #tpu.memory_space<hbm>>) target(%arg12 : memref<80x128xf32, #tpu.memory_space<vmem>>) offsets(%dma_start3A_204 : memref<80xi32, #tpu.memory_space<vmem>>) semaphore(%arg21 : memref<!tpu.dma_semaphore, #tpu.memory_space<semaphore_mem>>)
      } else {
      }
      %add3A_124 = arith.constant 2 : i32
      %add3A_125 = arith.addi %add3A_102, %add3A_124 : i32
      %lt3A_126 = arith.constant 128 : i32
      %lt3A_127 = arith.cmpi slt, %add3A_125, %lt3A_126 : i32
      %convert_element_type3A_128 = arith.extui %lt3A_127 : i1 to i32
      %cond3A_129 = arith.constant 0 : i32
      %cond3A_130 = arith.cmpi ne, %convert_element_type3A_128, %cond3A_129 : i32
      scf.if %cond3A_130 {
        %ge3A = arith.constant 2 : i32
        %ge3A_191 = arith.cmpi sge, %add3A_102, %ge3A : i32
        %convert_element_type3A_192 = arith.extui %ge3A_191 : i1 to i32
        %cond3A_193 = arith.constant 0 : i32
        %cond3A_194 = arith.cmpi ne, %convert_element_type3A_192, %cond3A_193 : i32
        scf.if %cond3A_194 {
          %dma_wait3A_205 = arith.constant 1 : i32
          %dma_wait3A_206 = arith.constant 0 : i32
          %dma_wait3A_207 = tpu.memref_slice %arg9[%dma_wait3A_205, %dma_wait3A_206] : memref<2x80xi32, #tpu.memory_space<vmem>> -> memref<1x80xi32, #tpu.memory_space<vmem>>
          %dma_wait3A_208 = tpu.memref_squeeze %dma_wait3A_207 : memref<1x80xi32, #tpu.memory_space<vmem>> -> memref<80xi32, #tpu.memory_space<vmem>>
          %dma_wait3A_209 = arith.constant 0 : i32
          %dma_wait3A_210 = arith.constant 0 : i32
          %dma_wait3A_211 = tpu.memref_slice %arg14[%dma_wait3A_209, %dma_wait3A_210] : memref<10240x128xf32, #tpu.memory_space<vmem_shared>> -> memref<10240x128xf32, #tpu.memory_space<vmem_shared>>
          tpu.wait_indirect_dma semaphore(%arg26 : memref<!tpu.dma_semaphore, #tpu.memory_space<semaphore_mem>>) src(%arg13 : memref<80x128xf32, #tpu.memory_space<vmem>>) dst(%dma_wait3A_211 : memref<10240x128xf32, #tpu.memory_space<vmem_shared>>)
        } else {
        }
        %add3A_195 = arith.constant 2 : i32
        %add3A_196 = arith.addi %add3A_102, %add3A_195 : i32
        %dma_start3A_197 = arith.constant 0 : i32
        %dma_start3A_198 = arith.constant 0 : i32
        %dma_start3A_199 = tpu.memref_slice %arg3[%add3A, %add3A_196, %dma_start3A_197, %dma_start3A_198] : memref<32x128x2x80xi32, #tpu.memory_space<hbm>> -> memref<1x1x2x80xi32, #tpu.memory_space<hbm>>
        %dma_start3A_200 = tpu.memref_squeeze %dma_start3A_199 : memref<1x1x2x80xi32, #tpu.memory_space<hbm>> -> memref<2x80xi32, #tpu.memory_space<hbm>>
        %dma_start3A_201 = arith.constant 0 : i32
        %dma_start3A_202 = arith.constant 0 : i32
        %dma_start3A_203 = tpu.memref_slice %arg3[%add3A, %add3A_196, %dma_start3A_201, %dma_start3A_202] : memref<32x128x2x80xi32, #tpu.memory_space<hbm>> -> memref<1x1x2x80xi32, #tpu.memory_space<hbm>>
        %dma_start3A_204 = tpu.memref_squeeze %dma_start3A_203 : memref<1x1x2x80xi32, #tpu.memory_space<hbm>> -> memref<2x80xi32, #tpu.memory_space<hbm>>
        tpu.enqueue_dma source(%dma_start3A_204 : memref<2x80xi32, #tpu.memory_space<hbm>>) target(%arg9 : memref<2x80xi32, #tpu.memory_space<vmem>>) target_semaphore(%arg18 : memref<!tpu.dma_semaphore, #tpu.memory_space<semaphore_mem>>)
      } else {
      }
      %add3A_131 = arith.constant 2 : i32
      %add3A_132 = arith.addi %mul3A_73, %add3A_131 : i32
      %dma_wait3A_133 = arith.constant 0 : i32
      %dma_wait3A_134 = arith.constant 0 : i32
      %dma_wait3A_135 = tpu.memref_slice %arg8[%dma_wait3A_133, %dma_wait3A_134] : memref<2x80xi32, #tpu.memory_space<vmem>> -> memref<1x80xi32, #tpu.memory_space<vmem>>
      %dma_wait3A_136 = tpu.memref_squeeze %dma_wait3A_135 : memref<1x80xi32, #tpu.memory_space<vmem>> -> memref<80xi32, #tpu.memory_space<vmem>>
      %dma_wait3A_137 = arith.constant 0 : i32
      %dma_wait3A_138 = arith.constant 0 : i32
      %dma_wait3A_139 = tpu.memref_slice %arg2[%dma_wait3A_137, %dma_wait3A_138] : memref<10000x128xf32, #tpu.memory_space<hbm>> -> memref<10000x128xf32, #tpu.memory_space<hbm>>
      tpu.wait_indirect_dma semaphore(%arg21 : memref<!tpu.dma_semaphore, #tpu.memory_space<semaphore_mem>>) src(%dma_wait3A_139 : memref<10000x128xf32, #tpu.memory_space<hbm>>) dst(%arg12 : memref<80x128xf32, #tpu.memory_space<vmem>>)
      %dma_start3A_140 = arith.constant 1 : i32
      %dma_start3A_141 = arith.constant 0 : i32
      %dma_start3A_142 = tpu.memref_slice %arg8[%dma_start3A_140, %dma_start3A_141] : memref<2x80xi32, #tpu.memory_space<vmem>> -> memref<1x80xi32, #tpu.memory_space<vmem>>
      %dma_start3A_143 = tpu.memref_squeeze %dma_start3A_142 : memref<1x80xi32, #tpu.memory_space<vmem>> -> memref<80xi32, #tpu.memory_space<vmem>>
      %dma_start3A_144 = arith.constant 0 : i32
      %dma_start3A_145 = arith.constant 0 : i32
      %dma_start3A_146 = tpu.memref_slice %arg14[%dma_start3A_144, %dma_start3A_145] : memref<10240x128xf32, #tpu.memory_space<vmem_shared>> -> memref<10240x128xf32, #tpu.memory_space<vmem_shared>>
      tpu.enqueue_indirect_dma source(%arg12 : memref<80x128xf32, #tpu.memory_space<vmem>>) target(%dma_start3A_146 : memref<10240x128xf32, #tpu.memory_space<vmem_shared>>) offsets(%dma_start3A_143 : memref<80xi32, #tpu.memory_space<vmem>>) semaphore(%arg25 : memref<!tpu.dma_semaphore, #tpu.memory_space<semaphore_mem>>) {add = true}
      %add3A_147 = arith.constant 1 : i32
      %add3A_148 = arith.addi %add3A_132, %add3A_147 : i32
      %lt3A_149 = arith.constant 128 : i32
      %lt3A_150 = arith.cmpi slt, %add3A_148, %lt3A_149 : i32
      %convert_element_type3A_151 = arith.extui %lt3A_150 : i1 to i32
      %cond3A_152 = arith.constant 0 : i32
      %cond3A_153 = arith.cmpi ne, %convert_element_type3A_151, %cond3A_152 : i32
      scf.if %cond3A_153 {
        %add3A_191 = arith.constant 1 : i32
        %add3A_192 = arith.addi %add3A_132, %add3A_191 : i32
        %dma_wait3A_193 = arith.constant 0 : i32
        %dma_wait3A_194 = arith.constant 0 : i32
        %dma_wait3A_195 = tpu.memref_slice %arg3[%add3A, %add3A_192, %dma_wait3A_193, %dma_wait3A_194] : memref<32x128x2x80xi32, #tpu.memory_space<hbm>> -> memref<1x1x2x80xi32, #tpu.memory_space<hbm>>
        %dma_wait3A_196 = tpu.memref_squeeze %dma_wait3A_195 : memref<1x1x2x80xi32, #tpu.memory_space<hbm>> -> memref<2x80xi32, #tpu.memory_space<hbm>>
        %dma_wait3A_197 = arith.constant 0 : i32
        %dma_wait3A_198 = arith.constant 0 : i32
        %dma_wait3A_199 = tpu.memref_slice %arg3[%add3A, %add3A_192, %dma_wait3A_197, %dma_wait3A_198] : memref<32x128x2x80xi32, #tpu.memory_space<hbm>> -> memref<1x1x2x80xi32, #tpu.memory_space<hbm>>
        %dma_wait3A_200 = tpu.memref_squeeze %dma_wait3A_199 : memref<1x1x2x80xi32, #tpu.memory_space<hbm>> -> memref<2x80xi32, #tpu.memory_space<hbm>>
        tpu.wait_dma2 semaphore(%arg18 : memref<!tpu.dma_semaphore, #tpu.memory_space<semaphore_mem>>) src(%dma_wait3A_200 : memref<2x80xi32, #tpu.memory_space<hbm>>) dst(%arg9 : memref<2x80xi32, #tpu.memory_space<vmem>>)
        %dma_start3A_201 = arith.constant 0 : i32
        %dma_start3A_202 = arith.constant 0 : i32
        %dma_start3A_203 = tpu.memref_slice %arg9[%dma_start3A_201, %dma_start3A_202] : memref<2x80xi32, #tpu.memory_space<vmem>> -> memref<1x80xi32, #tpu.memory_space<vmem>>
        %dma_start3A_204 = tpu.memref_squeeze %dma_start3A_203 : memref<1x80xi32, #tpu.memory_space<vmem>> -> memref<80xi32, #tpu.memory_space<vmem>>
        %dma_start3A_205 = arith.constant 0 : i32
        %dma_start3A_206 = arith.constant 0 : i32
        %dma_start3A_207 = tpu.memref_slice %arg2[%dma_start3A_205, %dma_start3A_206] : memref<10000x128xf32, #tpu.memory_space<hbm>> -> memref<10000x128xf32, #tpu.memory_space<hbm>>
        tpu.enqueue_indirect_dma source(%dma_start3A_207 : memref<10000x128xf32, #tpu.memory_space<hbm>>) target(%arg13 : memref<80x128xf32, #tpu.memory_space<vmem>>) offsets(%dma_start3A_204 : memref<80xi32, #tpu.memory_space<vmem>>) semaphore(%arg22 : memref<!tpu.dma_semaphore, #tpu.memory_space<semaphore_mem>>)
      } else {
      }
      %add3A_154 = arith.constant 2 : i32
      %add3A_155 = arith.addi %add3A_132, %add3A_154 : i32
      %lt3A_156 = arith.constant 128 : i32
      %lt3A_157 = arith.cmpi slt, %add3A_155, %lt3A_156 : i32
      %convert_element_type3A_158 = arith.extui %lt3A_157 : i1 to i32
      %cond3A_159 = arith.constant 0 : i32
      %cond3A_160 = arith.cmpi ne, %convert_element_type3A_158, %cond3A_159 : i32
      scf.if %cond3A_160 {
        %ge3A = arith.constant 2 : i32
        %ge3A_191 = arith.cmpi sge, %add3A_132, %ge3A : i32
        %convert_element_type3A_192 = arith.extui %ge3A_191 : i1 to i32
        %cond3A_193 = arith.constant 0 : i32
        %cond3A_194 = arith.cmpi ne, %convert_element_type3A_192, %cond3A_193 : i32
        scf.if %cond3A_194 {
          %dma_wait3A_205 = arith.constant 1 : i32
          %dma_wait3A_206 = arith.constant 0 : i32
          %dma_wait3A_207 = tpu.memref_slice %arg6[%dma_wait3A_205, %dma_wait3A_206] : memref<2x80xi32, #tpu.memory_space<vmem>> -> memref<1x80xi32, #tpu.memory_space<vmem>>
          %dma_wait3A_208 = tpu.memref_squeeze %dma_wait3A_207 : memref<1x80xi32, #tpu.memory_space<vmem>> -> memref<80xi32, #tpu.memory_space<vmem>>
          %dma_wait3A_209 = arith.constant 0 : i32
          %dma_wait3A_210 = arith.constant 0 : i32
          %dma_wait3A_211 = tpu.memref_slice %arg14[%dma_wait3A_209, %dma_wait3A_210] : memref<10240x128xf32, #tpu.memory_space<vmem_shared>> -> memref<10240x128xf32, #tpu.memory_space<vmem_shared>>
          tpu.wait_indirect_dma semaphore(%arg23 : memref<!tpu.dma_semaphore, #tpu.memory_space<semaphore_mem>>) src(%arg10 : memref<80x128xf32, #tpu.memory_space<vmem>>) dst(%dma_wait3A_211 : memref<10240x128xf32, #tpu.memory_space<vmem_shared>>)
        } else {
        }
        %add3A_195 = arith.constant 2 : i32
        %add3A_196 = arith.addi %add3A_132, %add3A_195 : i32
        %dma_start3A_197 = arith.constant 0 : i32
        %dma_start3A_198 = arith.constant 0 : i32
        %dma_start3A_199 = tpu.memref_slice %arg3[%add3A, %add3A_196, %dma_start3A_197, %dma_start3A_198] : memref<32x128x2x80xi32, #tpu.memory_space<hbm>> -> memref<1x1x2x80xi32, #tpu.memory_space<hbm>>
        %dma_start3A_200 = tpu.memref_squeeze %dma_start3A_199 : memref<1x1x2x80xi32, #tpu.memory_space<hbm>> -> memref<2x80xi32, #tpu.memory_space<hbm>>
        %dma_start3A_201 = arith.constant 0 : i32
        %dma_start3A_202 = arith.constant 0 : i32
        %dma_start3A_203 = tpu.memref_slice %arg3[%add3A, %add3A_196, %dma_start3A_201, %dma_start3A_202] : memref<32x128x2x80xi32, #tpu.memory_space<hbm>> -> memref<1x1x2x80xi32, #tpu.memory_space<hbm>>
        %dma_start3A_204 = tpu.memref_squeeze %dma_start3A_203 : memref<1x1x2x80xi32, #tpu.memory_space<hbm>> -> memref<2x80xi32, #tpu.memory_space<hbm>>
        tpu.enqueue_dma source(%dma_start3A_204 : memref<2x80xi32, #tpu.memory_space<hbm>>) target(%arg6 : memref<2x80xi32, #tpu.memory_space<vmem>>) target_semaphore(%arg15 : memref<!tpu.dma_semaphore, #tpu.memory_space<semaphore_mem>>)
      } else {
      }
      %add3A_161 = arith.constant 3 : i32
      %add3A_162 = arith.addi %mul3A_73, %add3A_161 : i32
      %dma_wait3A_163 = arith.constant 0 : i32
      %dma_wait3A_164 = arith.constant 0 : i32
      %dma_wait3A_165 = tpu.memref_slice %arg9[%dma_wait3A_163, %dma_wait3A_164] : memref<2x80xi32, #tpu.memory_space<vmem>> -> memref<1x80xi32, #tpu.memory_space<vmem>>
      %dma_wait3A_166 = tpu.memref_squeeze %dma_wait3A_165 : memref<1x80xi32, #tpu.memory_space<vmem>> -> memref<80xi32, #tpu.memory_space<vmem>>
      %dma_wait3A_167 = arith.constant 0 : i32
      %dma_wait3A_168 = arith.constant 0 : i32
      %dma_wait3A_169 = tpu.memref_slice %arg2[%dma_wait3A_167, %dma_wait3A_168] : memref<10000x128xf32, #tpu.memory_space<hbm>> -> memref<10000x128xf32, #tpu.memory_space<hbm>>
      tpu.wait_indirect_dma semaphore(%arg22 : memref<!tpu.dma_semaphore, #tpu.memory_space<semaphore_mem>>) src(%dma_wait3A_169 : memref<10000x128xf32, #tpu.memory_space<hbm>>) dst(%arg13 : memref<80x128xf32, #tpu.memory_space<vmem>>)
      %dma_start3A_170 = arith.constant 1 : i32
      %dma_start3A_171 = arith.constant 0 : i32
      %dma_start3A_172 = tpu.memref_slice %arg9[%dma_start3A_170, %dma_start3A_171] : memref<2x80xi32, #tpu.memory_space<vmem>> -> memref<1x80xi32, #tpu.memory_space<vmem>>
      %dma_start3A_173 = tpu.memref_squeeze %dma_start3A_172 : memref<1x80xi32, #tpu.memory_space<vmem>> -> memref<80xi32, #tpu.memory_space<vmem>>
      %dma_start3A_174 = arith.constant 0 : i32
      %dma_start3A_175 = arith.constant 0 : i32
      %dma_start3A_176 = tpu.memref_slice %arg14[%dma_start3A_174, %dma_start3A_175] : memref<10240x128xf32, #tpu.memory_space<vmem_shared>> -> memref<10240x128xf32, #tpu.memory_space<vmem_shared>>
      tpu.enqueue_indirect_dma source(%arg13 : memref<80x128xf32, #tpu.memory_space<vmem>>) target(%dma_start3A_176 : memref<10240x128xf32, #tpu.memory_space<vmem_shared>>) offsets(%dma_start3A_173 : memref<80xi32, #tpu.memory_space<vmem>>) semaphore(%arg26 : memref<!tpu.dma_semaphore, #tpu.memory_space<semaphore_mem>>) {add = true}
      %add3A_177 = arith.constant 1 : i32
      %add3A_178 = arith.addi %add3A_162, %add3A_177 : i32
      %lt3A_179 = arith.constant 128 : i32
      %lt3A_180 = arith.cmpi slt, %add3A_178, %lt3A_179 : i32
      %convert_element_type3A_181 = arith.extui %lt3A_180 : i1 to i32
      %cond3A_182 = arith.constant 0 : i32
      %cond3A_183 = arith.cmpi ne, %convert_element_type3A_181, %cond3A_182 : i32
      scf.if %cond3A_183 {
        %add3A_191 = arith.constant 1 : i32
        %add3A_192 = arith.addi %add3A_162, %add3A_191 : i32
        %dma_wait3A_193 = arith.constant 0 : i32
        %dma_wait3A_194 = arith.constant 0 : i32
        %dma_wait3A_195 = tpu.memref_slice %arg3[%add3A, %add3A_192, %dma_wait3A_193, %dma_wait3A_194] : memref<32x128x2x80xi32, #tpu.memory_space<hbm>> -> memref<1x1x2x80xi32, #tpu.memory_space<hbm>>
        %dma_wait3A_196 = tpu.memref_squeeze %dma_wait3A_195 : memref<1x1x2x80xi32, #tpu.memory_space<hbm>> -> memref<2x80xi32, #tpu.memory_space<hbm>>
        %dma_wait3A_197 = arith.constant 0 : i32
        %dma_wait3A_198 = arith.constant 0 : i32
        %dma_wait3A_199 = tpu.memref_slice %arg3[%add3A, %add3A_192, %dma_wait3A_197, %dma_wait3A_198] : memref<32x128x2x80xi32, #tpu.memory_space<hbm>> -> memref<1x1x2x80xi32, #tpu.memory_space<hbm>>
        %dma_wait3A_200 = tpu.memref_squeeze %dma_wait3A_199 : memref<1x1x2x80xi32, #tpu.memory_space<hbm>> -> memref<2x80xi32, #tpu.memory_space<hbm>>
        tpu.wait_dma2 semaphore(%arg15 : memref<!tpu.dma_semaphore, #tpu.memory_space<semaphore_mem>>) src(%dma_wait3A_200 : memref<2x80xi32, #tpu.memory_space<hbm>>) dst(%arg6 : memref<2x80xi32, #tpu.memory_space<vmem>>)
        %dma_start3A_201 = arith.constant 0 : i32
        %dma_start3A_202 = arith.constant 0 : i32
        %dma_start3A_203 = tpu.memref_slice %arg6[%dma_start3A_201, %dma_start3A_202] : memref<2x80xi32, #tpu.memory_space<vmem>> -> memref<1x80xi32, #tpu.memory_space<vmem>>
        %dma_start3A_204 = tpu.memref_squeeze %dma_start3A_203 : memref<1x80xi32, #tpu.memory_space<vmem>> -> memref<80xi32, #tpu.memory_space<vmem>>
        %dma_start3A_205 = arith.constant 0 : i32
        %dma_start3A_206 = arith.constant 0 : i32
        %dma_start3A_207 = tpu.memref_slice %arg2[%dma_start3A_205, %dma_start3A_206] : memref<10000x128xf32, #tpu.memory_space<hbm>> -> memref<10000x128xf32, #tpu.memory_space<hbm>>
        tpu.enqueue_indirect_dma source(%dma_start3A_207 : memref<10000x128xf32, #tpu.memory_space<hbm>>) target(%arg10 : memref<80x128xf32, #tpu.memory_space<vmem>>) offsets(%dma_start3A_204 : memref<80xi32, #tpu.memory_space<vmem>>) semaphore(%arg19 : memref<!tpu.dma_semaphore, #tpu.memory_space<semaphore_mem>>)
      } else {
      }
      %add3A_184 = arith.constant 2 : i32
      %add3A_185 = arith.addi %add3A_162, %add3A_184 : i32
      %lt3A_186 = arith.constant 128 : i32
      %lt3A_187 = arith.cmpi slt, %add3A_185, %lt3A_186 : i32
      %convert_element_type3A_188 = arith.extui %lt3A_187 : i1 to i32
      %cond3A_189 = arith.constant 0 : i32
      %cond3A_190 = arith.cmpi ne, %convert_element_type3A_188, %cond3A_189 : i32
      scf.if %cond3A_190 {
        %ge3A = arith.constant 2 : i32
        %ge3A_191 = arith.cmpi sge, %add3A_162, %ge3A : i32
        %convert_element_type3A_192 = arith.extui %ge3A_191 : i1 to i32
        %cond3A_193 = arith.constant 0 : i32
        %cond3A_194 = arith.cmpi ne, %convert_element_type3A_192, %cond3A_193 : i32
        scf.if %cond3A_194 {
          %dma_wait3A_205 = arith.constant 1 : i32
          %dma_wait3A_206 = arith.constant 0 : i32
          %dma_wait3A_207 = tpu.memref_slice %arg7[%dma_wait3A_205, %dma_wait3A_206] : memref<2x80xi32, #tpu.memory_space<vmem>> -> memref<1x80xi32, #tpu.memory_space<vmem>>
          %dma_wait3A_208 = tpu.memref_squeeze %dma_wait3A_207 : memref<1x80xi32, #tpu.memory_space<vmem>> -> memref<80xi32, #tpu.memory_space<vmem>>
          %dma_wait3A_209 = arith.constant 0 : i32
          %dma_wait3A_210 = arith.constant 0 : i32
          %dma_wait3A_211 = tpu.memref_slice %arg14[%dma_wait3A_209, %dma_wait3A_210] : memref<10240x128xf32, #tpu.memory_space<vmem_shared>> -> memref<10240x128xf32, #tpu.memory_space<vmem_shared>>
          tpu.wait_indirect_dma semaphore(%arg24 : memref<!tpu.dma_semaphore, #tpu.memory_space<semaphore_mem>>) src(%arg11 : memref<80x128xf32, #tpu.memory_space<vmem>>) dst(%dma_wait3A_211 : memref<10240x128xf32, #tpu.memory_space<vmem_shared>>)
        } else {
        }
        %add3A_195 = arith.constant 2 : i32
        %add3A_196 = arith.addi %add3A_162, %add3A_195 : i32
        %dma_start3A_197 = arith.constant 0 : i32
        %dma_start3A_198 = arith.constant 0 : i32
        %dma_start3A_199 = tpu.memref_slice %arg3[%add3A, %add3A_196, %dma_start3A_197, %dma_start3A_198] : memref<32x128x2x80xi32, #tpu.memory_space<hbm>> -> memref<1x1x2x80xi32, #tpu.memory_space<hbm>>
        %dma_start3A_200 = tpu.memref_squeeze %dma_start3A_199 : memref<1x1x2x80xi32, #tpu.memory_space<hbm>> -> memref<2x80xi32, #tpu.memory_space<hbm>>
        %dma_start3A_201 = arith.constant 0 : i32
        %dma_start3A_202 = arith.constant 0 : i32
        %dma_start3A_203 = tpu.memref_slice %arg3[%add3A, %add3A_196, %dma_start3A_201, %dma_start3A_202] : memref<32x128x2x80xi32, #tpu.memory_space<hbm>> -> memref<1x1x2x80xi32, #tpu.memory_space<hbm>>
        %dma_start3A_204 = tpu.memref_squeeze %dma_start3A_203 : memref<1x1x2x80xi32, #tpu.memory_space<hbm>> -> memref<2x80xi32, #tpu.memory_space<hbm>>
        tpu.enqueue_dma source(%dma_start3A_204 : memref<2x80xi32, #tpu.memory_space<hbm>>) target(%arg7 : memref<2x80xi32, #tpu.memory_space<vmem>>) target_semaphore(%arg16 : memref<!tpu.dma_semaphore, #tpu.memory_space<semaphore_mem>>)
      } else {
      }
    }
    %scan3A_55 = arith.constant 32 : i32
    %dma_wait3A_56 = arith.constant 1 : i32
    %dma_wait3A_57 = arith.constant 0 : i32
    %dma_wait3A_58 = tpu.memref_slice %arg8[%dma_wait3A_56, %dma_wait3A_57] : memref<2x80xi32, #tpu.memory_space<vmem>> -> memref<1x80xi32, #tpu.memory_space<vmem>>
    %dma_wait3A_59 = tpu.memref_squeeze %dma_wait3A_58 : memref<1x80xi32, #tpu.memory_space<vmem>> -> memref<80xi32, #tpu.memory_space<vmem>>
    %dma_wait3A_60 = arith.constant 0 : i32
    %dma_wait3A_61 = arith.constant 0 : i32
    %dma_wait3A_62 = tpu.memref_slice %arg14[%dma_wait3A_60, %dma_wait3A_61] : memref<10240x128xf32, #tpu.memory_space<vmem_shared>> -> memref<10240x128xf32, #tpu.memory_space<vmem_shared>>
    tpu.wait_indirect_dma semaphore(%arg25 : memref<!tpu.dma_semaphore, #tpu.memory_space<semaphore_mem>>) src(%arg12 : memref<80x128xf32, #tpu.memory_space<vmem>>) dst(%dma_wait3A_62 : memref<10240x128xf32, #tpu.memory_space<vmem_shared>>)
    %dma_wait3A_63 = arith.constant 1 : i32
    %dma_wait3A_64 = arith.constant 0 : i32
    %dma_wait3A_65 = tpu.memref_slice %arg9[%dma_wait3A_63, %dma_wait3A_64] : memref<2x80xi32, #tpu.memory_space<vmem>> -> memref<1x80xi32, #tpu.memory_space<vmem>>
    %dma_wait3A_66 = tpu.memref_squeeze %dma_wait3A_65 : memref<1x80xi32, #tpu.memory_space<vmem>> -> memref<80xi32, #tpu.memory_space<vmem>>
    %dma_wait3A_67 = arith.constant 0 : i32
    %dma_wait3A_68 = arith.constant 0 : i32
    %dma_wait3A_69 = tpu.memref_slice %arg14[%dma_wait3A_67, %dma_wait3A_68] : memref<10240x128xf32, #tpu.memory_space<vmem_shared>> -> memref<10240x128xf32, #tpu.memory_space<vmem_shared>>
    tpu.wait_indirect_dma semaphore(%arg26 : memref<!tpu.dma_semaphore, #tpu.memory_space<semaphore_mem>>) src(%arg13 : memref<80x128xf32, #tpu.memory_space<vmem>>) dst(%dma_wait3A_69 : memref<10240x128xf32, #tpu.memory_space<vmem_shared>>)
    %barrier3A_70 = arith.constant 0 : index
    tpu.barrier barrier_id(%barrier3A_70)
    "tpu.region"() ({
      %run_scoped3A = tpu.sem_alloc : memref<!tpu.dma_semaphore, #tpu.memory_space<semaphore_mem>>
      %dma_start3A_71 = arith.constant 0 : i32
      %dma_start3A_72 = tpu.memref_slice %arg5[%arg0, %mul3A_2, %dma_start3A_71] : memref<2x10240x128xf32, #tpu.memory_space<hbm>> -> memref<1x640x128xf32, #tpu.memory_space<hbm>>
      %dma_start3A_73 = tpu.memref_squeeze %dma_start3A_72 : memref<1x640x128xf32, #tpu.memory_space<hbm>> -> memref<640x128xf32, #tpu.memory_space<hbm>>
      %dma_start3A_74 = arith.constant 0 : i32
      %dma_start3A_75 = tpu.memref_slice %arg14[%mul3A_2, %dma_start3A_74] : memref<10240x128xf32, #tpu.memory_space<vmem_shared>> -> memref<640x128xf32, #tpu.memory_space<vmem_shared>>
      tpu.enqueue_dma source(%dma_start3A_75 : memref<640x128xf32, #tpu.memory_space<vmem_shared>>) target(%dma_start3A_73 : memref<640x128xf32, #tpu.memory_space<hbm>>) target_semaphore(%run_scoped3A : memref<!tpu.dma_semaphore, #tpu.memory_space<semaphore_mem>>)
      %dma_wait3A_76 = arith.constant 0 : i32
      %dma_wait3A_77 = tpu.memref_slice %arg5[%arg0, %mul3A_2, %dma_wait3A_76] : memref<2x10240x128xf32, #tpu.memory_space<hbm>> -> memref<1x640x128xf32, #tpu.memory_space<hbm>>
      %dma_wait3A_78 = tpu.memref_squeeze %dma_wait3A_77 : memref<1x640x128xf32, #tpu.memory_space<hbm>> -> memref<640x128xf32, #tpu.memory_space<hbm>>
      %dma_wait3A_79 = arith.constant 0 : i32
      %dma_wait3A_80 = tpu.memref_slice %arg14[%mul3A_2, %dma_wait3A_79] : memref<10240x128xf32, #tpu.memory_space<vmem_shared>> -> memref<640x128xf32, #tpu.memory_space<vmem_shared>>
      tpu.wait_dma2 semaphore(%run_scoped3A : memref<!tpu.dma_semaphore, #tpu.memory_space<semaphore_mem>>) src(%dma_wait3A_80 : memref<640x128xf32, #tpu.memory_space<vmem_shared>>) dst(%dma_wait3A_78 : memref<640x128xf32, #tpu.memory_space<hbm>>)
      tpu.yield
    }) : () -> ()
    return
  }
}

#map = affine_map<(d0, d1) -> (0, 0, 0)>
#map1 = affine_map<(d0, d1) -> (0, 0)>
module attributes {stable_mosaic.version = 14 : i64} {
  func.func @_sc_deg(%arg0: i32, %arg1: i32, %arg2: memref<32x80x128xi32, #tpu.memory_space<hbm>>, %arg3: memref<128x128xf32, #tpu.memory_space<hbm>>, %arg4: memref<128x128xf32, #tpu.memory_space<hbm>>, %arg5: memref<2x10240x128xf32, #tpu.memory_space<hbm>>, %arg6: memref<80x128xi32, #tpu.memory_space<vmem>>, %arg7: memref<128x128xf32, #tpu.memory_space<vmem>>, %arg8: memref<10240x128xf32, #tpu.memory_space<vmem_shared>>, %arg9: memref<!tpu.dma_semaphore, #tpu.memory_space<semaphore_mem>>, %arg10: memref<!tpu.dma_semaphore, #tpu.memory_space<semaphore_mem>>) attributes {dimension_semantics = [#tpu.dimension_semantics<core_parallel>, #tpu.dimension_semantics<subcore_parallel>], iteration_bounds = array<i64: 2, 16>, scalar_prefetch = 0 : i64, scratch_operands = 5 : i64, tpu.core_type = #tpu.core_type<sc_vector_subcore>, window_params = [{transform_indices = #map}, {transform_indices = #map1}, {transform_indices = #map1}, {transform_indices = #map}]} {
    %mul3A = arith.constant 2 : i32
    %mul3A_0 = arith.muli %arg1, %mul3A : i32
    %add3A = arith.addi %mul3A_0, %arg0 : i32
    "tpu.region"() ({
      %run_scoped3A = tpu.sem_alloc : memref<!tpu.dma_semaphore, #tpu.memory_space<semaphore_mem>>
      tpu.enqueue_dma source(%arg4 : memref<128x128xf32, #tpu.memory_space<hbm>>) target(%arg7 : memref<128x128xf32, #tpu.memory_space<vmem>>) target_semaphore(%run_scoped3A : memref<!tpu.dma_semaphore, #tpu.memory_space<semaphore_mem>>)
      tpu.wait_dma2 semaphore(%run_scoped3A : memref<!tpu.dma_semaphore, #tpu.memory_space<semaphore_mem>>) src(%arg4 : memref<128x128xf32, #tpu.memory_space<hbm>>) dst(%arg7 : memref<128x128xf32, #tpu.memory_space<vmem>>)
      tpu.yield
    }) : () -> ()
    %mul3A_1 = arith.constant 640 : i32
    %mul3A_2 = arith.muli %arg1, %mul3A_1 : i32
    %add3A_3 = arith.constant 0 : i32
    %add3A_4 = arith.addi %mul3A_2, %add3A_3 : i32
    "tpu.region"() ({
      %run_scoped3A = tpu.sem_alloc : memref<!tpu.dma_semaphore, #tpu.memory_space<semaphore_mem>>
      %dma_start3A = arith.constant 0 : i32
      %dma_start3A_32 = tpu.memref_slice %arg8[%add3A_4, %dma_start3A] : memref<10240x128xf32, #tpu.memory_space<vmem_shared>> -> memref<128x128xf32, #tpu.memory_space<vmem_shared>>
      %dma_start3A_33 = arith.constant 0 : i32
      %dma_start3A_34 = tpu.memref_slice %arg8[%add3A_4, %dma_start3A_33] : memref<10240x128xf32, #tpu.memory_space<vmem_shared>> -> memref<128x128xf32, #tpu.memory_space<vmem_shared>>
      tpu.enqueue_dma source(%arg7 : memref<128x128xf32, #tpu.memory_space<vmem>>) target(%dma_start3A_34 : memref<128x128xf32, #tpu.memory_space<vmem_shared>>) target_semaphore(%run_scoped3A : memref<!tpu.dma_semaphore, #tpu.memory_space<semaphore_mem>>)
      %dma_wait3A_35 = arith.constant 0 : i32
      %dma_wait3A_36 = tpu.memref_slice %arg8[%add3A_4, %dma_wait3A_35] : memref<10240x128xf32, #tpu.memory_space<vmem_shared>> -> memref<128x128xf32, #tpu.memory_space<vmem_shared>>
      %dma_wait3A_37 = arith.constant 0 : i32
      %dma_wait3A_38 = tpu.memref_slice %arg8[%add3A_4, %dma_wait3A_37] : memref<10240x128xf32, #tpu.memory_space<vmem_shared>> -> memref<128x128xf32, #tpu.memory_space<vmem_shared>>
      tpu.wait_dma2 semaphore(%run_scoped3A : memref<!tpu.dma_semaphore, #tpu.memory_space<semaphore_mem>>) src(%arg7 : memref<128x128xf32, #tpu.memory_space<vmem>>) dst(%dma_wait3A_38 : memref<128x128xf32, #tpu.memory_space<vmem_shared>>)
      tpu.yield
    }) : () -> ()
    %add3A_5 = arith.constant 128 : i32
    %add3A_6 = arith.addi %mul3A_2, %add3A_5 : i32
    "tpu.region"() ({
      %run_scoped3A = tpu.sem_alloc : memref<!tpu.dma_semaphore, #tpu.memory_space<semaphore_mem>>
      %dma_start3A = arith.constant 0 : i32
      %dma_start3A_32 = tpu.memref_slice %arg8[%add3A_6, %dma_start3A] : memref<10240x128xf32, #tpu.memory_space<vmem_shared>> -> memref<128x128xf32, #tpu.memory_space<vmem_shared>>
      %dma_start3A_33 = arith.constant 0 : i32
      %dma_start3A_34 = tpu.memref_slice %arg8[%add3A_6, %dma_start3A_33] : memref<10240x128xf32, #tpu.memory_space<vmem_shared>> -> memref<128x128xf32, #tpu.memory_space<vmem_shared>>
      tpu.enqueue_dma source(%arg7 : memref<128x128xf32, #tpu.memory_space<vmem>>) target(%dma_start3A_34 : memref<128x128xf32, #tpu.memory_space<vmem_shared>>) target_semaphore(%run_scoped3A : memref<!tpu.dma_semaphore, #tpu.memory_space<semaphore_mem>>)
      %dma_wait3A_35 = arith.constant 0 : i32
      %dma_wait3A_36 = tpu.memref_slice %arg8[%add3A_6, %dma_wait3A_35] : memref<10240x128xf32, #tpu.memory_space<vmem_shared>> -> memref<128x128xf32, #tpu.memory_space<vmem_shared>>
      %dma_wait3A_37 = arith.constant 0 : i32
      %dma_wait3A_38 = tpu.memref_slice %arg8[%add3A_6, %dma_wait3A_37] : memref<10240x128xf32, #tpu.memory_space<vmem_shared>> -> memref<128x128xf32, #tpu.memory_space<vmem_shared>>
      tpu.wait_dma2 semaphore(%run_scoped3A : memref<!tpu.dma_semaphore, #tpu.memory_space<semaphore_mem>>) src(%arg7 : memref<128x128xf32, #tpu.memory_space<vmem>>) dst(%dma_wait3A_38 : memref<128x128xf32, #tpu.memory_space<vmem_shared>>)
      tpu.yield
    }) : () -> ()
    %add3A_7 = arith.constant 256 : i32
    %add3A_8 = arith.addi %mul3A_2, %add3A_7 : i32
    "tpu.region"() ({
      %run_scoped3A = tpu.sem_alloc : memref<!tpu.dma_semaphore, #tpu.memory_space<semaphore_mem>>
      %dma_start3A = arith.constant 0 : i32
      %dma_start3A_32 = tpu.memref_slice %arg8[%add3A_8, %dma_start3A] : memref<10240x128xf32, #tpu.memory_space<vmem_shared>> -> memref<128x128xf32, #tpu.memory_space<vmem_shared>>
      %dma_start3A_33 = arith.constant 0 : i32
      %dma_start3A_34 = tpu.memref_slice %arg8[%add3A_8, %dma_start3A_33] : memref<10240x128xf32, #tpu.memory_space<vmem_shared>> -> memref<128x128xf32, #tpu.memory_space<vmem_shared>>
      tpu.enqueue_dma source(%arg7 : memref<128x128xf32, #tpu.memory_space<vmem>>) target(%dma_start3A_34 : memref<128x128xf32, #tpu.memory_space<vmem_shared>>) target_semaphore(%run_scoped3A : memref<!tpu.dma_semaphore, #tpu.memory_space<semaphore_mem>>)
      %dma_wait3A_35 = arith.constant 0 : i32
      %dma_wait3A_36 = tpu.memref_slice %arg8[%add3A_8, %dma_wait3A_35] : memref<10240x128xf32, #tpu.memory_space<vmem_shared>> -> memref<128x128xf32, #tpu.memory_space<vmem_shared>>
      %dma_wait3A_37 = arith.constant 0 : i32
      %dma_wait3A_38 = tpu.memref_slice %arg8[%add3A_8, %dma_wait3A_37] : memref<10240x128xf32, #tpu.memory_space<vmem_shared>> -> memref<128x128xf32, #tpu.memory_space<vmem_shared>>
      tpu.wait_dma2 semaphore(%run_scoped3A : memref<!tpu.dma_semaphore, #tpu.memory_space<semaphore_mem>>) src(%arg7 : memref<128x128xf32, #tpu.memory_space<vmem>>) dst(%dma_wait3A_38 : memref<128x128xf32, #tpu.memory_space<vmem_shared>>)
      tpu.yield
    }) : () -> ()
    %add3A_9 = arith.constant 384 : i32
    %add3A_10 = arith.addi %mul3A_2, %add3A_9 : i32
    "tpu.region"() ({
      %run_scoped3A = tpu.sem_alloc : memref<!tpu.dma_semaphore, #tpu.memory_space<semaphore_mem>>
      %dma_start3A = arith.constant 0 : i32
      %dma_start3A_32 = tpu.memref_slice %arg8[%add3A_10, %dma_start3A] : memref<10240x128xf32, #tpu.memory_space<vmem_shared>> -> memref<128x128xf32, #tpu.memory_space<vmem_shared>>
      %dma_start3A_33 = arith.constant 0 : i32
      %dma_start3A_34 = tpu.memref_slice %arg8[%add3A_10, %dma_start3A_33] : memref<10240x128xf32, #tpu.memory_space<vmem_shared>> -> memref<128x128xf32, #tpu.memory_space<vmem_shared>>
      tpu.enqueue_dma source(%arg7 : memref<128x128xf32, #tpu.memory_space<vmem>>) target(%dma_start3A_34 : memref<128x128xf32, #tpu.memory_space<vmem_shared>>) target_semaphore(%run_scoped3A : memref<!tpu.dma_semaphore, #tpu.memory_space<semaphore_mem>>)
      %dma_wait3A_35 = arith.constant 0 : i32
      %dma_wait3A_36 = tpu.memref_slice %arg8[%add3A_10, %dma_wait3A_35] : memref<10240x128xf32, #tpu.memory_space<vmem_shared>> -> memref<128x128xf32, #tpu.memory_space<vmem_shared>>
      %dma_wait3A_37 = arith.constant 0 : i32
      %dma_wait3A_38 = tpu.memref_slice %arg8[%add3A_10, %dma_wait3A_37] : memref<10240x128xf32, #tpu.memory_space<vmem_shared>> -> memref<128x128xf32, #tpu.memory_space<vmem_shared>>
      tpu.wait_dma2 semaphore(%run_scoped3A : memref<!tpu.dma_semaphore, #tpu.memory_space<semaphore_mem>>) src(%arg7 : memref<128x128xf32, #tpu.memory_space<vmem>>) dst(%dma_wait3A_38 : memref<128x128xf32, #tpu.memory_space<vmem_shared>>)
      tpu.yield
    }) : () -> ()
    %add3A_11 = arith.constant 512 : i32
    %add3A_12 = arith.addi %mul3A_2, %add3A_11 : i32
    "tpu.region"() ({
      %run_scoped3A = tpu.sem_alloc : memref<!tpu.dma_semaphore, #tpu.memory_space<semaphore_mem>>
      %dma_start3A = arith.constant 0 : i32
      %dma_start3A_32 = tpu.memref_slice %arg8[%add3A_12, %dma_start3A] : memref<10240x128xf32, #tpu.memory_space<vmem_shared>> -> memref<128x128xf32, #tpu.memory_space<vmem_shared>>
      %dma_start3A_33 = arith.constant 0 : i32
      %dma_start3A_34 = tpu.memref_slice %arg8[%add3A_12, %dma_start3A_33] : memref<10240x128xf32, #tpu.memory_space<vmem_shared>> -> memref<128x128xf32, #tpu.memory_space<vmem_shared>>
      tpu.enqueue_dma source(%arg7 : memref<128x128xf32, #tpu.memory_space<vmem>>) target(%dma_start3A_34 : memref<128x128xf32, #tpu.memory_space<vmem_shared>>) target_semaphore(%run_scoped3A : memref<!tpu.dma_semaphore, #tpu.memory_space<semaphore_mem>>)
      %dma_wait3A_35 = arith.constant 0 : i32
      %dma_wait3A_36 = tpu.memref_slice %arg8[%add3A_12, %dma_wait3A_35] : memref<10240x128xf32, #tpu.memory_space<vmem_shared>> -> memref<128x128xf32, #tpu.memory_space<vmem_shared>>
      %dma_wait3A_37 = arith.constant 0 : i32
      %dma_wait3A_38 = tpu.memref_slice %arg8[%add3A_12, %dma_wait3A_37] : memref<10240x128xf32, #tpu.memory_space<vmem_shared>> -> memref<128x128xf32, #tpu.memory_space<vmem_shared>>
      tpu.wait_dma2 semaphore(%run_scoped3A : memref<!tpu.dma_semaphore, #tpu.memory_space<semaphore_mem>>) src(%arg7 : memref<128x128xf32, #tpu.memory_space<vmem>>) dst(%dma_wait3A_38 : memref<128x128xf32, #tpu.memory_space<vmem_shared>>)
      tpu.yield
    }) : () -> ()
    "tpu.region"() ({
      %run_scoped3A = tpu.sem_alloc : memref<!tpu.dma_semaphore, #tpu.memory_space<semaphore_mem>>
      %dma_start3A = arith.constant 0 : i32
      %dma_start3A_32 = arith.constant 0 : i32
      %dma_start3A_33 = tpu.memref_slice %arg2[%add3A, %dma_start3A, %dma_start3A_32] : memref<32x80x128xi32, #tpu.memory_space<hbm>> -> memref<1x80x128xi32, #tpu.memory_space<hbm>>
      %dma_start3A_34 = tpu.memref_squeeze %dma_start3A_33 : memref<1x80x128xi32, #tpu.memory_space<hbm>> -> memref<80x128xi32, #tpu.memory_space<hbm>>
      %dma_start3A_35 = arith.constant 0 : i32
      %dma_start3A_36 = arith.constant 0 : i32
      %dma_start3A_37 = tpu.memref_slice %arg2[%add3A, %dma_start3A_35, %dma_start3A_36] : memref<32x80x128xi32, #tpu.memory_space<hbm>> -> memref<1x80x128xi32, #tpu.memory_space<hbm>>
      %dma_start3A_38 = tpu.memref_squeeze %dma_start3A_37 : memref<1x80x128xi32, #tpu.memory_space<hbm>> -> memref<80x128xi32, #tpu.memory_space<hbm>>
      tpu.enqueue_dma source(%dma_start3A_38 : memref<80x128xi32, #tpu.memory_space<hbm>>) target(%arg6 : memref<80x128xi32, #tpu.memory_space<vmem>>) target_semaphore(%run_scoped3A : memref<!tpu.dma_semaphore, #tpu.memory_space<semaphore_mem>>)
      %dma_wait3A_39 = arith.constant 0 : i32
      %dma_wait3A_40 = arith.constant 0 : i32
      %dma_wait3A_41 = tpu.memref_slice %arg2[%add3A, %dma_wait3A_39, %dma_wait3A_40] : memref<32x80x128xi32, #tpu.memory_space<hbm>> -> memref<1x80x128xi32, #tpu.memory_space<hbm>>
      %dma_wait3A_42 = tpu.memref_squeeze %dma_wait3A_41 : memref<1x80x128xi32, #tpu.memory_space<hbm>> -> memref<80x128xi32, #tpu.memory_space<hbm>>
      %dma_wait3A_43 = arith.constant 0 : i32
      %dma_wait3A_44 = arith.constant 0 : i32
      %dma_wait3A_45 = tpu.memref_slice %arg2[%add3A, %dma_wait3A_43, %dma_wait3A_44] : memref<32x80x128xi32, #tpu.memory_space<hbm>> -> memref<1x80x128xi32, #tpu.memory_space<hbm>>
      %dma_wait3A_46 = tpu.memref_squeeze %dma_wait3A_45 : memref<1x80x128xi32, #tpu.memory_space<hbm>> -> memref<80x128xi32, #tpu.memory_space<hbm>>
      tpu.wait_dma2 semaphore(%run_scoped3A : memref<!tpu.dma_semaphore, #tpu.memory_space<semaphore_mem>>) src(%dma_wait3A_46 : memref<80x128xi32, #tpu.memory_space<hbm>>) dst(%arg6 : memref<80x128xi32, #tpu.memory_space<vmem>>)
      tpu.yield
    }) : () -> ()
    "tpu.region"() ({
      %run_scoped3A = tpu.sem_alloc : memref<!tpu.dma_semaphore, #tpu.memory_space<semaphore_mem>>
      tpu.enqueue_dma source(%arg3 : memref<128x128xf32, #tpu.memory_space<hbm>>) target(%arg7 : memref<128x128xf32, #tpu.memory_space<vmem>>) target_semaphore(%run_scoped3A : memref<!tpu.dma_semaphore, #tpu.memory_space<semaphore_mem>>)
      tpu.wait_dma2 semaphore(%run_scoped3A : memref<!tpu.dma_semaphore, #tpu.memory_space<semaphore_mem>>) src(%arg3 : memref<128x128xf32, #tpu.memory_space<hbm>>) dst(%arg7 : memref<128x128xf32, #tpu.memory_space<vmem>>)
      tpu.yield
    }) : () -> ()
    %barrier3A = arith.constant 0 : index
    tpu.barrier barrier_id(%barrier3A)
    %scan3A = arith.constant 0 : i32
    %scan3A_13 = arith.constant 0 : i32
    %scan3A_14 = arith.constant 40 : i32
    %scan3A_15 = arith.addi %scan3A_13, %scan3A_14 : i32
    %scan3A_16 = arith.constant 1 : i32
    scf.for %scan3A_32 = %scan3A_13 to %scan3A_15 step %scan3A_16  : i32 {
      %mul3A_33 = arith.constant 2 : i32
      %mul3A_34 = arith.muli %mul3A_33, %scan3A_32 : i32
      %gt3A = arith.constant 0 : i32
      %gt3A_35 = arith.cmpi sgt, %scan3A_32, %gt3A : i32
      %convert_element_type3A = arith.extui %gt3A_35 : i1 to i32
      %cond3A = arith.constant 0 : i32
      %cond3A_36 = arith.cmpi ne, %convert_element_type3A, %cond3A : i32
      scf.if %cond3A_36 {
        %sub3A = arith.constant 2 : i32
        %sub3A_55 = arith.subi %mul3A_34, %sub3A : i32
        %dma_wait3A_56 = arith.constant 0 : i32
        %dma_wait3A_57 = tpu.memref_slice %arg6[%sub3A_55, %dma_wait3A_56] : memref<80x128xi32, #tpu.memory_space<vmem>> -> memref<1x128xi32, #tpu.memory_space<vmem>>
        %dma_wait3A_58 = tpu.memref_squeeze %dma_wait3A_57 : memref<1x128xi32, #tpu.memory_space<vmem>> -> memref<128xi32, #tpu.memory_space<vmem>>
        %dma_wait3A_59 = arith.constant 0 : i32
        %dma_wait3A_60 = arith.constant 0 : i32
        %dma_wait3A_61 = tpu.memref_slice %arg8[%dma_wait3A_59, %dma_wait3A_60] : memref<10240x128xf32, #tpu.memory_space<vmem_shared>> -> memref<10240x128xf32, #tpu.memory_space<vmem_shared>>
        tpu.wait_indirect_dma semaphore(%arg9 : memref<!tpu.dma_semaphore, #tpu.memory_space<semaphore_mem>>) src(%arg7 : memref<128x128xf32, #tpu.memory_space<vmem>>) dst(%dma_wait3A_61 : memref<10240x128xf32, #tpu.memory_space<vmem_shared>>)
      } else {
      }
      %dma_start3A = arith.constant 0 : i32
      %dma_start3A_37 = tpu.memref_slice %arg6[%mul3A_34, %dma_start3A] : memref<80x128xi32, #tpu.memory_space<vmem>> -> memref<1x128xi32, #tpu.memory_space<vmem>>
      %dma_start3A_38 = tpu.memref_squeeze %dma_start3A_37 : memref<1x128xi32, #tpu.memory_space<vmem>> -> memref<128xi32, #tpu.memory_space<vmem>>
      %dma_start3A_39 = arith.constant 0 : i32
      %dma_start3A_40 = arith.constant 0 : i32
      %dma_start3A_41 = tpu.memref_slice %arg8[%dma_start3A_39, %dma_start3A_40] : memref<10240x128xf32, #tpu.memory_space<vmem_shared>> -> memref<10240x128xf32, #tpu.memory_space<vmem_shared>>
      tpu.enqueue_indirect_dma source(%arg7 : memref<128x128xf32, #tpu.memory_space<vmem>>) target(%dma_start3A_41 : memref<10240x128xf32, #tpu.memory_space<vmem_shared>>) offsets(%dma_start3A_38 : memref<128xi32, #tpu.memory_space<vmem>>) semaphore(%arg9 : memref<!tpu.dma_semaphore, #tpu.memory_space<semaphore_mem>>) {add = true}
      %gt3A_42 = arith.constant 0 : i32
      %gt3A_43 = arith.cmpi sgt, %scan3A_32, %gt3A_42 : i32
      %convert_element_type3A_44 = arith.extui %gt3A_43 : i1 to i32
      %cond3A_45 = arith.constant 0 : i32
      %cond3A_46 = arith.cmpi ne, %convert_element_type3A_44, %cond3A_45 : i32
      scf.if %cond3A_46 {
        %sub3A = arith.constant 1 : i32
        %sub3A_55 = arith.subi %mul3A_34, %sub3A : i32
        %dma_wait3A_56 = arith.constant 0 : i32
        %dma_wait3A_57 = tpu.memref_slice %arg6[%sub3A_55, %dma_wait3A_56] : memref<80x128xi32, #tpu.memory_space<vmem>> -> memref<1x128xi32, #tpu.memory_space<vmem>>
        %dma_wait3A_58 = tpu.memref_squeeze %dma_wait3A_57 : memref<1x128xi32, #tpu.memory_space<vmem>> -> memref<128xi32, #tpu.memory_space<vmem>>
        %dma_wait3A_59 = arith.constant 0 : i32
        %dma_wait3A_60 = arith.constant 0 : i32
        %dma_wait3A_61 = tpu.memref_slice %arg8[%dma_wait3A_59, %dma_wait3A_60] : memref<10240x128xf32, #tpu.memory_space<vmem_shared>> -> memref<10240x128xf32, #tpu.memory_space<vmem_shared>>
        tpu.wait_indirect_dma semaphore(%arg10 : memref<!tpu.dma_semaphore, #tpu.memory_space<semaphore_mem>>) src(%arg7 : memref<128x128xf32, #tpu.memory_space<vmem>>) dst(%dma_wait3A_61 : memref<10240x128xf32, #tpu.memory_space<vmem_shared>>)
      } else {
      }
      %add3A_47 = arith.constant 1 : i32
      %add3A_48 = arith.addi %mul3A_34, %add3A_47 : i32
      %dma_start3A_49 = arith.constant 0 : i32
      %dma_start3A_50 = tpu.memref_slice %arg6[%add3A_48, %dma_start3A_49] : memref<80x128xi32, #tpu.memory_space<vmem>> -> memref<1x128xi32, #tpu.memory_space<vmem>>
      %dma_start3A_51 = tpu.memref_squeeze %dma_start3A_50 : memref<1x128xi32, #tpu.memory_space<vmem>> -> memref<128xi32, #tpu.memory_space<vmem>>
      %dma_start3A_52 = arith.constant 0 : i32
      %dma_start3A_53 = arith.constant 0 : i32
      %dma_start3A_54 = tpu.memref_slice %arg8[%dma_start3A_52, %dma_start3A_53] : memref<10240x128xf32, #tpu.memory_space<vmem_shared>> -> memref<10240x128xf32, #tpu.memory_space<vmem_shared>>
      tpu.enqueue_indirect_dma source(%arg7 : memref<128x128xf32, #tpu.memory_space<vmem>>) target(%dma_start3A_54 : memref<10240x128xf32, #tpu.memory_space<vmem_shared>>) offsets(%dma_start3A_51 : memref<128xi32, #tpu.memory_space<vmem>>) semaphore(%arg10 : memref<!tpu.dma_semaphore, #tpu.memory_space<semaphore_mem>>) {add = true}
    }
    %scan3A_17 = arith.constant 40 : i32
    %dma_wait3A = arith.constant 78 : i32
    %dma_wait3A_18 = arith.constant 0 : i32
    %dma_wait3A_19 = tpu.memref_slice %arg6[%dma_wait3A, %dma_wait3A_18] : memref<80x128xi32, #tpu.memory_space<vmem>> -> memref<1x128xi32, #tpu.memory_space<vmem>>
    %dma_wait3A_20 = tpu.memref_squeeze %dma_wait3A_19 : memref<1x128xi32, #tpu.memory_space<vmem>> -> memref<128xi32, #tpu.memory_space<vmem>>
    %dma_wait3A_21 = arith.constant 0 : i32
    %dma_wait3A_22 = arith.constant 0 : i32
    %dma_wait3A_23 = tpu.memref_slice %arg8[%dma_wait3A_21, %dma_wait3A_22] : memref<10240x128xf32, #tpu.memory_space<vmem_shared>> -> memref<10240x128xf32, #tpu.memory_space<vmem_shared>>
    tpu.wait_indirect_dma semaphore(%arg9 : memref<!tpu.dma_semaphore, #tpu.memory_space<semaphore_mem>>) src(%arg7 : memref<128x128xf32, #tpu.memory_space<vmem>>) dst(%dma_wait3A_23 : memref<10240x128xf32, #tpu.memory_space<vmem_shared>>)
    %dma_wait3A_24 = arith.constant 79 : i32
    %dma_wait3A_25 = arith.constant 0 : i32
    %dma_wait3A_26 = tpu.memref_slice %arg6[%dma_wait3A_24, %dma_wait3A_25] : memref<80x128xi32, #tpu.memory_space<vmem>> -> memref<1x128xi32, #tpu.memory_space<vmem>>
    %dma_wait3A_27 = tpu.memref_squeeze %dma_wait3A_26 : memref<1x128xi32, #tpu.memory_space<vmem>> -> memref<128xi32, #tpu.memory_space<vmem>>
    %dma_wait3A_28 = arith.constant 0 : i32
    %dma_wait3A_29 = arith.constant 0 : i32
    %dma_wait3A_30 = tpu.memref_slice %arg8[%dma_wait3A_28, %dma_wait3A_29] : memref<10240x128xf32, #tpu.memory_space<vmem_shared>> -> memref<10240x128xf32, #tpu.memory_space<vmem_shared>>
    tpu.wait_indirect_dma semaphore(%arg10 : memref<!tpu.dma_semaphore, #tpu.memory_space<semaphore_mem>>) src(%arg7 : memref<128x128xf32, #tpu.memory_space<vmem>>) dst(%dma_wait3A_30 : memref<10240x128xf32, #tpu.memory_space<vmem_shared>>)
    %barrier3A_31 = arith.constant 0 : index
    tpu.barrier barrier_id(%barrier3A_31)
    "tpu.region"() ({
      %run_scoped3A = tpu.sem_alloc : memref<!tpu.dma_semaphore, #tpu.memory_space<semaphore_mem>>
      %dma_start3A = arith.constant 0 : i32
      %dma_start3A_32 = tpu.memref_slice %arg5[%arg0, %mul3A_2, %dma_start3A] : memref<2x10240x128xf32, #tpu.memory_space<hbm>> -> memref<1x640x128xf32, #tpu.memory_space<hbm>>
      %dma_start3A_33 = tpu.memref_squeeze %dma_start3A_32 : memref<1x640x128xf32, #tpu.memory_space<hbm>> -> memref<640x128xf32, #tpu.memory_space<hbm>>
      %dma_start3A_34 = arith.constant 0 : i32
      %dma_start3A_35 = tpu.memref_slice %arg8[%mul3A_2, %dma_start3A_34] : memref<10240x128xf32, #tpu.memory_space<vmem_shared>> -> memref<640x128xf32, #tpu.memory_space<vmem_shared>>
      tpu.enqueue_dma source(%dma_start3A_35 : memref<640x128xf32, #tpu.memory_space<vmem_shared>>) target(%dma_start3A_33 : memref<640x128xf32, #tpu.memory_space<hbm>>) target_semaphore(%run_scoped3A : memref<!tpu.dma_semaphore, #tpu.memory_space<semaphore_mem>>)
      %dma_wait3A_36 = arith.constant 0 : i32
      %dma_wait3A_37 = tpu.memref_slice %arg5[%arg0, %mul3A_2, %dma_wait3A_36] : memref<2x10240x128xf32, #tpu.memory_space<hbm>> -> memref<1x640x128xf32, #tpu.memory_space<hbm>>
      %dma_wait3A_38 = tpu.memref_squeeze %dma_wait3A_37 : memref<1x640x128xf32, #tpu.memory_space<hbm>> -> memref<640x128xf32, #tpu.memory_space<hbm>>
      %dma_wait3A_39 = arith.constant 0 : i32
      %dma_wait3A_40 = tpu.memref_slice %arg8[%mul3A_2, %dma_wait3A_39] : memref<10240x128xf32, #tpu.memory_space<vmem_shared>> -> memref<640x128xf32, #tpu.memory_space<vmem_shared>>
      tpu.wait_dma2 semaphore(%run_scoped3A : memref<!tpu.dma_semaphore, #tpu.memory_space<semaphore_mem>>) src(%dma_wait3A_40 : memref<640x128xf32, #tpu.memory_space<vmem_shared>>) dst(%dma_wait3A_38 : memref<640x128xf32, #tpu.memory_space<hbm>>)
      tpu.yield
    }) : () -> ()
    return
  }
}

#map = affine_map<(d0, d1) -> (0, 0)>
#map1 = affine_map<(d0, d1) -> (0, 0, 0, 0)>
#map2 = affine_map<(d0, d1) -> (0, 0, 0)>
module attributes {stable_mosaic.version = 14 : i64} {
  func.func @_sc_agg(%arg0: i32, %arg1: i32, %arg2: memref<10000x128xf32, #tpu.memory_space<hbm>>, %arg3: memref<32x128x2x80xi32, #tpu.memory_space<hbm>>, %arg4: memref<80x128xf32, #tpu.memory_space<hbm>>, %arg5: memref<2x10240x128xf32, #tpu.memory_space<hbm>>, %arg6: memref<2x80xi32, #tpu.memory_space<vmem>>, %arg7: memref<2x80xi32, #tpu.memory_space<vmem>>, %arg8: memref<2x80xi32, #tpu.memory_space<vmem>>, %arg9: memref<2x80xi32, #tpu.memory_space<vmem>>, %arg10: memref<80x128xf32, #tpu.memory_space<vmem>>, %arg11: memref<80x128xf32, #tpu.memory_space<vmem>>, %arg12: memref<80x128xf32, #tpu.memory_space<vmem>>, %arg13: memref<80x128xf32, #tpu.memory_space<vmem>>, %arg14: memref<10240x128xf32, #tpu.memory_space<vmem_shared>>, %arg15: memref<!tpu.dma_semaphore, #tpu.memory_space<semaphore_mem>>, %arg16: memref<!tpu.dma_semaphore, #tpu.memory_space<semaphore_mem>>, %arg17: memref<!tpu.dma_semaphore, #tpu.memory_space<semaphore_mem>>, %arg18: memref<!tpu.dma_semaphore, #tpu.memory_space<semaphore_mem>>, %arg19: memref<!tpu.dma_semaphore, #tpu.memory_space<semaphore_mem>>, %arg20: memref<!tpu.dma_semaphore, #tpu.memory_space<semaphore_mem>>, %arg21: memref<!tpu.dma_semaphore, #tpu.memory_space<semaphore_mem>>, %arg22: memref<!tpu.dma_semaphore, #tpu.memory_space<semaphore_mem>>, %arg23: memref<!tpu.dma_semaphore, #tpu.memory_space<semaphore_mem>>, %arg24: memref<!tpu.dma_semaphore, #tpu.memory_space<semaphore_mem>>, %arg25: memref<!tpu.dma_semaphore, #tpu.memory_space<semaphore_mem>>, %arg26: memref<!tpu.dma_semaphore, #tpu.memory_space<semaphore_mem>>) attributes {dimension_semantics = [#tpu.dimension_semantics<core_parallel>, #tpu.dimension_semantics<subcore_parallel>], iteration_bounds = array<i64: 2, 16>, scalar_prefetch = 0 : i64, scratch_operands = 21 : i64, tpu.core_type = #tpu.core_type<sc_vector_subcore>, window_params = [{transform_indices = #map}, {transform_indices = #map1}, {transform_indices = #map}, {transform_indices = #map2}]} {
    %mul3A = arith.constant 2 : i32
    %mul3A_0 = arith.muli %arg1, %mul3A : i32
    %add3A = arith.addi %mul3A_0, %arg0 : i32
    "tpu.region"() ({
      %run_scoped3A = tpu.sem_alloc : memref<!tpu.dma_semaphore, #tpu.memory_space<semaphore_mem>>
      tpu.enqueue_dma source(%arg4 : memref<80x128xf32, #tpu.memory_space<hbm>>) target(%arg10 : memref<80x128xf32, #tpu.memory_space<vmem>>) target_semaphore(%run_scoped3A : memref<!tpu.dma_semaphore, #tpu.memory_space<semaphore_mem>>)
      tpu.wait_dma2 semaphore(%run_scoped3A : memref<!tpu.dma_semaphore, #tpu.memory_space<semaphore_mem>>) src(%arg4 : memref<80x128xf32, #tpu.memory_space<hbm>>) dst(%arg10 : memref<80x128xf32, #tpu.memory_space<vmem>>)
      tpu.yield
    }) : () -> ()
    %mul3A_1 = arith.constant 640 : i32
    %mul3A_2 = arith.muli %arg1, %mul3A_1 : i32
    %add3A_3 = arith.constant 0 : i32
    %add3A_4 = arith.addi %mul3A_2, %add3A_3 : i32
    "tpu.region"() ({
      %run_scoped3A = tpu.sem_alloc : memref<!tpu.dma_semaphore, #tpu.memory_space<semaphore_mem>>
      %dma_start3A_71 = arith.constant 0 : i32
      %dma_start3A_72 = tpu.memref_slice %arg14[%add3A_4, %dma_start3A_71] : memref<10240x128xf32, #tpu.memory_space<vmem_shared>> -> memref<80x128xf32, #tpu.memory_space<vmem_shared>>
      %dma_start3A_73 = arith.constant 0 : i32
      %dma_start3A_74 = tpu.memref_slice %arg14[%add3A_4, %dma_start3A_73] : memref<10240x128xf32, #tpu.memory_space<vmem_shared>> -> memref<80x128xf32, #tpu.memory_space<vmem_shared>>
      tpu.enqueue_dma source(%arg10 : memref<80x128xf32, #tpu.memory_space<vmem>>) target(%dma_start3A_74 : memref<80x128xf32, #tpu.memory_space<vmem_shared>>) target_semaphore(%run_scoped3A : memref<!tpu.dma_semaphore, #tpu.memory_space<semaphore_mem>>)
      %dma_wait3A_75 = arith.constant 0 : i32
      %dma_wait3A_76 = tpu.memref_slice %arg14[%add3A_4, %dma_wait3A_75] : memref<10240x128xf32, #tpu.memory_space<vmem_shared>> -> memref<80x128xf32, #tpu.memory_space<vmem_shared>>
      %dma_wait3A_77 = arith.constant 0 : i32
      %dma_wait3A_78 = tpu.memref_slice %arg14[%add3A_4, %dma_wait3A_77] : memref<10240x128xf32, #tpu.memory_space<vmem_shared>> -> memref<80x128xf32, #tpu.memory_space<vmem_shared>>
      tpu.wait_dma2 semaphore(%run_scoped3A : memref<!tpu.dma_semaphore, #tpu.memory_space<semaphore_mem>>) src(%arg10 : memref<80x128xf32, #tpu.memory_space<vmem>>) dst(%dma_wait3A_78 : memref<80x128xf32, #tpu.memory_space<vmem_shared>>)
      tpu.yield
    }) : () -> ()
    %add3A_5 = arith.constant 80 : i32
    %add3A_6 = arith.addi %mul3A_2, %add3A_5 : i32
    "tpu.region"() ({
      %run_scoped3A = tpu.sem_alloc : memref<!tpu.dma_semaphore, #tpu.memory_space<semaphore_mem>>
      %dma_start3A_71 = arith.constant 0 : i32
      %dma_start3A_72 = tpu.memref_slice %arg14[%add3A_6, %dma_start3A_71] : memref<10240x128xf32, #tpu.memory_space<vmem_shared>> -> memref<80x128xf32, #tpu.memory_space<vmem_shared>>
      %dma_start3A_73 = arith.constant 0 : i32
      %dma_start3A_74 = tpu.memref_slice %arg14[%add3A_6, %dma_start3A_73] : memref<10240x128xf32, #tpu.memory_space<vmem_shared>> -> memref<80x128xf32, #tpu.memory_space<vmem_shared>>
      tpu.enqueue_dma source(%arg10 : memref<80x128xf32, #tpu.memory_space<vmem>>) target(%dma_start3A_74 : memref<80x128xf32, #tpu.memory_space<vmem_shared>>) target_semaphore(%run_scoped3A : memref<!tpu.dma_semaphore, #tpu.memory_space<semaphore_mem>>)
      %dma_wait3A_75 = arith.constant 0 : i32
      %dma_wait3A_76 = tpu.memref_slice %arg14[%add3A_6, %dma_wait3A_75] : memref<10240x128xf32, #tpu.memory_space<vmem_shared>> -> memref<80x128xf32, #tpu.memory_space<vmem_shared>>
      %dma_wait3A_77 = arith.constant 0 : i32
      %dma_wait3A_78 = tpu.memref_slice %arg14[%add3A_6, %dma_wait3A_77] : memref<10240x128xf32, #tpu.memory_space<vmem_shared>> -> memref<80x128xf32, #tpu.memory_space<vmem_shared>>
      tpu.wait_dma2 semaphore(%run_scoped3A : memref<!tpu.dma_semaphore, #tpu.memory_space<semaphore_mem>>) src(%arg10 : memref<80x128xf32, #tpu.memory_space<vmem>>) dst(%dma_wait3A_78 : memref<80x128xf32, #tpu.memory_space<vmem_shared>>)
      tpu.yield
    }) : () -> ()
    %add3A_7 = arith.constant 160 : i32
    %add3A_8 = arith.addi %mul3A_2, %add3A_7 : i32
    "tpu.region"() ({
      %run_scoped3A = tpu.sem_alloc : memref<!tpu.dma_semaphore, #tpu.memory_space<semaphore_mem>>
      %dma_start3A_71 = arith.constant 0 : i32
      %dma_start3A_72 = tpu.memref_slice %arg14[%add3A_8, %dma_start3A_71] : memref<10240x128xf32, #tpu.memory_space<vmem_shared>> -> memref<80x128xf32, #tpu.memory_space<vmem_shared>>
      %dma_start3A_73 = arith.constant 0 : i32
      %dma_start3A_74 = tpu.memref_slice %arg14[%add3A_8, %dma_start3A_73] : memref<10240x128xf32, #tpu.memory_space<vmem_shared>> -> memref<80x128xf32, #tpu.memory_space<vmem_shared>>
      tpu.enqueue_dma source(%arg10 : memref<80x128xf32, #tpu.memory_space<vmem>>) target(%dma_start3A_74 : memref<80x128xf32, #tpu.memory_space<vmem_shared>>) target_semaphore(%run_scoped3A : memref<!tpu.dma_semaphore, #tpu.memory_space<semaphore_mem>>)
      %dma_wait3A_75 = arith.constant 0 : i32
      %dma_wait3A_76 = tpu.memref_slice %arg14[%add3A_8, %dma_wait3A_75] : memref<10240x128xf32, #tpu.memory_space<vmem_shared>> -> memref<80x128xf32, #tpu.memory_space<vmem_shared>>
      %dma_wait3A_77 = arith.constant 0 : i32
      %dma_wait3A_78 = tpu.memref_slice %arg14[%add3A_8, %dma_wait3A_77] : memref<10240x128xf32, #tpu.memory_space<vmem_shared>> -> memref<80x128xf32, #tpu.memory_space<vmem_shared>>
      tpu.wait_dma2 semaphore(%run_scoped3A : memref<!tpu.dma_semaphore, #tpu.memory_space<semaphore_mem>>) src(%arg10 : memref<80x128xf32, #tpu.memory_space<vmem>>) dst(%dma_wait3A_78 : memref<80x128xf32, #tpu.memory_space<vmem_shared>>)
      tpu.yield
    }) : () -> ()
    %add3A_9 = arith.constant 240 : i32
    %add3A_10 = arith.addi %mul3A_2, %add3A_9 : i32
    "tpu.region"() ({
      %run_scoped3A = tpu.sem_alloc : memref<!tpu.dma_semaphore, #tpu.memory_space<semaphore_mem>>
      %dma_start3A_71 = arith.constant 0 : i32
      %dma_start3A_72 = tpu.memref_slice %arg14[%add3A_10, %dma_start3A_71] : memref<10240x128xf32, #tpu.memory_space<vmem_shared>> -> memref<80x128xf32, #tpu.memory_space<vmem_shared>>
      %dma_start3A_73 = arith.constant 0 : i32
      %dma_start3A_74 = tpu.memref_slice %arg14[%add3A_10, %dma_start3A_73] : memref<10240x128xf32, #tpu.memory_space<vmem_shared>> -> memref<80x128xf32, #tpu.memory_space<vmem_shared>>
      tpu.enqueue_dma source(%arg10 : memref<80x128xf32, #tpu.memory_space<vmem>>) target(%dma_start3A_74 : memref<80x128xf32, #tpu.memory_space<vmem_shared>>) target_semaphore(%run_scoped3A : memref<!tpu.dma_semaphore, #tpu.memory_space<semaphore_mem>>)
      %dma_wait3A_75 = arith.constant 0 : i32
      %dma_wait3A_76 = tpu.memref_slice %arg14[%add3A_10, %dma_wait3A_75] : memref<10240x128xf32, #tpu.memory_space<vmem_shared>> -> memref<80x128xf32, #tpu.memory_space<vmem_shared>>
      %dma_wait3A_77 = arith.constant 0 : i32
      %dma_wait3A_78 = tpu.memref_slice %arg14[%add3A_10, %dma_wait3A_77] : memref<10240x128xf32, #tpu.memory_space<vmem_shared>> -> memref<80x128xf32, #tpu.memory_space<vmem_shared>>
      tpu.wait_dma2 semaphore(%run_scoped3A : memref<!tpu.dma_semaphore, #tpu.memory_space<semaphore_mem>>) src(%arg10 : memref<80x128xf32, #tpu.memory_space<vmem>>) dst(%dma_wait3A_78 : memref<80x128xf32, #tpu.memory_space<vmem_shared>>)
      tpu.yield
    }) : () -> ()
    %add3A_11 = arith.constant 320 : i32
    %add3A_12 = arith.addi %mul3A_2, %add3A_11 : i32
    "tpu.region"() ({
      %run_scoped3A = tpu.sem_alloc : memref<!tpu.dma_semaphore, #tpu.memory_space<semaphore_mem>>
      %dma_start3A_71 = arith.constant 0 : i32
      %dma_start3A_72 = tpu.memref_slice %arg14[%add3A_12, %dma_start3A_71] : memref<10240x128xf32, #tpu.memory_space<vmem_shared>> -> memref<80x128xf32, #tpu.memory_space<vmem_shared>>
      %dma_start3A_73 = arith.constant 0 : i32
      %dma_start3A_74 = tpu.memref_slice %arg14[%add3A_12, %dma_start3A_73] : memref<10240x128xf32, #tpu.memory_space<vmem_shared>> -> memref<80x128xf32, #tpu.memory_space<vmem_shared>>
      tpu.enqueue_dma source(%arg10 : memref<80x128xf32, #tpu.memory_space<vmem>>) target(%dma_start3A_74 : memref<80x128xf32, #tpu.memory_space<vmem_shared>>) target_semaphore(%run_scoped3A : memref<!tpu.dma_semaphore, #tpu.memory_space<semaphore_mem>>)
      %dma_wait3A_75 = arith.constant 0 : i32
      %dma_wait3A_76 = tpu.memref_slice %arg14[%add3A_12, %dma_wait3A_75] : memref<10240x128xf32, #tpu.memory_space<vmem_shared>> -> memref<80x128xf32, #tpu.memory_space<vmem_shared>>
      %dma_wait3A_77 = arith.constant 0 : i32
      %dma_wait3A_78 = tpu.memref_slice %arg14[%add3A_12, %dma_wait3A_77] : memref<10240x128xf32, #tpu.memory_space<vmem_shared>> -> memref<80x128xf32, #tpu.memory_space<vmem_shared>>
      tpu.wait_dma2 semaphore(%run_scoped3A : memref<!tpu.dma_semaphore, #tpu.memory_space<semaphore_mem>>) src(%arg10 : memref<80x128xf32, #tpu.memory_space<vmem>>) dst(%dma_wait3A_78 : memref<80x128xf32, #tpu.memory_space<vmem_shared>>)
      tpu.yield
    }) : () -> ()
    %add3A_13 = arith.constant 400 : i32
    %add3A_14 = arith.addi %mul3A_2, %add3A_13 : i32
    "tpu.region"() ({
      %run_scoped3A = tpu.sem_alloc : memref<!tpu.dma_semaphore, #tpu.memory_space<semaphore_mem>>
      %dma_start3A_71 = arith.constant 0 : i32
      %dma_start3A_72 = tpu.memref_slice %arg14[%add3A_14, %dma_start3A_71] : memref<10240x128xf32, #tpu.memory_space<vmem_shared>> -> memref<80x128xf32, #tpu.memory_space<vmem_shared>>
      %dma_start3A_73 = arith.constant 0 : i32
      %dma_start3A_74 = tpu.memref_slice %arg14[%add3A_14, %dma_start3A_73] : memref<10240x128xf32, #tpu.memory_space<vmem_shared>> -> memref<80x128xf32, #tpu.memory_space<vmem_shared>>
      tpu.enqueue_dma source(%arg10 : memref<80x128xf32, #tpu.memory_space<vmem>>) target(%dma_start3A_74 : memref<80x128xf32, #tpu.memory_space<vmem_shared>>) target_semaphore(%run_scoped3A : memref<!tpu.dma_semaphore, #tpu.memory_space<semaphore_mem>>)
      %dma_wait3A_75 = arith.constant 0 : i32
      %dma_wait3A_76 = tpu.memref_slice %arg14[%add3A_14, %dma_wait3A_75] : memref<10240x128xf32, #tpu.memory_space<vmem_shared>> -> memref<80x128xf32, #tpu.memory_space<vmem_shared>>
      %dma_wait3A_77 = arith.constant 0 : i32
      %dma_wait3A_78 = tpu.memref_slice %arg14[%add3A_14, %dma_wait3A_77] : memref<10240x128xf32, #tpu.memory_space<vmem_shared>> -> memref<80x128xf32, #tpu.memory_space<vmem_shared>>
      tpu.wait_dma2 semaphore(%run_scoped3A : memref<!tpu.dma_semaphore, #tpu.memory_space<semaphore_mem>>) src(%arg10 : memref<80x128xf32, #tpu.memory_space<vmem>>) dst(%dma_wait3A_78 : memref<80x128xf32, #tpu.memory_space<vmem_shared>>)
      tpu.yield
    }) : () -> ()
    %add3A_15 = arith.constant 480 : i32
    %add3A_16 = arith.addi %mul3A_2, %add3A_15 : i32
    "tpu.region"() ({
      %run_scoped3A = tpu.sem_alloc : memref<!tpu.dma_semaphore, #tpu.memory_space<semaphore_mem>>
      %dma_start3A_71 = arith.constant 0 : i32
      %dma_start3A_72 = tpu.memref_slice %arg14[%add3A_16, %dma_start3A_71] : memref<10240x128xf32, #tpu.memory_space<vmem_shared>> -> memref<80x128xf32, #tpu.memory_space<vmem_shared>>
      %dma_start3A_73 = arith.constant 0 : i32
      %dma_start3A_74 = tpu.memref_slice %arg14[%add3A_16, %dma_start3A_73] : memref<10240x128xf32, #tpu.memory_space<vmem_shared>> -> memref<80x128xf32, #tpu.memory_space<vmem_shared>>
      tpu.enqueue_dma source(%arg10 : memref<80x128xf32, #tpu.memory_space<vmem>>) target(%dma_start3A_74 : memref<80x128xf32, #tpu.memory_space<vmem_shared>>) target_semaphore(%run_scoped3A : memref<!tpu.dma_semaphore, #tpu.memory_space<semaphore_mem>>)
      %dma_wait3A_75 = arith.constant 0 : i32
      %dma_wait3A_76 = tpu.memref_slice %arg14[%add3A_16, %dma_wait3A_75] : memref<10240x128xf32, #tpu.memory_space<vmem_shared>> -> memref<80x128xf32, #tpu.memory_space<vmem_shared>>
      %dma_wait3A_77 = arith.constant 0 : i32
      %dma_wait3A_78 = tpu.memref_slice %arg14[%add3A_16, %dma_wait3A_77] : memref<10240x128xf32, #tpu.memory_space<vmem_shared>> -> memref<80x128xf32, #tpu.memory_space<vmem_shared>>
      tpu.wait_dma2 semaphore(%run_scoped3A : memref<!tpu.dma_semaphore, #tpu.memory_space<semaphore_mem>>) src(%arg10 : memref<80x128xf32, #tpu.memory_space<vmem>>) dst(%dma_wait3A_78 : memref<80x128xf32, #tpu.memory_space<vmem_shared>>)
      tpu.yield
    }) : () -> ()
    %add3A_17 = arith.constant 560 : i32
    %add3A_18 = arith.addi %mul3A_2, %add3A_17 : i32
    "tpu.region"() ({
      %run_scoped3A = tpu.sem_alloc : memref<!tpu.dma_semaphore, #tpu.memory_space<semaphore_mem>>
      %dma_start3A_71 = arith.constant 0 : i32
      %dma_start3A_72 = tpu.memref_slice %arg14[%add3A_18, %dma_start3A_71] : memref<10240x128xf32, #tpu.memory_space<vmem_shared>> -> memref<80x128xf32, #tpu.memory_space<vmem_shared>>
      %dma_start3A_73 = arith.constant 0 : i32
      %dma_start3A_74 = tpu.memref_slice %arg14[%add3A_18, %dma_start3A_73] : memref<10240x128xf32, #tpu.memory_space<vmem_shared>> -> memref<80x128xf32, #tpu.memory_space<vmem_shared>>
      tpu.enqueue_dma source(%arg10 : memref<80x128xf32, #tpu.memory_space<vmem>>) target(%dma_start3A_74 : memref<80x128xf32, #tpu.memory_space<vmem_shared>>) target_semaphore(%run_scoped3A : memref<!tpu.dma_semaphore, #tpu.memory_space<semaphore_mem>>)
      %dma_wait3A_75 = arith.constant 0 : i32
      %dma_wait3A_76 = tpu.memref_slice %arg14[%add3A_18, %dma_wait3A_75] : memref<10240x128xf32, #tpu.memory_space<vmem_shared>> -> memref<80x128xf32, #tpu.memory_space<vmem_shared>>
      %dma_wait3A_77 = arith.constant 0 : i32
      %dma_wait3A_78 = tpu.memref_slice %arg14[%add3A_18, %dma_wait3A_77] : memref<10240x128xf32, #tpu.memory_space<vmem_shared>> -> memref<80x128xf32, #tpu.memory_space<vmem_shared>>
      tpu.wait_dma2 semaphore(%run_scoped3A : memref<!tpu.dma_semaphore, #tpu.memory_space<semaphore_mem>>) src(%arg10 : memref<80x128xf32, #tpu.memory_space<vmem>>) dst(%dma_wait3A_78 : memref<80x128xf32, #tpu.memory_space<vmem_shared>>)
      tpu.yield
    }) : () -> ()
    %dma_start3A = arith.constant 0 : i32
    %dma_start3A_19 = arith.constant 0 : i32
    %dma_start3A_20 = arith.constant 0 : i32
    %dma_start3A_21 = tpu.memref_slice %arg3[%add3A, %dma_start3A, %dma_start3A_19, %dma_start3A_20] : memref<32x128x2x80xi32, #tpu.memory_space<hbm>> -> memref<1x1x2x80xi32, #tpu.memory_space<hbm>>
    %dma_start3A_22 = tpu.memref_squeeze %dma_start3A_21 : memref<1x1x2x80xi32, #tpu.memory_space<hbm>> -> memref<2x80xi32, #tpu.memory_space<hbm>>
    %dma_start3A_23 = arith.constant 0 : i32
    %dma_start3A_24 = arith.constant 0 : i32
    %dma_start3A_25 = tpu.memref_slice %arg3[%add3A, %dma_start3A, %dma_start3A_23, %dma_start3A_24] : memref<32x128x2x80xi32, #tpu.memory_space<hbm>> -> memref<1x1x2x80xi32, #tpu.memory_space<hbm>>
    %dma_start3A_26 = tpu.memref_squeeze %dma_start3A_25 : memref<1x1x2x80xi32, #tpu.memory_space<hbm>> -> memref<2x80xi32, #tpu.memory_space<hbm>>
    tpu.enqueue_dma source(%dma_start3A_26 : memref<2x80xi32, #tpu.memory_space<hbm>>) target(%arg6 : memref<2x80xi32, #tpu.memory_space<vmem>>) target_semaphore(%arg15 : memref<!tpu.dma_semaphore, #tpu.memory_space<semaphore_mem>>)
    %dma_start3A_27 = arith.constant 1 : i32
    %dma_start3A_28 = arith.constant 0 : i32
    %dma_start3A_29 = arith.constant 0 : i32
    %dma_start3A_30 = tpu.memref_slice %arg3[%add3A, %dma_start3A_27, %dma_start3A_28, %dma_start3A_29] : memref<32x128x2x80xi32, #tpu.memory_space<hbm>> -> memref<1x1x2x80xi32, #tpu.memory_space<hbm>>
    %dma_start3A_31 = tpu.memref_squeeze %dma_start3A_30 : memref<1x1x2x80xi32, #tpu.memory_space<hbm>> -> memref<2x80xi32, #tpu.memory_space<hbm>>
    %dma_start3A_32 = arith.constant 0 : i32
    %dma_start3A_33 = arith.constant 0 : i32
    %dma_start3A_34 = tpu.memref_slice %arg3[%add3A, %dma_start3A_27, %dma_start3A_32, %dma_start3A_33] : memref<32x128x2x80xi32, #tpu.memory_space<hbm>> -> memref<1x1x2x80xi32, #tpu.memory_space<hbm>>
    %dma_start3A_35 = tpu.memref_squeeze %dma_start3A_34 : memref<1x1x2x80xi32, #tpu.memory_space<hbm>> -> memref<2x80xi32, #tpu.memory_space<hbm>>
    tpu.enqueue_dma source(%dma_start3A_35 : memref<2x80xi32, #tpu.memory_space<hbm>>) target(%arg7 : memref<2x80xi32, #tpu.memory_space<vmem>>) target_semaphore(%arg16 : memref<!tpu.dma_semaphore, #tpu.memory_space<semaphore_mem>>)
    %barrier3A = arith.constant 0 : index
    tpu.barrier barrier_id(%barrier3A)
    %dma_wait3A = arith.constant 0 : i32
    %dma_wait3A_36 = arith.constant 0 : i32
    %dma_wait3A_37 = arith.constant 0 : i32
    %dma_wait3A_38 = tpu.memref_slice %arg3[%add3A, %dma_wait3A, %dma_wait3A_36, %dma_wait3A_37] : memref<32x128x2x80xi32, #tpu.memory_space<hbm>> -> memref<1x1x2x80xi32, #tpu.memory_space<hbm>>
    %dma_wait3A_39 = tpu.memref_squeeze %dma_wait3A_38 : memref<1x1x2x80xi32, #tpu.memory_space<hbm>> -> memref<2x80xi32, #tpu.memory_space<hbm>>
    %dma_wait3A_40 = arith.constant 0 : i32
    %dma_wait3A_41 = arith.constant 0 : i32
    %dma_wait3A_42 = tpu.memref_slice %arg3[%add3A, %dma_wait3A, %dma_wait3A_40, %dma_wait3A_41] : memref<32x128x2x80xi32, #tpu.memory_space<hbm>> -> memref<1x1x2x80xi32, #tpu.memory_space<hbm>>
    %dma_wait3A_43 = tpu.memref_squeeze %dma_wait3A_42 : memref<1x1x2x80xi32, #tpu.memory_space<hbm>> -> memref<2x80xi32, #tpu.memory_space<hbm>>
    tpu.wait_dma2 semaphore(%arg15 : memref<!tpu.dma_semaphore, #tpu.memory_space<semaphore_mem>>) src(%dma_wait3A_43 : memref<2x80xi32, #tpu.memory_space<hbm>>) dst(%arg6 : memref<2x80xi32, #tpu.memory_space<vmem>>)
    %dma_start3A_44 = arith.constant 0 : i32
    %dma_start3A_45 = arith.constant 0 : i32
    %dma_start3A_46 = tpu.memref_slice %arg6[%dma_start3A_44, %dma_start3A_45] : memref<2x80xi32, #tpu.memory_space<vmem>> -> memref<1x80xi32, #tpu.memory_space<vmem>>
    %dma_start3A_47 = tpu.memref_squeeze %dma_start3A_46 : memref<1x80xi32, #tpu.memory_space<vmem>> -> memref<80xi32, #tpu.memory_space<vmem>>
    %dma_start3A_48 = arith.constant 0 : i32
    %dma_start3A_49 = arith.constant 0 : i32
    %dma_start3A_50 = tpu.memref_slice %arg2[%dma_start3A_48, %dma_start3A_49] : memref<10000x128xf32, #tpu.memory_space<hbm>> -> memref<10000x128xf32, #tpu.memory_space<hbm>>
    tpu.enqueue_indirect_dma source(%dma_start3A_50 : memref<10000x128xf32, #tpu.memory_space<hbm>>) target(%arg10 : memref<80x128xf32, #tpu.memory_space<vmem>>) offsets(%dma_start3A_47 : memref<80xi32, #tpu.memory_space<vmem>>) semaphore(%arg19 : memref<!tpu.dma_semaphore, #tpu.memory_space<semaphore_mem>>)
    %scan3A = arith.constant 0 : i32
    %scan3A_51 = arith.constant 0 : i32
    %scan3A_52 = arith.constant 32 : i32
    %scan3A_53 = arith.addi %scan3A_51, %scan3A_52 : i32
    %scan3A_54 = arith.constant 1 : i32
    scf.for %scan3A_71 = %scan3A_51 to %scan3A_53 step %scan3A_54  : i32 {
      %mul3A_72 = arith.constant 4 : i32
      %mul3A_73 = arith.muli %mul3A_72, %scan3A_71 : i32
      %add3A_74 = arith.constant 0 : i32
      %add3A_75 = arith.addi %mul3A_73, %add3A_74 : i32
      %dma_wait3A_76 = arith.constant 0 : i32
      %dma_wait3A_77 = arith.constant 0 : i32
      %dma_wait3A_78 = tpu.memref_slice %arg6[%dma_wait3A_76, %dma_wait3A_77] : memref<2x80xi32, #tpu.memory_space<vmem>> -> memref<1x80xi32, #tpu.memory_space<vmem>>
      %dma_wait3A_79 = tpu.memref_squeeze %dma_wait3A_78 : memref<1x80xi32, #tpu.memory_space<vmem>> -> memref<80xi32, #tpu.memory_space<vmem>>
      %dma_wait3A_80 = arith.constant 0 : i32
      %dma_wait3A_81 = arith.constant 0 : i32
      %dma_wait3A_82 = tpu.memref_slice %arg2[%dma_wait3A_80, %dma_wait3A_81] : memref<10000x128xf32, #tpu.memory_space<hbm>> -> memref<10000x128xf32, #tpu.memory_space<hbm>>
      tpu.wait_indirect_dma semaphore(%arg19 : memref<!tpu.dma_semaphore, #tpu.memory_space<semaphore_mem>>) src(%dma_wait3A_82 : memref<10000x128xf32, #tpu.memory_space<hbm>>) dst(%arg10 : memref<80x128xf32, #tpu.memory_space<vmem>>)
      %dma_start3A_83 = arith.constant 1 : i32
      %dma_start3A_84 = arith.constant 0 : i32
      %dma_start3A_85 = tpu.memref_slice %arg6[%dma_start3A_83, %dma_start3A_84] : memref<2x80xi32, #tpu.memory_space<vmem>> -> memref<1x80xi32, #tpu.memory_space<vmem>>
      %dma_start3A_86 = tpu.memref_squeeze %dma_start3A_85 : memref<1x80xi32, #tpu.memory_space<vmem>> -> memref<80xi32, #tpu.memory_space<vmem>>
      %dma_start3A_87 = arith.constant 0 : i32
      %dma_start3A_88 = arith.constant 0 : i32
      %dma_start3A_89 = tpu.memref_slice %arg14[%dma_start3A_87, %dma_start3A_88] : memref<10240x128xf32, #tpu.memory_space<vmem_shared>> -> memref<10240x128xf32, #tpu.memory_space<vmem_shared>>
      tpu.enqueue_indirect_dma source(%arg10 : memref<80x128xf32, #tpu.memory_space<vmem>>) target(%dma_start3A_89 : memref<10240x128xf32, #tpu.memory_space<vmem_shared>>) offsets(%dma_start3A_86 : memref<80xi32, #tpu.memory_space<vmem>>) semaphore(%arg23 : memref<!tpu.dma_semaphore, #tpu.memory_space<semaphore_mem>>) {add = true}
      %add3A_90 = arith.constant 1 : i32
      %add3A_91 = arith.addi %add3A_75, %add3A_90 : i32
      %lt3A = arith.constant 128 : i32
      %lt3A_92 = arith.cmpi slt, %add3A_91, %lt3A : i32
      %convert_element_type3A = arith.extui %lt3A_92 : i1 to i32
      %cond3A = arith.constant 0 : i32
      %cond3A_93 = arith.cmpi ne, %convert_element_type3A, %cond3A : i32
      scf.if %cond3A_93 {
        %add3A_191 = arith.constant 1 : i32
        %add3A_192 = arith.addi %add3A_75, %add3A_191 : i32
        %dma_wait3A_193 = arith.constant 0 : i32
        %dma_wait3A_194 = arith.constant 0 : i32
        %dma_wait3A_195 = tpu.memref_slice %arg3[%add3A, %add3A_192, %dma_wait3A_193, %dma_wait3A_194] : memref<32x128x2x80xi32, #tpu.memory_space<hbm>> -> memref<1x1x2x80xi32, #tpu.memory_space<hbm>>
        %dma_wait3A_196 = tpu.memref_squeeze %dma_wait3A_195 : memref<1x1x2x80xi32, #tpu.memory_space<hbm>> -> memref<2x80xi32, #tpu.memory_space<hbm>>
        %dma_wait3A_197 = arith.constant 0 : i32
        %dma_wait3A_198 = arith.constant 0 : i32
        %dma_wait3A_199 = tpu.memref_slice %arg3[%add3A, %add3A_192, %dma_wait3A_197, %dma_wait3A_198] : memref<32x128x2x80xi32, #tpu.memory_space<hbm>> -> memref<1x1x2x80xi32, #tpu.memory_space<hbm>>
        %dma_wait3A_200 = tpu.memref_squeeze %dma_wait3A_199 : memref<1x1x2x80xi32, #tpu.memory_space<hbm>> -> memref<2x80xi32, #tpu.memory_space<hbm>>
        tpu.wait_dma2 semaphore(%arg16 : memref<!tpu.dma_semaphore, #tpu.memory_space<semaphore_mem>>) src(%dma_wait3A_200 : memref<2x80xi32, #tpu.memory_space<hbm>>) dst(%arg7 : memref<2x80xi32, #tpu.memory_space<vmem>>)
        %dma_start3A_201 = arith.constant 0 : i32
        %dma_start3A_202 = arith.constant 0 : i32
        %dma_start3A_203 = tpu.memref_slice %arg7[%dma_start3A_201, %dma_start3A_202] : memref<2x80xi32, #tpu.memory_space<vmem>> -> memref<1x80xi32, #tpu.memory_space<vmem>>
        %dma_start3A_204 = tpu.memref_squeeze %dma_start3A_203 : memref<1x80xi32, #tpu.memory_space<vmem>> -> memref<80xi32, #tpu.memory_space<vmem>>
        %dma_start3A_205 = arith.constant 0 : i32
        %dma_start3A_206 = arith.constant 0 : i32
        %dma_start3A_207 = tpu.memref_slice %arg2[%dma_start3A_205, %dma_start3A_206] : memref<10000x128xf32, #tpu.memory_space<hbm>> -> memref<10000x128xf32, #tpu.memory_space<hbm>>
        tpu.enqueue_indirect_dma source(%dma_start3A_207 : memref<10000x128xf32, #tpu.memory_space<hbm>>) target(%arg11 : memref<80x128xf32, #tpu.memory_space<vmem>>) offsets(%dma_start3A_204 : memref<80xi32, #tpu.memory_space<vmem>>) semaphore(%arg20 : memref<!tpu.dma_semaphore, #tpu.memory_space<semaphore_mem>>)
      } else {
      }
      %add3A_94 = arith.constant 2 : i32
      %add3A_95 = arith.addi %add3A_75, %add3A_94 : i32
      %lt3A_96 = arith.constant 128 : i32
      %lt3A_97 = arith.cmpi slt, %add3A_95, %lt3A_96 : i32
      %convert_element_type3A_98 = arith.extui %lt3A_97 : i1 to i32
      %cond3A_99 = arith.constant 0 : i32
      %cond3A_100 = arith.cmpi ne, %convert_element_type3A_98, %cond3A_99 : i32
      scf.if %cond3A_100 {
        %ge3A = arith.constant 2 : i32
        %ge3A_191 = arith.cmpi sge, %add3A_75, %ge3A : i32
        %convert_element_type3A_192 = arith.extui %ge3A_191 : i1 to i32
        %cond3A_193 = arith.constant 0 : i32
        %cond3A_194 = arith.cmpi ne, %convert_element_type3A_192, %cond3A_193 : i32
        scf.if %cond3A_194 {
          %dma_wait3A_205 = arith.constant 1 : i32
          %dma_wait3A_206 = arith.constant 0 : i32
          %dma_wait3A_207 = tpu.memref_slice %arg8[%dma_wait3A_205, %dma_wait3A_206] : memref<2x80xi32, #tpu.memory_space<vmem>> -> memref<1x80xi32, #tpu.memory_space<vmem>>
          %dma_wait3A_208 = tpu.memref_squeeze %dma_wait3A_207 : memref<1x80xi32, #tpu.memory_space<vmem>> -> memref<80xi32, #tpu.memory_space<vmem>>
          %dma_wait3A_209 = arith.constant 0 : i32
          %dma_wait3A_210 = arith.constant 0 : i32
          %dma_wait3A_211 = tpu.memref_slice %arg14[%dma_wait3A_209, %dma_wait3A_210] : memref<10240x128xf32, #tpu.memory_space<vmem_shared>> -> memref<10240x128xf32, #tpu.memory_space<vmem_shared>>
          tpu.wait_indirect_dma semaphore(%arg25 : memref<!tpu.dma_semaphore, #tpu.memory_space<semaphore_mem>>) src(%arg12 : memref<80x128xf32, #tpu.memory_space<vmem>>) dst(%dma_wait3A_211 : memref<10240x128xf32, #tpu.memory_space<vmem_shared>>)
        } else {
        }
        %add3A_195 = arith.constant 2 : i32
        %add3A_196 = arith.addi %add3A_75, %add3A_195 : i32
        %dma_start3A_197 = arith.constant 0 : i32
        %dma_start3A_198 = arith.constant 0 : i32
        %dma_start3A_199 = tpu.memref_slice %arg3[%add3A, %add3A_196, %dma_start3A_197, %dma_start3A_198] : memref<32x128x2x80xi32, #tpu.memory_space<hbm>> -> memref<1x1x2x80xi32, #tpu.memory_space<hbm>>
        %dma_start3A_200 = tpu.memref_squeeze %dma_start3A_199 : memref<1x1x2x80xi32, #tpu.memory_space<hbm>> -> memref<2x80xi32, #tpu.memory_space<hbm>>
        %dma_start3A_201 = arith.constant 0 : i32
        %dma_start3A_202 = arith.constant 0 : i32
        %dma_start3A_203 = tpu.memref_slice %arg3[%add3A, %add3A_196, %dma_start3A_201, %dma_start3A_202] : memref<32x128x2x80xi32, #tpu.memory_space<hbm>> -> memref<1x1x2x80xi32, #tpu.memory_space<hbm>>
        %dma_start3A_204 = tpu.memref_squeeze %dma_start3A_203 : memref<1x1x2x80xi32, #tpu.memory_space<hbm>> -> memref<2x80xi32, #tpu.memory_space<hbm>>
        tpu.enqueue_dma source(%dma_start3A_204 : memref<2x80xi32, #tpu.memory_space<hbm>>) target(%arg8 : memref<2x80xi32, #tpu.memory_space<vmem>>) target_semaphore(%arg17 : memref<!tpu.dma_semaphore, #tpu.memory_space<semaphore_mem>>)
      } else {
      }
      %add3A_101 = arith.constant 1 : i32
      %add3A_102 = arith.addi %mul3A_73, %add3A_101 : i32
      %dma_wait3A_103 = arith.constant 0 : i32
      %dma_wait3A_104 = arith.constant 0 : i32
      %dma_wait3A_105 = tpu.memref_slice %arg7[%dma_wait3A_103, %dma_wait3A_104] : memref<2x80xi32, #tpu.memory_space<vmem>> -> memref<1x80xi32, #tpu.memory_space<vmem>>
      %dma_wait3A_106 = tpu.memref_squeeze %dma_wait3A_105 : memref<1x80xi32, #tpu.memory_space<vmem>> -> memref<80xi32, #tpu.memory_space<vmem>>
      %dma_wait3A_107 = arith.constant 0 : i32
      %dma_wait3A_108 = arith.constant 0 : i32
      %dma_wait3A_109 = tpu.memref_slice %arg2[%dma_wait3A_107, %dma_wait3A_108] : memref<10000x128xf32, #tpu.memory_space<hbm>> -> memref<10000x128xf32, #tpu.memory_space<hbm>>
      tpu.wait_indirect_dma semaphore(%arg20 : memref<!tpu.dma_semaphore, #tpu.memory_space<semaphore_mem>>) src(%dma_wait3A_109 : memref<10000x128xf32, #tpu.memory_space<hbm>>) dst(%arg11 : memref<80x128xf32, #tpu.memory_space<vmem>>)
      %dma_start3A_110 = arith.constant 1 : i32
      %dma_start3A_111 = arith.constant 0 : i32
      %dma_start3A_112 = tpu.memref_slice %arg7[%dma_start3A_110, %dma_start3A_111] : memref<2x80xi32, #tpu.memory_space<vmem>> -> memref<1x80xi32, #tpu.memory_space<vmem>>
      %dma_start3A_113 = tpu.memref_squeeze %dma_start3A_112 : memref<1x80xi32, #tpu.memory_space<vmem>> -> memref<80xi32, #tpu.memory_space<vmem>>
      %dma_start3A_114 = arith.constant 0 : i32
      %dma_start3A_115 = arith.constant 0 : i32
      %dma_start3A_116 = tpu.memref_slice %arg14[%dma_start3A_114, %dma_start3A_115] : memref<10240x128xf32, #tpu.memory_space<vmem_shared>> -> memref<10240x128xf32, #tpu.memory_space<vmem_shared>>
      tpu.enqueue_indirect_dma source(%arg11 : memref<80x128xf32, #tpu.memory_space<vmem>>) target(%dma_start3A_116 : memref<10240x128xf32, #tpu.memory_space<vmem_shared>>) offsets(%dma_start3A_113 : memref<80xi32, #tpu.memory_space<vmem>>) semaphore(%arg24 : memref<!tpu.dma_semaphore, #tpu.memory_space<semaphore_mem>>) {add = true}
      %add3A_117 = arith.constant 1 : i32
      %add3A_118 = arith.addi %add3A_102, %add3A_117 : i32
      %lt3A_119 = arith.constant 128 : i32
      %lt3A_120 = arith.cmpi slt, %add3A_118, %lt3A_119 : i32
      %convert_element_type3A_121 = arith.extui %lt3A_120 : i1 to i32
      %cond3A_122 = arith.constant 0 : i32
      %cond3A_123 = arith.cmpi ne, %convert_element_type3A_121, %cond3A_122 : i32
      scf.if %cond3A_123 {
        %add3A_191 = arith.constant 1 : i32
        %add3A_192 = arith.addi %add3A_102, %add3A_191 : i32
        %dma_wait3A_193 = arith.constant 0 : i32
        %dma_wait3A_194 = arith.constant 0 : i32
        %dma_wait3A_195 = tpu.memref_slice %arg3[%add3A, %add3A_192, %dma_wait3A_193, %dma_wait3A_194] : memref<32x128x2x80xi32, #tpu.memory_space<hbm>> -> memref<1x1x2x80xi32, #tpu.memory_space<hbm>>
        %dma_wait3A_196 = tpu.memref_squeeze %dma_wait3A_195 : memref<1x1x2x80xi32, #tpu.memory_space<hbm>> -> memref<2x80xi32, #tpu.memory_space<hbm>>
        %dma_wait3A_197 = arith.constant 0 : i32
        %dma_wait3A_198 = arith.constant 0 : i32
        %dma_wait3A_199 = tpu.memref_slice %arg3[%add3A, %add3A_192, %dma_wait3A_197, %dma_wait3A_198] : memref<32x128x2x80xi32, #tpu.memory_space<hbm>> -> memref<1x1x2x80xi32, #tpu.memory_space<hbm>>
        %dma_wait3A_200 = tpu.memref_squeeze %dma_wait3A_199 : memref<1x1x2x80xi32, #tpu.memory_space<hbm>> -> memref<2x80xi32, #tpu.memory_space<hbm>>
        tpu.wait_dma2 semaphore(%arg17 : memref<!tpu.dma_semaphore, #tpu.memory_space<semaphore_mem>>) src(%dma_wait3A_200 : memref<2x80xi32, #tpu.memory_space<hbm>>) dst(%arg8 : memref<2x80xi32, #tpu.memory_space<vmem>>)
        %dma_start3A_201 = arith.constant 0 : i32
        %dma_start3A_202 = arith.constant 0 : i32
        %dma_start3A_203 = tpu.memref_slice %arg8[%dma_start3A_201, %dma_start3A_202] : memref<2x80xi32, #tpu.memory_space<vmem>> -> memref<1x80xi32, #tpu.memory_space<vmem>>
        %dma_start3A_204 = tpu.memref_squeeze %dma_start3A_203 : memref<1x80xi32, #tpu.memory_space<vmem>> -> memref<80xi32, #tpu.memory_space<vmem>>
        %dma_start3A_205 = arith.constant 0 : i32
        %dma_start3A_206 = arith.constant 0 : i32
        %dma_start3A_207 = tpu.memref_slice %arg2[%dma_start3A_205, %dma_start3A_206] : memref<10000x128xf32, #tpu.memory_space<hbm>> -> memref<10000x128xf32, #tpu.memory_space<hbm>>
        tpu.enqueue_indirect_dma source(%dma_start3A_207 : memref<10000x128xf32, #tpu.memory_space<hbm>>) target(%arg12 : memref<80x128xf32, #tpu.memory_space<vmem>>) offsets(%dma_start3A_204 : memref<80xi32, #tpu.memory_space<vmem>>) semaphore(%arg21 : memref<!tpu.dma_semaphore, #tpu.memory_space<semaphore_mem>>)
      } else {
      }
      %add3A_124 = arith.constant 2 : i32
      %add3A_125 = arith.addi %add3A_102, %add3A_124 : i32
      %lt3A_126 = arith.constant 128 : i32
      %lt3A_127 = arith.cmpi slt, %add3A_125, %lt3A_126 : i32
      %convert_element_type3A_128 = arith.extui %lt3A_127 : i1 to i32
      %cond3A_129 = arith.constant 0 : i32
      %cond3A_130 = arith.cmpi ne, %convert_element_type3A_128, %cond3A_129 : i32
      scf.if %cond3A_130 {
        %ge3A = arith.constant 2 : i32
        %ge3A_191 = arith.cmpi sge, %add3A_102, %ge3A : i32
        %convert_element_type3A_192 = arith.extui %ge3A_191 : i1 to i32
        %cond3A_193 = arith.constant 0 : i32
        %cond3A_194 = arith.cmpi ne, %convert_element_type3A_192, %cond3A_193 : i32
        scf.if %cond3A_194 {
          %dma_wait3A_205 = arith.constant 1 : i32
          %dma_wait3A_206 = arith.constant 0 : i32
          %dma_wait3A_207 = tpu.memref_slice %arg9[%dma_wait3A_205, %dma_wait3A_206] : memref<2x80xi32, #tpu.memory_space<vmem>> -> memref<1x80xi32, #tpu.memory_space<vmem>>
          %dma_wait3A_208 = tpu.memref_squeeze %dma_wait3A_207 : memref<1x80xi32, #tpu.memory_space<vmem>> -> memref<80xi32, #tpu.memory_space<vmem>>
          %dma_wait3A_209 = arith.constant 0 : i32
          %dma_wait3A_210 = arith.constant 0 : i32
          %dma_wait3A_211 = tpu.memref_slice %arg14[%dma_wait3A_209, %dma_wait3A_210] : memref<10240x128xf32, #tpu.memory_space<vmem_shared>> -> memref<10240x128xf32, #tpu.memory_space<vmem_shared>>
          tpu.wait_indirect_dma semaphore(%arg26 : memref<!tpu.dma_semaphore, #tpu.memory_space<semaphore_mem>>) src(%arg13 : memref<80x128xf32, #tpu.memory_space<vmem>>) dst(%dma_wait3A_211 : memref<10240x128xf32, #tpu.memory_space<vmem_shared>>)
        } else {
        }
        %add3A_195 = arith.constant 2 : i32
        %add3A_196 = arith.addi %add3A_102, %add3A_195 : i32
        %dma_start3A_197 = arith.constant 0 : i32
        %dma_start3A_198 = arith.constant 0 : i32
        %dma_start3A_199 = tpu.memref_slice %arg3[%add3A, %add3A_196, %dma_start3A_197, %dma_start3A_198] : memref<32x128x2x80xi32, #tpu.memory_space<hbm>> -> memref<1x1x2x80xi32, #tpu.memory_space<hbm>>
        %dma_start3A_200 = tpu.memref_squeeze %dma_start3A_199 : memref<1x1x2x80xi32, #tpu.memory_space<hbm>> -> memref<2x80xi32, #tpu.memory_space<hbm>>
        %dma_start3A_201 = arith.constant 0 : i32
        %dma_start3A_202 = arith.constant 0 : i32
        %dma_start3A_203 = tpu.memref_slice %arg3[%add3A, %add3A_196, %dma_start3A_201, %dma_start3A_202] : memref<32x128x2x80xi32, #tpu.memory_space<hbm>> -> memref<1x1x2x80xi32, #tpu.memory_space<hbm>>
        %dma_start3A_204 = tpu.memref_squeeze %dma_start3A_203 : memref<1x1x2x80xi32, #tpu.memory_space<hbm>> -> memref<2x80xi32, #tpu.memory_space<hbm>>
        tpu.enqueue_dma source(%dma_start3A_204 : memref<2x80xi32, #tpu.memory_space<hbm>>) target(%arg9 : memref<2x80xi32, #tpu.memory_space<vmem>>) target_semaphore(%arg18 : memref<!tpu.dma_semaphore, #tpu.memory_space<semaphore_mem>>)
      } else {
      }
      %add3A_131 = arith.constant 2 : i32
      %add3A_132 = arith.addi %mul3A_73, %add3A_131 : i32
      %dma_wait3A_133 = arith.constant 0 : i32
      %dma_wait3A_134 = arith.constant 0 : i32
      %dma_wait3A_135 = tpu.memref_slice %arg8[%dma_wait3A_133, %dma_wait3A_134] : memref<2x80xi32, #tpu.memory_space<vmem>> -> memref<1x80xi32, #tpu.memory_space<vmem>>
      %dma_wait3A_136 = tpu.memref_squeeze %dma_wait3A_135 : memref<1x80xi32, #tpu.memory_space<vmem>> -> memref<80xi32, #tpu.memory_space<vmem>>
      %dma_wait3A_137 = arith.constant 0 : i32
      %dma_wait3A_138 = arith.constant 0 : i32
      %dma_wait3A_139 = tpu.memref_slice %arg2[%dma_wait3A_137, %dma_wait3A_138] : memref<10000x128xf32, #tpu.memory_space<hbm>> -> memref<10000x128xf32, #tpu.memory_space<hbm>>
      tpu.wait_indirect_dma semaphore(%arg21 : memref<!tpu.dma_semaphore, #tpu.memory_space<semaphore_mem>>) src(%dma_wait3A_139 : memref<10000x128xf32, #tpu.memory_space<hbm>>) dst(%arg12 : memref<80x128xf32, #tpu.memory_space<vmem>>)
      %dma_start3A_140 = arith.constant 1 : i32
      %dma_start3A_141 = arith.constant 0 : i32
      %dma_start3A_142 = tpu.memref_slice %arg8[%dma_start3A_140, %dma_start3A_141] : memref<2x80xi32, #tpu.memory_space<vmem>> -> memref<1x80xi32, #tpu.memory_space<vmem>>
      %dma_start3A_143 = tpu.memref_squeeze %dma_start3A_142 : memref<1x80xi32, #tpu.memory_space<vmem>> -> memref<80xi32, #tpu.memory_space<vmem>>
      %dma_start3A_144 = arith.constant 0 : i32
      %dma_start3A_145 = arith.constant 0 : i32
      %dma_start3A_146 = tpu.memref_slice %arg14[%dma_start3A_144, %dma_start3A_145] : memref<10240x128xf32, #tpu.memory_space<vmem_shared>> -> memref<10240x128xf32, #tpu.memory_space<vmem_shared>>
      tpu.enqueue_indirect_dma source(%arg12 : memref<80x128xf32, #tpu.memory_space<vmem>>) target(%dma_start3A_146 : memref<10240x128xf32, #tpu.memory_space<vmem_shared>>) offsets(%dma_start3A_143 : memref<80xi32, #tpu.memory_space<vmem>>) semaphore(%arg25 : memref<!tpu.dma_semaphore, #tpu.memory_space<semaphore_mem>>) {add = true}
      %add3A_147 = arith.constant 1 : i32
      %add3A_148 = arith.addi %add3A_132, %add3A_147 : i32
      %lt3A_149 = arith.constant 128 : i32
      %lt3A_150 = arith.cmpi slt, %add3A_148, %lt3A_149 : i32
      %convert_element_type3A_151 = arith.extui %lt3A_150 : i1 to i32
      %cond3A_152 = arith.constant 0 : i32
      %cond3A_153 = arith.cmpi ne, %convert_element_type3A_151, %cond3A_152 : i32
      scf.if %cond3A_153 {
        %add3A_191 = arith.constant 1 : i32
        %add3A_192 = arith.addi %add3A_132, %add3A_191 : i32
        %dma_wait3A_193 = arith.constant 0 : i32
        %dma_wait3A_194 = arith.constant 0 : i32
        %dma_wait3A_195 = tpu.memref_slice %arg3[%add3A, %add3A_192, %dma_wait3A_193, %dma_wait3A_194] : memref<32x128x2x80xi32, #tpu.memory_space<hbm>> -> memref<1x1x2x80xi32, #tpu.memory_space<hbm>>
        %dma_wait3A_196 = tpu.memref_squeeze %dma_wait3A_195 : memref<1x1x2x80xi32, #tpu.memory_space<hbm>> -> memref<2x80xi32, #tpu.memory_space<hbm>>
        %dma_wait3A_197 = arith.constant 0 : i32
        %dma_wait3A_198 = arith.constant 0 : i32
        %dma_wait3A_199 = tpu.memref_slice %arg3[%add3A, %add3A_192, %dma_wait3A_197, %dma_wait3A_198] : memref<32x128x2x80xi32, #tpu.memory_space<hbm>> -> memref<1x1x2x80xi32, #tpu.memory_space<hbm>>
        %dma_wait3A_200 = tpu.memref_squeeze %dma_wait3A_199 : memref<1x1x2x80xi32, #tpu.memory_space<hbm>> -> memref<2x80xi32, #tpu.memory_space<hbm>>
        tpu.wait_dma2 semaphore(%arg18 : memref<!tpu.dma_semaphore, #tpu.memory_space<semaphore_mem>>) src(%dma_wait3A_200 : memref<2x80xi32, #tpu.memory_space<hbm>>) dst(%arg9 : memref<2x80xi32, #tpu.memory_space<vmem>>)
        %dma_start3A_201 = arith.constant 0 : i32
        %dma_start3A_202 = arith.constant 0 : i32
        %dma_start3A_203 = tpu.memref_slice %arg9[%dma_start3A_201, %dma_start3A_202] : memref<2x80xi32, #tpu.memory_space<vmem>> -> memref<1x80xi32, #tpu.memory_space<vmem>>
        %dma_start3A_204 = tpu.memref_squeeze %dma_start3A_203 : memref<1x80xi32, #tpu.memory_space<vmem>> -> memref<80xi32, #tpu.memory_space<vmem>>
        %dma_start3A_205 = arith.constant 0 : i32
        %dma_start3A_206 = arith.constant 0 : i32
        %dma_start3A_207 = tpu.memref_slice %arg2[%dma_start3A_205, %dma_start3A_206] : memref<10000x128xf32, #tpu.memory_space<hbm>> -> memref<10000x128xf32, #tpu.memory_space<hbm>>
        tpu.enqueue_indirect_dma source(%dma_start3A_207 : memref<10000x128xf32, #tpu.memory_space<hbm>>) target(%arg13 : memref<80x128xf32, #tpu.memory_space<vmem>>) offsets(%dma_start3A_204 : memref<80xi32, #tpu.memory_space<vmem>>) semaphore(%arg22 : memref<!tpu.dma_semaphore, #tpu.memory_space<semaphore_mem>>)
      } else {
      }
      %add3A_154 = arith.constant 2 : i32
      %add3A_155 = arith.addi %add3A_132, %add3A_154 : i32
      %lt3A_156 = arith.constant 128 : i32
      %lt3A_157 = arith.cmpi slt, %add3A_155, %lt3A_156 : i32
      %convert_element_type3A_158 = arith.extui %lt3A_157 : i1 to i32
      %cond3A_159 = arith.constant 0 : i32
      %cond3A_160 = arith.cmpi ne, %convert_element_type3A_158, %cond3A_159 : i32
      scf.if %cond3A_160 {
        %ge3A = arith.constant 2 : i32
        %ge3A_191 = arith.cmpi sge, %add3A_132, %ge3A : i32
        %convert_element_type3A_192 = arith.extui %ge3A_191 : i1 to i32
        %cond3A_193 = arith.constant 0 : i32
        %cond3A_194 = arith.cmpi ne, %convert_element_type3A_192, %cond3A_193 : i32
        scf.if %cond3A_194 {
          %dma_wait3A_205 = arith.constant 1 : i32
          %dma_wait3A_206 = arith.constant 0 : i32
          %dma_wait3A_207 = tpu.memref_slice %arg6[%dma_wait3A_205, %dma_wait3A_206] : memref<2x80xi32, #tpu.memory_space<vmem>> -> memref<1x80xi32, #tpu.memory_space<vmem>>
          %dma_wait3A_208 = tpu.memref_squeeze %dma_wait3A_207 : memref<1x80xi32, #tpu.memory_space<vmem>> -> memref<80xi32, #tpu.memory_space<vmem>>
          %dma_wait3A_209 = arith.constant 0 : i32
          %dma_wait3A_210 = arith.constant 0 : i32
          %dma_wait3A_211 = tpu.memref_slice %arg14[%dma_wait3A_209, %dma_wait3A_210] : memref<10240x128xf32, #tpu.memory_space<vmem_shared>> -> memref<10240x128xf32, #tpu.memory_space<vmem_shared>>
          tpu.wait_indirect_dma semaphore(%arg23 : memref<!tpu.dma_semaphore, #tpu.memory_space<semaphore_mem>>) src(%arg10 : memref<80x128xf32, #tpu.memory_space<vmem>>) dst(%dma_wait3A_211 : memref<10240x128xf32, #tpu.memory_space<vmem_shared>>)
        } else {
        }
        %add3A_195 = arith.constant 2 : i32
        %add3A_196 = arith.addi %add3A_132, %add3A_195 : i32
        %dma_start3A_197 = arith.constant 0 : i32
        %dma_start3A_198 = arith.constant 0 : i32
        %dma_start3A_199 = tpu.memref_slice %arg3[%add3A, %add3A_196, %dma_start3A_197, %dma_start3A_198] : memref<32x128x2x80xi32, #tpu.memory_space<hbm>> -> memref<1x1x2x80xi32, #tpu.memory_space<hbm>>
        %dma_start3A_200 = tpu.memref_squeeze %dma_start3A_199 : memref<1x1x2x80xi32, #tpu.memory_space<hbm>> -> memref<2x80xi32, #tpu.memory_space<hbm>>
        %dma_start3A_201 = arith.constant 0 : i32
        %dma_start3A_202 = arith.constant 0 : i32
        %dma_start3A_203 = tpu.memref_slice %arg3[%add3A, %add3A_196, %dma_start3A_201, %dma_start3A_202] : memref<32x128x2x80xi32, #tpu.memory_space<hbm>> -> memref<1x1x2x80xi32, #tpu.memory_space<hbm>>
        %dma_start3A_204 = tpu.memref_squeeze %dma_start3A_203 : memref<1x1x2x80xi32, #tpu.memory_space<hbm>> -> memref<2x80xi32, #tpu.memory_space<hbm>>
        tpu.enqueue_dma source(%dma_start3A_204 : memref<2x80xi32, #tpu.memory_space<hbm>>) target(%arg6 : memref<2x80xi32, #tpu.memory_space<vmem>>) target_semaphore(%arg15 : memref<!tpu.dma_semaphore, #tpu.memory_space<semaphore_mem>>)
      } else {
      }
      %add3A_161 = arith.constant 3 : i32
      %add3A_162 = arith.addi %mul3A_73, %add3A_161 : i32
      %dma_wait3A_163 = arith.constant 0 : i32
      %dma_wait3A_164 = arith.constant 0 : i32
      %dma_wait3A_165 = tpu.memref_slice %arg9[%dma_wait3A_163, %dma_wait3A_164] : memref<2x80xi32, #tpu.memory_space<vmem>> -> memref<1x80xi32, #tpu.memory_space<vmem>>
      %dma_wait3A_166 = tpu.memref_squeeze %dma_wait3A_165 : memref<1x80xi32, #tpu.memory_space<vmem>> -> memref<80xi32, #tpu.memory_space<vmem>>
      %dma_wait3A_167 = arith.constant 0 : i32
      %dma_wait3A_168 = arith.constant 0 : i32
      %dma_wait3A_169 = tpu.memref_slice %arg2[%dma_wait3A_167, %dma_wait3A_168] : memref<10000x128xf32, #tpu.memory_space<hbm>> -> memref<10000x128xf32, #tpu.memory_space<hbm>>
      tpu.wait_indirect_dma semaphore(%arg22 : memref<!tpu.dma_semaphore, #tpu.memory_space<semaphore_mem>>) src(%dma_wait3A_169 : memref<10000x128xf32, #tpu.memory_space<hbm>>) dst(%arg13 : memref<80x128xf32, #tpu.memory_space<vmem>>)
      %dma_start3A_170 = arith.constant 1 : i32
      %dma_start3A_171 = arith.constant 0 : i32
      %dma_start3A_172 = tpu.memref_slice %arg9[%dma_start3A_170, %dma_start3A_171] : memref<2x80xi32, #tpu.memory_space<vmem>> -> memref<1x80xi32, #tpu.memory_space<vmem>>
      %dma_start3A_173 = tpu.memref_squeeze %dma_start3A_172 : memref<1x80xi32, #tpu.memory_space<vmem>> -> memref<80xi32, #tpu.memory_space<vmem>>
      %dma_start3A_174 = arith.constant 0 : i32
      %dma_start3A_175 = arith.constant 0 : i32
      %dma_start3A_176 = tpu.memref_slice %arg14[%dma_start3A_174, %dma_start3A_175] : memref<10240x128xf32, #tpu.memory_space<vmem_shared>> -> memref<10240x128xf32, #tpu.memory_space<vmem_shared>>
      tpu.enqueue_indirect_dma source(%arg13 : memref<80x128xf32, #tpu.memory_space<vmem>>) target(%dma_start3A_176 : memref<10240x128xf32, #tpu.memory_space<vmem_shared>>) offsets(%dma_start3A_173 : memref<80xi32, #tpu.memory_space<vmem>>) semaphore(%arg26 : memref<!tpu.dma_semaphore, #tpu.memory_space<semaphore_mem>>) {add = true}
      %add3A_177 = arith.constant 1 : i32
      %add3A_178 = arith.addi %add3A_162, %add3A_177 : i32
      %lt3A_179 = arith.constant 128 : i32
      %lt3A_180 = arith.cmpi slt, %add3A_178, %lt3A_179 : i32
      %convert_element_type3A_181 = arith.extui %lt3A_180 : i1 to i32
      %cond3A_182 = arith.constant 0 : i32
      %cond3A_183 = arith.cmpi ne, %convert_element_type3A_181, %cond3A_182 : i32
      scf.if %cond3A_183 {
        %add3A_191 = arith.constant 1 : i32
        %add3A_192 = arith.addi %add3A_162, %add3A_191 : i32
        %dma_wait3A_193 = arith.constant 0 : i32
        %dma_wait3A_194 = arith.constant 0 : i32
        %dma_wait3A_195 = tpu.memref_slice %arg3[%add3A, %add3A_192, %dma_wait3A_193, %dma_wait3A_194] : memref<32x128x2x80xi32, #tpu.memory_space<hbm>> -> memref<1x1x2x80xi32, #tpu.memory_space<hbm>>
        %dma_wait3A_196 = tpu.memref_squeeze %dma_wait3A_195 : memref<1x1x2x80xi32, #tpu.memory_space<hbm>> -> memref<2x80xi32, #tpu.memory_space<hbm>>
        %dma_wait3A_197 = arith.constant 0 : i32
        %dma_wait3A_198 = arith.constant 0 : i32
        %dma_wait3A_199 = tpu.memref_slice %arg3[%add3A, %add3A_192, %dma_wait3A_197, %dma_wait3A_198] : memref<32x128x2x80xi32, #tpu.memory_space<hbm>> -> memref<1x1x2x80xi32, #tpu.memory_space<hbm>>
        %dma_wait3A_200 = tpu.memref_squeeze %dma_wait3A_199 : memref<1x1x2x80xi32, #tpu.memory_space<hbm>> -> memref<2x80xi32, #tpu.memory_space<hbm>>
        tpu.wait_dma2 semaphore(%arg15 : memref<!tpu.dma_semaphore, #tpu.memory_space<semaphore_mem>>) src(%dma_wait3A_200 : memref<2x80xi32, #tpu.memory_space<hbm>>) dst(%arg6 : memref<2x80xi32, #tpu.memory_space<vmem>>)
        %dma_start3A_201 = arith.constant 0 : i32
        %dma_start3A_202 = arith.constant 0 : i32
        %dma_start3A_203 = tpu.memref_slice %arg6[%dma_start3A_201, %dma_start3A_202] : memref<2x80xi32, #tpu.memory_space<vmem>> -> memref<1x80xi32, #tpu.memory_space<vmem>>
        %dma_start3A_204 = tpu.memref_squeeze %dma_start3A_203 : memref<1x80xi32, #tpu.memory_space<vmem>> -> memref<80xi32, #tpu.memory_space<vmem>>
        %dma_start3A_205 = arith.constant 0 : i32
        %dma_start3A_206 = arith.constant 0 : i32
        %dma_start3A_207 = tpu.memref_slice %arg2[%dma_start3A_205, %dma_start3A_206] : memref<10000x128xf32, #tpu.memory_space<hbm>> -> memref<10000x128xf32, #tpu.memory_space<hbm>>
        tpu.enqueue_indirect_dma source(%dma_start3A_207 : memref<10000x128xf32, #tpu.memory_space<hbm>>) target(%arg10 : memref<80x128xf32, #tpu.memory_space<vmem>>) offsets(%dma_start3A_204 : memref<80xi32, #tpu.memory_space<vmem>>) semaphore(%arg19 : memref<!tpu.dma_semaphore, #tpu.memory_space<semaphore_mem>>)
      } else {
      }
      %add3A_184 = arith.constant 2 : i32
      %add3A_185 = arith.addi %add3A_162, %add3A_184 : i32
      %lt3A_186 = arith.constant 128 : i32
      %lt3A_187 = arith.cmpi slt, %add3A_185, %lt3A_186 : i32
      %convert_element_type3A_188 = arith.extui %lt3A_187 : i1 to i32
      %cond3A_189 = arith.constant 0 : i32
      %cond3A_190 = arith.cmpi ne, %convert_element_type3A_188, %cond3A_189 : i32
      scf.if %cond3A_190 {
        %ge3A = arith.constant 2 : i32
        %ge3A_191 = arith.cmpi sge, %add3A_162, %ge3A : i32
        %convert_element_type3A_192 = arith.extui %ge3A_191 : i1 to i32
        %cond3A_193 = arith.constant 0 : i32
        %cond3A_194 = arith.cmpi ne, %convert_element_type3A_192, %cond3A_193 : i32
        scf.if %cond3A_194 {
          %dma_wait3A_205 = arith.constant 1 : i32
          %dma_wait3A_206 = arith.constant 0 : i32
          %dma_wait3A_207 = tpu.memref_slice %arg7[%dma_wait3A_205, %dma_wait3A_206] : memref<2x80xi32, #tpu.memory_space<vmem>> -> memref<1x80xi32, #tpu.memory_space<vmem>>
          %dma_wait3A_208 = tpu.memref_squeeze %dma_wait3A_207 : memref<1x80xi32, #tpu.memory_space<vmem>> -> memref<80xi32, #tpu.memory_space<vmem>>
          %dma_wait3A_209 = arith.constant 0 : i32
          %dma_wait3A_210 = arith.constant 0 : i32
          %dma_wait3A_211 = tpu.memref_slice %arg14[%dma_wait3A_209, %dma_wait3A_210] : memref<10240x128xf32, #tpu.memory_space<vmem_shared>> -> memref<10240x128xf32, #tpu.memory_space<vmem_shared>>
          tpu.wait_indirect_dma semaphore(%arg24 : memref<!tpu.dma_semaphore, #tpu.memory_space<semaphore_mem>>) src(%arg11 : memref<80x128xf32, #tpu.memory_space<vmem>>) dst(%dma_wait3A_211 : memref<10240x128xf32, #tpu.memory_space<vmem_shared>>)
        } else {
        }
        %add3A_195 = arith.constant 2 : i32
        %add3A_196 = arith.addi %add3A_162, %add3A_195 : i32
        %dma_start3A_197 = arith.constant 0 : i32
        %dma_start3A_198 = arith.constant 0 : i32
        %dma_start3A_199 = tpu.memref_slice %arg3[%add3A, %add3A_196, %dma_start3A_197, %dma_start3A_198] : memref<32x128x2x80xi32, #tpu.memory_space<hbm>> -> memref<1x1x2x80xi32, #tpu.memory_space<hbm>>
        %dma_start3A_200 = tpu.memref_squeeze %dma_start3A_199 : memref<1x1x2x80xi32, #tpu.memory_space<hbm>> -> memref<2x80xi32, #tpu.memory_space<hbm>>
        %dma_start3A_201 = arith.constant 0 : i32
        %dma_start3A_202 = arith.constant 0 : i32
        %dma_start3A_203 = tpu.memref_slice %arg3[%add3A, %add3A_196, %dma_start3A_201, %dma_start3A_202] : memref<32x128x2x80xi32, #tpu.memory_space<hbm>> -> memref<1x1x2x80xi32, #tpu.memory_space<hbm>>
        %dma_start3A_204 = tpu.memref_squeeze %dma_start3A_203 : memref<1x1x2x80xi32, #tpu.memory_space<hbm>> -> memref<2x80xi32, #tpu.memory_space<hbm>>
        tpu.enqueue_dma source(%dma_start3A_204 : memref<2x80xi32, #tpu.memory_space<hbm>>) target(%arg7 : memref<2x80xi32, #tpu.memory_space<vmem>>) target_semaphore(%arg16 : memref<!tpu.dma_semaphore, #tpu.memory_space<semaphore_mem>>)
      } else {
      }
    }
    %scan3A_55 = arith.constant 32 : i32
    %dma_wait3A_56 = arith.constant 1 : i32
    %dma_wait3A_57 = arith.constant 0 : i32
    %dma_wait3A_58 = tpu.memref_slice %arg8[%dma_wait3A_56, %dma_wait3A_57] : memref<2x80xi32, #tpu.memory_space<vmem>> -> memref<1x80xi32, #tpu.memory_space<vmem>>
    %dma_wait3A_59 = tpu.memref_squeeze %dma_wait3A_58 : memref<1x80xi32, #tpu.memory_space<vmem>> -> memref<80xi32, #tpu.memory_space<vmem>>
    %dma_wait3A_60 = arith.constant 0 : i32
    %dma_wait3A_61 = arith.constant 0 : i32
    %dma_wait3A_62 = tpu.memref_slice %arg14[%dma_wait3A_60, %dma_wait3A_61] : memref<10240x128xf32, #tpu.memory_space<vmem_shared>> -> memref<10240x128xf32, #tpu.memory_space<vmem_shared>>
    tpu.wait_indirect_dma semaphore(%arg25 : memref<!tpu.dma_semaphore, #tpu.memory_space<semaphore_mem>>) src(%arg12 : memref<80x128xf32, #tpu.memory_space<vmem>>) dst(%dma_wait3A_62 : memref<10240x128xf32, #tpu.memory_space<vmem_shared>>)
    %dma_wait3A_63 = arith.constant 1 : i32
    %dma_wait3A_64 = arith.constant 0 : i32
    %dma_wait3A_65 = tpu.memref_slice %arg9[%dma_wait3A_63, %dma_wait3A_64] : memref<2x80xi32, #tpu.memory_space<vmem>> -> memref<1x80xi32, #tpu.memory_space<vmem>>
    %dma_wait3A_66 = tpu.memref_squeeze %dma_wait3A_65 : memref<1x80xi32, #tpu.memory_space<vmem>> -> memref<80xi32, #tpu.memory_space<vmem>>
    %dma_wait3A_67 = arith.constant 0 : i32
    %dma_wait3A_68 = arith.constant 0 : i32
    %dma_wait3A_69 = tpu.memref_slice %arg14[%dma_wait3A_67, %dma_wait3A_68] : memref<10240x128xf32, #tpu.memory_space<vmem_shared>> -> memref<10240x128xf32, #tpu.memory_space<vmem_shared>>
    tpu.wait_indirect_dma semaphore(%arg26 : memref<!tpu.dma_semaphore, #tpu.memory_space<semaphore_mem>>) src(%arg13 : memref<80x128xf32, #tpu.memory_space<vmem>>) dst(%dma_wait3A_69 : memref<10240x128xf32, #tpu.memory_space<vmem_shared>>)
    %barrier3A_70 = arith.constant 0 : index
    tpu.barrier barrier_id(%barrier3A_70)
    "tpu.region"() ({
      %run_scoped3A = tpu.sem_alloc : memref<!tpu.dma_semaphore, #tpu.memory_space<semaphore_mem>>
      %dma_start3A_71 = arith.constant 0 : i32
      %dma_start3A_72 = tpu.memref_slice %arg5[%arg0, %mul3A_2, %dma_start3A_71] : memref<2x10240x128xf32, #tpu.memory_space<hbm>> -> memref<1x640x128xf32, #tpu.memory_space<hbm>>
      %dma_start3A_73 = tpu.memref_squeeze %dma_start3A_72 : memref<1x640x128xf32, #tpu.memory_space<hbm>> -> memref<640x128xf32, #tpu.memory_space<hbm>>
      %dma_start3A_74 = arith.constant 0 : i32
      %dma_start3A_75 = tpu.memref_slice %arg14[%mul3A_2, %dma_start3A_74] : memref<10240x128xf32, #tpu.memory_space<vmem_shared>> -> memref<640x128xf32, #tpu.memory_space<vmem_shared>>
      tpu.enqueue_dma source(%dma_start3A_75 : memref<640x128xf32, #tpu.memory_space<vmem_shared>>) target(%dma_start3A_73 : memref<640x128xf32, #tpu.memory_space<hbm>>) target_semaphore(%run_scoped3A : memref<!tpu.dma_semaphore, #tpu.memory_space<semaphore_mem>>)
      %dma_wait3A_76 = arith.constant 0 : i32
      %dma_wait3A_77 = tpu.memref_slice %arg5[%arg0, %mul3A_2, %dma_wait3A_76] : memref<2x10240x128xf32, #tpu.memory_space<hbm>> -> memref<1x640x128xf32, #tpu.memory_space<hbm>>
      %dma_wait3A_78 = tpu.memref_squeeze %dma_wait3A_77 : memref<1x640x128xf32, #tpu.memory_space<hbm>> -> memref<640x128xf32, #tpu.memory_space<hbm>>
      %dma_wait3A_79 = arith.constant 0 : i32
      %dma_wait3A_80 = tpu.memref_slice %arg14[%mul3A_2, %dma_wait3A_79] : memref<10240x128xf32, #tpu.memory_space<vmem_shared>> -> memref<640x128xf32, #tpu.memory_space<vmem_shared>>
      tpu.wait_dma2 semaphore(%run_scoped3A : memref<!tpu.dma_semaphore, #tpu.memory_space<semaphore_mem>>) src(%dma_wait3A_80 : memref<640x128xf32, #tpu.memory_space<vmem_shared>>) dst(%dma_wait3A_78 : memref<640x128xf32, #tpu.memory_space<hbm>>)
      tpu.yield
    }) : () -> ()
    return
  }
}

module attributes {stable_mosaic.version = 14 : i64} {
  func.func @_tc_a_body(%arg0: i32, %arg1: memref<1000x128xf32, #tpu.memory_space<vmem>>, %arg2: memref<1000x128xf32, #tpu.memory_space<vmem>>, %arg3: memref<1000x128xf32, #tpu.memory_space<vmem>>, %arg4: memref<128x128xf32, #tpu.memory_space<vmem>>, %arg5: memref<1000x128xf32, #tpu.memory_space<vmem>>) attributes {dimension_semantics = [#tpu.dimension_semantics<arbitrary>], iteration_bounds = array<i64: 10>, scalar_prefetch = 0 : i64, scratch_operands = 0 : i64, tpu.core_type = #tpu.core_type<tc>, window_params = [{transform_indices = @transform_0, window_bounds = array<i64: 1000, 128>}, {transform_indices = @transform_1, window_bounds = array<i64: 1000, 128>}, {transform_indices = @transform_2, window_bounds = array<i64: 1000, 128>}, {pipeline_mode = #tpu.pipeline_mode<synchronous>, transform_indices = @transform_3, window_bounds = array<i64: 128, 128>}, {transform_indices = @transform_4, window_bounds = array<i64: 1000, 128>}]} {
    %get3A = arith.constant 0 : index
    %get3A_0 = arith.constant 0 : index
    %get3A_1 = vector.load %arg1[%get3A, %get3A_0] : memref<1000x128xf32, #tpu.memory_space<vmem>>, vector<1000x128xf32>
    %get3A_2 = arith.constant 0 : index
    %get3A_3 = arith.constant 0 : index
    %get3A_4 = vector.load %arg2[%get3A_2, %get3A_3] : memref<1000x128xf32, #tpu.memory_space<vmem>>, vector<1000x128xf32>
    %slice3A = vector.extract_strided_slice %get3A_1 {offsets = [0, 0], sizes = [1000, 1], strides = [1, 1]} : vector<1000x128xf32> to vector<1000x1xf32>
    %slice3A_5 = vector.extract_strided_slice %get3A_4 {offsets = [0, 0], sizes = [1000, 1], strides = [1, 1]} : vector<1000x128xf32> to vector<1000x1xf32>
    %add3A = arith.addf %slice3A, %slice3A_5 : vector<1000x1xf32>
    %add3A_6 = arith.constant 1.000000e+00 : f32
    %add3A_7 = vector.broadcast %add3A_6 : f32 to vector<1000x1xf32>
    %add3A_8 = arith.addf %add3A, %add3A_7 : vector<1000x1xf32>
    %rsqrt3A = math.rsqrt %add3A_8 : vector<1000x1xf32>
    %get3A_9 = arith.constant 0 : index
    %get3A_10 = arith.constant 0 : index
    %get3A_11 = vector.load %arg3[%get3A_9, %get3A_10] : memref<1000x128xf32, #tpu.memory_space<vmem>>, vector<1000x128xf32>
    %get3A_12 = arith.constant 0 : index
    %get3A_13 = arith.constant 0 : index
    %get3A_14 = vector.load %arg4[%get3A_12, %get3A_13] : memref<128x128xf32, #tpu.memory_space<vmem>>, vector<128x128xf32>
    %dot_general3A = arith.constant dense<0.000000e+00> : vector<1000x128xf32>
    %dot_general3A_15 = tpu.matmul %get3A_11, %get3A_14, %dot_general3A {dimension_numbers = #tpu.dot_dimension_numbers<[1], [1], [0], [0], [0, 0, 1, 0], [], []>, transpose_lhs_hint = false} : vector<1000x128xf32>, vector<128x128xf32>, vector<1000x128xf32> -> vector<1000x128xf32>
    %mul3A = vector.broadcast %rsqrt3A : vector<1000x1xf32> to vector<1000x128xf32>
    %mul3A_16 = arith.mulf %mul3A, %dot_general3A_15 : vector<1000x128xf32>
    %swap3A = arith.constant 0 : index
    %swap3A_17 = arith.constant 0 : index
    %swap3A_18 = vector.load %arg5[%swap3A, %swap3A_17] : memref<1000x128xf32, #tpu.memory_space<vmem>>, vector<1000x128xf32>
    tpu.vector_store %arg5[%swap3A, %swap3A_17], %mul3A_16 {strides = array<i32>} : memref<1000x128xf32, #tpu.memory_space<vmem>>, vector<1000x128xf32>,
    return
  }
  func.func @transform_0(%arg0: i32) -> (i32, i32) {
    %c0_i32 = arith.constant 0 : i32
    %c0_i32_0 = arith.constant 0 : i32
    return %arg0, %c0_i32 : i32, i32
  }
  func.func @transform_1(%arg0: i32) -> (i32, i32) {
    %c0_i32 = arith.constant 0 : i32
    %c0_i32_0 = arith.constant 0 : i32
    return %arg0, %c0_i32 : i32, i32
  }
  func.func @transform_2(%arg0: i32) -> (i32, i32) {
    %c0_i32 = arith.constant 0 : i32
    %c0_i32_0 = arith.constant 0 : i32
    return %arg0, %c0_i32 : i32, i32
  }
  func.func @transform_3(%arg0: i32) -> (i32, i32) {
    %c0_i32 = arith.constant 0 : i32
    %c0_i32_0 = arith.constant 0 : i32
    %c0_i32_1 = arith.constant 0 : i32
    return %c0_i32, %c0_i32_0 : i32, i32
  }
  func.func @transform_4(%arg0: i32) -> (i32, i32) {
    %c0_i32 = arith.constant 0 : i32
    %c0_i32_0 = arith.constant 0 : i32
    return %arg0, %c0_i32 : i32, i32
  }
}

module attributes {stable_mosaic.version = 14 : i64} {
  func.func @_tc_b_body(%arg0: i32, %arg1: memref<1000x128xf32, #tpu.memory_space<vmem>>, %arg2: memref<1000x128xf32, #tpu.memory_space<vmem>>, %arg3: memref<1000x128xf32, #tpu.memory_space<vmem>>, %arg4: memref<1000x128xf32, #tpu.memory_space<vmem>>, %arg5: memref<1000x128xf32, #tpu.memory_space<vmem>>, %arg6: memref<1x128xf32, #tpu.memory_space<vmem>>, %arg7: memref<128x128xf32, #tpu.memory_space<vmem>>, %arg8: memref<1000x128xf32, #tpu.memory_space<vmem>>) attributes {dimension_semantics = [#tpu.dimension_semantics<arbitrary>], iteration_bounds = array<i64: 10>, scalar_prefetch = 0 : i64, scratch_operands = 0 : i64, tpu.core_type = #tpu.core_type<tc>, window_params = [{transform_indices = @transform_0, window_bounds = array<i64: 1000, 128>}, {transform_indices = @transform_1, window_bounds = array<i64: 1000, 128>}, {transform_indices = @transform_2, window_bounds = array<i64: 1000, 128>}, {transform_indices = @transform_3, window_bounds = array<i64: 1000, 128>}, {transform_indices = @transform_4, window_bounds = array<i64: 1000, 128>}, {pipeline_mode = #tpu.pipeline_mode<synchronous>, transform_indices = @transform_5, window_bounds = array<i64: 1, 128>}, {pipeline_mode = #tpu.pipeline_mode<synchronous>, transform_indices = @transform_6, window_bounds = array<i64: 128, 128>}, {transform_indices = @transform_7, window_bounds = array<i64: 1000, 128>}]} {
    %get3A = arith.constant 0 : index
    %get3A_0 = arith.constant 0 : index
    %get3A_1 = vector.load %arg4[%get3A, %get3A_0] : memref<1000x128xf32, #tpu.memory_space<vmem>>, vector<1000x128xf32>
    %get3A_2 = arith.constant 0 : index
    %get3A_3 = arith.constant 0 : index
    %get3A_4 = vector.load %arg5[%get3A_2, %get3A_3] : memref<1000x128xf32, #tpu.memory_space<vmem>>, vector<1000x128xf32>
    %slice3A = vector.extract_strided_slice %get3A_1 {offsets = [0, 0], sizes = [1000, 1], strides = [1, 1]} : vector<1000x128xf32> to vector<1000x1xf32>
    %slice3A_5 = vector.extract_strided_slice %get3A_4 {offsets = [0, 0], sizes = [1000, 1], strides = [1, 1]} : vector<1000x128xf32> to vector<1000x1xf32>
    %add3A = arith.addf %slice3A, %slice3A_5 : vector<1000x1xf32>
    %add3A_6 = arith.constant 1.000000e+00 : f32
    %add3A_7 = vector.broadcast %add3A_6 : f32 to vector<1000x1xf32>
    %add3A_8 = arith.addf %add3A, %add3A_7 : vector<1000x1xf32>
    %rsqrt3A = math.rsqrt %add3A_8 : vector<1000x1xf32>
    %get3A_9 = arith.constant 0 : index
    %get3A_10 = arith.constant 0 : index
    %get3A_11 = vector.load %arg1[%get3A_9, %get3A_10] : memref<1000x128xf32, #tpu.memory_space<vmem>>, vector<1000x128xf32>
    %get3A_12 = arith.constant 0 : index
    %get3A_13 = arith.constant 0 : index
    %get3A_14 = vector.load %arg2[%get3A_12, %get3A_13] : memref<1000x128xf32, #tpu.memory_space<vmem>>, vector<1000x128xf32>
    %add3A_15 = arith.addf %get3A_11, %get3A_14 : vector<1000x128xf32>
    %get3A_16 = arith.constant 0 : index
    %get3A_17 = arith.constant 0 : index
    %get3A_18 = vector.load %arg3[%get3A_16, %get3A_17] : memref<1000x128xf32, #tpu.memory_space<vmem>>, vector<1000x128xf32>
    %add3A_19 = arith.addf %add3A_15, %get3A_18 : vector<1000x128xf32>
    %mul3A = vector.broadcast %rsqrt3A : vector<1000x1xf32> to vector<1000x128xf32>
    %mul3A_20 = arith.mulf %mul3A, %add3A_19 : vector<1000x128xf32>
    %get3A_21 = arith.constant 0 : index
    %get3A_22 = arith.constant 0 : index
    %get3A_23 = vector.load %arg6[%get3A_21, %get3A_22] : memref<1x128xf32, #tpu.memory_space<vmem>>, vector<1x128xf32>
    %add3A_24 = vector.broadcast %get3A_23 : vector<1x128xf32> to vector<1000x128xf32>
    %add3A_25 = arith.addf %mul3A_20, %add3A_24 : vector<1000x128xf32>
    %max3A = arith.constant 0.000000e+00 : f32
    %max3A_26 = vector.broadcast %max3A : f32 to vector<1000x128xf32>
    %max3A_27 = arith.maximumf %add3A_25, %max3A_26 : vector<1000x128xf32>
    %get3A_28 = arith.constant 0 : index
    %get3A_29 = arith.constant 0 : index
    %get3A_30 = vector.load %arg7[%get3A_28, %get3A_29] : memref<128x128xf32, #tpu.memory_space<vmem>>, vector<128x128xf32>
    %dot_general3A = arith.constant dense<0.000000e+00> : vector<1000x128xf32>
    %dot_general3A_31 = tpu.matmul %max3A_27, %get3A_30, %dot_general3A {dimension_numbers = #tpu.dot_dimension_numbers<[1], [1], [0], [0], [0, 0, 1, 0], [], []>, transpose_lhs_hint = false} : vector<1000x128xf32>, vector<128x128xf32>, vector<1000x128xf32> -> vector<1000x128xf32>
    %mul3A_32 = vector.broadcast %rsqrt3A : vector<1000x1xf32> to vector<1000x128xf32>
    %mul3A_33 = arith.mulf %mul3A_32, %dot_general3A_31 : vector<1000x128xf32>
    %swap3A = arith.constant 0 : index
    %swap3A_34 = arith.constant 0 : index
    %swap3A_35 = vector.load %arg8[%swap3A, %swap3A_34] : memref<1000x128xf32, #tpu.memory_space<vmem>>, vector<1000x128xf32>
    tpu.vector_store %arg8[%swap3A, %swap3A_34], %mul3A_33 {strides = array<i32>} : memref<1000x128xf32, #tpu.memory_space<vmem>>, vector<1000x128xf32>,
    return
  }
  func.func @transform_0(%arg0: i32) -> (i32, i32) {
    %c0_i32 = arith.constant 0 : i32
    %c0_i32_0 = arith.constant 0 : i32
    return %arg0, %c0_i32 : i32, i32
  }
  func.func @transform_1(%arg0: i32) -> (i32, i32) {
    %c0_i32 = arith.constant 0 : i32
    %c0_i32_0 = arith.constant 0 : i32
    return %arg0, %c0_i32 : i32, i32
  }
  func.func @transform_2(%arg0: i32) -> (i32, i32) {
    %c0_i32 = arith.constant 0 : i32
    %c0_i32_0 = arith.constant 0 : i32
    return %arg0, %c0_i32 : i32, i32
  }
  func.func @transform_3(%arg0: i32) -> (i32, i32) {
    %c0_i32 = arith.constant 0 : i32
    %c0_i32_0 = arith.constant 0 : i32
    return %arg0, %c0_i32 : i32, i32
  }
  func.func @transform_4(%arg0: i32) -> (i32, i32) {
    %c0_i32 = arith.constant 0 : i32
    %c0_i32_0 = arith.constant 0 : i32
    return %arg0, %c0_i32 : i32, i32
  }
  func.func @transform_5(%arg0: i32) -> (i32, i32) {
    %c0_i32 = arith.constant 0 : i32
    %c0_i32_0 = arith.constant 0 : i32
    %c0_i32_1 = arith.constant 0 : i32
    return %c0_i32, %c0_i32_0 : i32, i32
  }
  func.func @transform_6(%arg0: i32) -> (i32, i32) {
    %c0_i32 = arith.constant 0 : i32
    %c0_i32_0 = arith.constant 0 : i32
    %c0_i32_1 = arith.constant 0 : i32
    return %c0_i32, %c0_i32_0 : i32, i32
  }
  func.func @transform_7(%arg0: i32) -> (i32, i32) {
    %c0_i32 = arith.constant 0 : i32
    %c0_i32_0 = arith.constant 0 : i32
    return %arg0, %c0_i32 : i32, i32
  }
}

module attributes {stable_mosaic.version = 14 : i64} {
  func.func @_tc_c_body(%arg0: i32, %arg1: memref<1000x128xf32, #tpu.memory_space<vmem>>, %arg2: memref<1000x128xf32, #tpu.memory_space<vmem>>, %arg3: memref<1000x128xf32, #tpu.memory_space<vmem>>, %arg4: memref<1000x128xf32, #tpu.memory_space<vmem>>, %arg5: memref<1000x128xf32, #tpu.memory_space<vmem>>, %arg6: memref<1x128xf32, #tpu.memory_space<vmem>>, %arg7: memref<1000x128xf32, #tpu.memory_space<vmem>>) attributes {dimension_semantics = [#tpu.dimension_semantics<arbitrary>], iteration_bounds = array<i64: 10>, scalar_prefetch = 0 : i64, scratch_operands = 0 : i64, tpu.core_type = #tpu.core_type<tc>, window_params = [{transform_indices = @transform_0, window_bounds = array<i64: 1000, 128>}, {transform_indices = @transform_1, window_bounds = array<i64: 1000, 128>}, {transform_indices = @transform_2, window_bounds = array<i64: 1000, 128>}, {transform_indices = @transform_3, window_bounds = array<i64: 1000, 128>}, {transform_indices = @transform_4, window_bounds = array<i64: 1000, 128>}, {pipeline_mode = #tpu.pipeline_mode<synchronous>, transform_indices = @transform_5, window_bounds = array<i64: 1, 128>}, {transform_indices = @transform_6, window_bounds = array<i64: 1000, 128>}]} {
    %get3A = arith.constant 0 : index
    %get3A_0 = arith.constant 0 : index
    %get3A_1 = vector.load %arg4[%get3A, %get3A_0] : memref<1000x128xf32, #tpu.memory_space<vmem>>, vector<1000x128xf32>
    %get3A_2 = arith.constant 0 : index
    %get3A_3 = arith.constant 0 : index
    %get3A_4 = vector.load %arg5[%get3A_2, %get3A_3] : memref<1000x128xf32, #tpu.memory_space<vmem>>, vector<1000x128xf32>
    %slice3A = vector.extract_strided_slice %get3A_1 {offsets = [0, 0], sizes = [1000, 1], strides = [1, 1]} : vector<1000x128xf32> to vector<1000x1xf32>
    %slice3A_5 = vector.extract_strided_slice %get3A_4 {offsets = [0, 0], sizes = [1000, 1], strides = [1, 1]} : vector<1000x128xf32> to vector<1000x1xf32>
    %add3A = arith.addf %slice3A, %slice3A_5 : vector<1000x1xf32>
    %add3A_6 = arith.constant 1.000000e+00 : f32
    %add3A_7 = vector.broadcast %add3A_6 : f32 to vector<1000x1xf32>
    %add3A_8 = arith.addf %add3A, %add3A_7 : vector<1000x1xf32>
    %rsqrt3A = math.rsqrt %add3A_8 : vector<1000x1xf32>
    %get3A_9 = arith.constant 0 : index
    %get3A_10 = arith.constant 0 : index
    %get3A_11 = vector.load %arg1[%get3A_9, %get3A_10] : memref<1000x128xf32, #tpu.memory_space<vmem>>, vector<1000x128xf32>
    %get3A_12 = arith.constant 0 : index
    %get3A_13 = arith.constant 0 : index
    %get3A_14 = vector.load %arg2[%get3A_12, %get3A_13] : memref<1000x128xf32, #tpu.memory_space<vmem>>, vector<1000x128xf32>
    %add3A_15 = arith.addf %get3A_11, %get3A_14 : vector<1000x128xf32>
    %get3A_16 = arith.constant 0 : index
    %get3A_17 = arith.constant 0 : index
    %get3A_18 = vector.load %arg3[%get3A_16, %get3A_17] : memref<1000x128xf32, #tpu.memory_space<vmem>>, vector<1000x128xf32>
    %add3A_19 = arith.addf %add3A_15, %get3A_18 : vector<1000x128xf32>
    %mul3A = vector.broadcast %rsqrt3A : vector<1000x1xf32> to vector<1000x128xf32>
    %mul3A_20 = arith.mulf %mul3A, %add3A_19 : vector<1000x128xf32>
    %get3A_21 = arith.constant 0 : index
    %get3A_22 = arith.constant 0 : index
    %get3A_23 = vector.load %arg6[%get3A_21, %get3A_22] : memref<1x128xf32, #tpu.memory_space<vmem>>, vector<1x128xf32>
    %add3A_24 = vector.broadcast %get3A_23 : vector<1x128xf32> to vector<1000x128xf32>
    %add3A_25 = arith.addf %mul3A_20, %add3A_24 : vector<1000x128xf32>
    %swap3A = arith.constant 0 : index
    %swap3A_26 = arith.constant 0 : index
    %swap3A_27 = vector.load %arg7[%swap3A, %swap3A_26] : memref<1000x128xf32, #tpu.memory_space<vmem>>, vector<1000x128xf32>
    tpu.vector_store %arg7[%swap3A, %swap3A_26], %add3A_25 {strides = array<i32>} : memref<1000x128xf32, #tpu.memory_space<vmem>>, vector<1000x128xf32>,
    return
  }
  func.func @transform_0(%arg0: i32) -> (i32, i32) {
    %c0_i32 = arith.constant 0 : i32
    %c0_i32_0 = arith.constant 0 : i32
    return %arg0, %c0_i32 : i32, i32
  }
  func.func @transform_1(%arg0: i32) -> (i32, i32) {
    %c0_i32 = arith.constant 0 : i32
    %c0_i32_0 = arith.constant 0 : i32
    return %arg0, %c0_i32 : i32, i32
  }
  func.func @transform_2(%arg0: i32) -> (i32, i32) {
    %c0_i32 = arith.constant 0 : i32
    %c0_i32_0 = arith.constant 0 : i32
    return %arg0, %c0_i32 : i32, i32
  }
  func.func @transform_3(%arg0: i32) -> (i32, i32) {
    %c0_i32 = arith.constant 0 : i32
    %c0_i32_0 = arith.constant 0 : i32
    return %arg0, %c0_i32 : i32, i32
  }
  func.func @transform_4(%arg0: i32) -> (i32, i32) {
    %c0_i32 = arith.constant 0 : i32
    %c0_i32_0 = arith.constant 0 : i32
    return %arg0, %c0_i32 : i32, i32
  }
  func.func @transform_5(%arg0: i32) -> (i32, i32) {
    %c0_i32 = arith.constant 0 : i32
    %c0_i32_0 = arith.constant 0 : i32
    %c0_i32_1 = arith.constant 0 : i32
    return %c0_i32, %c0_i32_0 : i32, i32
  }
  func.func @transform_6(%arg0: i32) -> (i32, i32) {
    %c0_i32 = arith.constant 0 : i32
    %c0_i32_0 = arith.constant 0 : i32
    return %arg0, %c0_i32 : i32, i32
  }
}

</mosaic_0001>

<sc_bundles>
// kernel: kernel.11.cloned.1.call-start
scs
__scs_entry_jumppad:
0x0: {  	(pc) =	sbr.rel $0x88, $3  }
0x1: {  	(tag) =	ssettag $0x0;
	lr =	simm.s32 $0x1  }
0x2: {  	[smem:$0x3F9B] =	sst lr;
	_ =	strace $0xD0000000  }
0x3: {  	_ = 	snop  }
0x4: {  	_ = 	snop  }
0x5: {  	_ = 	snop  }
0x6: {  	_ = 	snop  }
0x7: {  	_ = 	snop  }
__scs_overlays_trampoline_lowered:
0x8: {  	[smem:$0x3FAA] =	sst s0  }
0x9: {  	[smem:$0x3FAB] =	sst s1  }
0xa: {  	[smem:$0x3FAC] =	sst s2  }
0xb: {  	[smem:$0x3FAD] =	sst s3  }
0xc: {  	[smem:$0x3FAE] =	sst s4  }
0xd: {  	[smem:$0x3FAF] =	sst s5  }
0xe: {  	[smem:$0x3FB0] =	sst s6  }
0xf: {  	[smem:$0x3FB1] =	sst s7  }
0x10: {  	[smem:$0x3FB2] =	sst s8  }
0x11: {  	[smem:$0x3FB3] =	sst s9;
	s0 =	simm.s32 @!p0 $0x0  }
0x12: {  	s1 =	sld [smem:$0x3F99];
	s0 =	simm.s32 @p0 $0x1  }
0x13: {  	[smem:$0x3FB4] =	sst s0;
	s0 =	simm.s32 @!p1 $0x0  }
0x14: {  	s2 =	sld [smem:$0x3F98];
	s0 =	simm.s32 @p1 $0x1  }
0x15: {  	[smem:$0x3FB5] =	sst s0;
	s0 =	simm.s32 @!p2 $0x0  }
0x16: {  	s3 =	sld [smem:$0x3FDB];
	s0 =	simm.s32 @p2 $0x1  }
0x17: {  	s4 =	simm.s32 $0x1BF5;
	[smem:$0x3FB7] =	sst s0  }
0x18: {  	s0 =	sld [smem:$0x3F9A];
	_ =	swait.ge [sflag:s4], $0x0  }
0x19: {  	s7 =	sld [smem:$0x3F9B]  }
0x1a: {  	s8 =	sadd.s32 $0xFFFFE003, lr  }
0x1b: {  	s9 =	sadd.s32 $0xFFFFFEF7, lr;
	s5 =	simm.s32 $0xFFFFFFFF;
	p2 =	slt.u32 s8, $0xFFFFF086  }
0x1c: {  	p1 =	slt.u32 s9, $0xF7A;
	s5 =	simm.s32 @!p2 $0x0  }
0x1d: {  	s5 =	simm.s32 @p1 $0x1;
	p0 =	seq.s32 s7, s2  }
0x1e: {  	s7 =	smul.u32 @!p0 $0xF7A, s2;
	p2 =	seq.s32 @!p0 s5, $0x0  }
0x1f: {  	s9 =	smul.u32 $0xF7A, s1;
	s8 =	simm.s32 @!p0 $0x1BF5;
	p2 =	por !p2, p0  }
0x20: {  	[sflag:s8] =	ssyncset.s32 @!p0 $0xFFFFF086;
	s6 =	sadd.s32 @!p0 s3, s7;
	s7 =	simm.s32 @!p0 $0x108  }
0x21: {  	s3 =	sadd.s32 s3, s9;
	s6 =	sadd.s32 @!p0 $0x88, s6;
	s7 =	simm.s32 @p2 $0x1082  }
0x22: {  	[simem:s7], [sflag:s8] =	dma.local @!p0 [hbm:s6], $0xF7A  }
0x23: {  	s9 =	sor.u32 $0xD0000000, s2;
	s6 =	simm.s32 $0x108;
	_ =	swait.ge @!p0 [sflag:s8], $0x0  }
0x24: {  	s3 =	sadd.s32 $0x88, s3;
	s6 =	simm.s32 @!p1 $0x1082;
	[sflag:s4] =	ssyncset.s32 $0xFFFFF086  }
0x25: {  	[simem:s6], [sflag:s4] =	dma.local [hbm:s3], $0xF7A  }
0x26: {  	[smem:$0x3F9B] =	sst s1;
	(tag) =	ssettag s2;
	_ =	strace s9  }
0x27: {  	s1 =	sld [smem:$0x3FAB]  }
0x28: {  	s2 =	sld [smem:$0x3FAC]  }
0x29: {  	s4 =	sld [smem:$0x3FAE]  }
0x2a: {  	p0 =	seq.s32 s5, $0x0;
	s5 =	sld [smem:$0x3FAF]  }
0x2b: {  	s6 =	sld [smem:$0x3FB0]  }
0x2c: {  	s7 =	sld [smem:$0x3FB1]  }
0x2d: {  	s3 =	simm.s32 $0x108;
	s8 =	sld [smem:$0x3FB2]  }
0x2e: {  	s3 =	simm.s32 @!p0 $0x1082;
	s9 =	sld [smem:$0x3FB3]  }
0x2f: {  	lr =	sadd.s32 s0, s3;
	s0 =	sld [smem:$0x3FAA]  }
0x30: {  	s3 =	sld [smem:$0x3FAD]  }
0x31: {  	[smem:$0x3FB6] =	sst s10  }
0x32: {  	s10 =	sld [smem:$0x3FB4];
	_ =	sdelay $0x3  }
0x33: {  	p0 =	seq.s32 s10, $0x1;
	s10 =	sld [smem:$0x3FB6];
	_ =	sdelay $0x3  }
0x34: {  	[smem:$0x3FB6] =	sst s10  }
0x35: {  	s10 =	sld [smem:$0x3FB5];
	_ =	sdelay $0x3  }
0x36: {  	p1 =	seq.s32 s10, $0x1;
	s10 =	sld [smem:$0x3FB6];
	_ =	sdelay $0x3  }
0x37: {  	[smem:$0x3FB6] =	sst s10  }
0x38: {  	s10 =	sld [smem:$0x3FB7]  }
0x39: {  	_ = 	snop;
	(pc) =	sbr.ind lr, $3  }
0x3a: {  	_ = 	snop  }
0x3b: {  	_ = 	snop  }
0x3c: {  	p2 =	seq.s32 s10, $0x1;
	s10 =	sld [smem:$0x3FB6]  }
0x3d: {  	_ =	shalt  }
0x3e: {  	_ =	shalt  }
0x3f: {  	_ =	shalt  }
0x40: {  	_ =	shalt  }
0x41: {  	_ =	shalt  }
0x42: {  	_ =	shalt  }
0x43: {  	_ =	shalt  }
0x44: {  	_ =	shalt  }
0x45: {  	_ =	shalt  }
0x46: {  	_ =	shalt  }
0x47: {  	_ =	shalt  }
0x48: {  	_ =	shalt  }
0x49: {  	_ =	shalt  }
0x4a: {  	_ =	shalt  }
0x4b: {  	_ =	shalt  }
0x4c: {  	_ =	shalt  }
0x4d: {  	_ =	shalt  }
0x4e: {  	_ =	shalt  }
0x4f: {  	_ =	shalt  }
0x50: {  	_ =	shalt  }
0x51: {  	_ =	shalt  }
0x52: {  	_ =	shalt  }
0x53: {  	_ =	shalt  }
0x54: {  	_ =	shalt  }
0x55: {  	_ =	shalt  }
0x56: {  	_ =	shalt  }
0x57: {  	_ =	shalt  }
0x58: {  	_ =	shalt  }
0x59: {  	_ =	shalt  }
0x5a: {  	_ =	shalt  }
0x5b: {  	_ =	shalt  }
0x5c: {  	_ =	shalt  }
0x5d: {  	_ =	shalt  }
0x5e: {  	_ =	shalt  }
0x5f: {  	_ =	shalt  }
0x60: {  	_ =	shalt  }
0x61: {  	_ =	shalt  }
0x62: {  	_ =	shalt  }
0x63: {  	_ =	shalt  }
0x64: {  	_ =	shalt  }
0x65: {  	_ =	shalt  }
0x66: {  	_ =	shalt  }
0x67: {  	_ =	shalt  }
0x68: {  	_ =	shalt  }
0x69: {  	_ =	shalt  }
0x6a: {  	_ =	shalt  }
0x6b: {  	_ =	shalt  }
0x6c: {  	_ =	shalt  }
0x6d: {  	_ =	shalt  }
0x6e: {  	_ =	shalt  }
0x6f: {  	_ =	shalt  }
0x70: {  	_ =	shalt  }
0x71: {  	_ =	shalt  }
0x72: {  	_ =	shalt  }
0x73: {  	_ =	shalt  }
0x74: {  	_ =	shalt  }
0x75: {  	_ =	shalt  }
0x76: {  	_ =	shalt  }
0x77: {  	_ =	shalt  }
0x78: {  	_ =	shalt  }
0x79: {  	_ =	shalt  }
0x7a: {  	_ =	shalt  }
0x7b: {  	_ =	shalt  }
0x7c: {  	_ =	shalt  }
0x7d: {  	_ =	shalt  }
0x7e: {  	_ =	shalt  }
0x7f: {  	_ =	shalt  }
0x80: {  	_ =	shalt  }
0x81: {  	_ =	shalt  }
0x82: {  	_ =	shalt  }
0x83: {  	_ =	shalt  }
0x84: {  	_ =	shalt  }
0x85: {  	_ =	shalt  }
0x86: {  	_ =	shalt  }
0x87: {  	_ =	shalt  }
.Lfunc_end0:
.L_simem_size_0:
called_computation.1_lowered:
.L_overlay_start_0:
0x88: {  	s2 =	sld [smem:$0x3FD9]  }
0x89: {  	s3 =	sld [smem:$0x3FFE];
	_ =	sdelay $0x1  }
0x8a: {  	s1 =	srdreg.scid  }
0x8b: {  	s0 =	sand.u32 $0x1, s1  }
0x8c: {  	s17 =	sshll.u32 s0, $0xA;
	s2 =	sadd.s32 s3, s2  }
0x8d: {  	s2 =	sadd.s32 s2, s17  }
0x8e: {  	[smem:$0x3FC2] =	sst s2  }
0x8f: {  	_ = 	snop  }
0x90: {  	s2 =	sld [smem:$0x3FD0];
	(tm) =	ssettm $0x1  }
0x91: {  	s18 =	sld [smem:$0x3FFB];
	_ =	sdelay $0x3  }
0x92: {  	_ =	strace s18  }
0x93: {  	s3 =	sld [smem:$0x3FFC];
	_ =	sdelay $0x3  }
0x94: {  	_ =	strace s3  }
0x95: {  	s3 =	sld [smem:$0x3FFD];
	_ =	sdelay $0x3  }
0x96: {  	_ =	strace s3  }
0x97: {  	_ =	strace $0x8FFFFFFF  }
0x98: {  	s19 =	sld [smem:$0x3FDB];
	_ =	sdelay $0x1  }
0x99: {  	s4 =	simm.s32 $_scs_section_size  }
0x9a: {  	s5 =	simm.s32 $_size__tile_overlayer_lowered;
	s6 =	simm.s32 $_tile_overlayer_lowered  }
0x9b: {  	s22 =	simm.s32 $0x1BFF;
	s21 =	sshll.u32 s6, $0x1;
	s3 =	sadd.s32 s4, s19  }
0x9c: {  	s7 =	simm.s32 $0x0;
	s20 =	sshll.u32 s5, $0x1;
	s5 =	sadd.s32 s21, s3  }
0x9d: {  	[timem:s7], [sflag:s22] =	dma.local [hbm:s5], s20  }
0x9e: {  	_ =	swait.ge [sflag:s22], s20  }
0x9f: {  	s4 =	ssub.s32 $0x0, s20;
	[sflag:s22] =	ssyncset.done $0x0  }
0xa0: {  	[sflag:s22] =	ssyncadd.s32 s4;
	_ =	sdelay $0x1  }
0xa1: {  	s23 =	simm.s32 $0x1B8B  }
0xa2: {  	_ =	swait.ge [sflag:s23], $0x1  }
0xa3: {  	[sflag:s23] =	ssyncset.done $0x0  }
0xa4: {  	s25 =	simm.s32 $0x1B8E;
	s24 =	sld [smem:$0x3FFE];
	[sflag:s23] =	ssyncadd.s32 $0xFFFFFFFF  }
0xa5: {  	s26 =	simm.s32 $execute0_lowered;
	[smem:$0x3FD2] =	sst s25  }
0xa6: {  	s5 =	sshll.u32 s26, $0x1;
	_ =	strace $0x80000049;
	[dreg:$0x1] =	wrdreg $0xFFFFFFFF  }
0xa7: {  	s28 =	simm.s32 $_size_execute0_lowered;
	s3 =	sadd.s32 s3, s5;
	[dreg:$0x0] =	wrdreg $0x0  }
0xa8: {  	s5 =	sshll.u32 s28, $0x1;
	[dreg:$0x2] =	wrdreg s3  }
0xa9: {  	[dreg:$0x3] =	wrdreg s5  }
0xaa: {  	[dreg:$0x4] =	wrdreg $0xC0  }
0xab: {  	_ =	task [dreg:s7], $0x5FFFF  }
0xac: {  	[dreg:$0x1] =	wrdreg $0xFFFFFFFF  }
0xad: {  	[dreg:$0x0] =	wrdreg $0x60  }
0xae: {  	[dreg:$0x2] =	wrdreg s2  }
0xaf: {  	[dreg:$0x3] =	wrdreg s24  }
0xb0: {  	[dreg:$0x4] =	wrdreg $0xA4000  }
0xb1: {  	[dreg:$0x5] =	wrdreg $0x9  }
0xb2: {  	_ =	task.clear_ibuf [dreg:s7], $0x6FFFF;
	_ =	strace $0x90000049  }
0xb3: {  	s29 =	simm.s32 $0x9;
	_ =	strace $0x8000004B  }
0xb4: {  	_ =	swait.ge [sflag:s29], $0x1  }
0xb5: {  	[sflag:s29] =	ssyncadd.s32 $0xFFFFFFFF  }
0xb6: {  	_ =	strace $0x9000004B  }
0xb7: {  	_ =	sfence  }
0xb8: {  	s30 =	sld [smem:$0x0];
	_ =	sdelay $0x2  }
0xb9: {  	s31 =	sshll.u32 s1, $0xD;
	s1 =	sshrl.u32 s1, $0x2  }
0xba: {  	s3 =	sand.u32 $0x4000, s31;
	s1 =	sadd.s32 s1, s30  }
0xbb: {  	s0 =	sor.u32 s3, s0;
	s1 =	sshll.u32 s1, $0x11  }
0xbc: {  	s0 =	sor.u32 s1, s0  }
0xbd: {  	s0 =	sadd.s32 $0x8F2B, s0  }
0xbe: {  	[sflag:s0] =	ssyncadd.remote.s32 $0x1  }
0xbf: {  	_ =	sfence.sel $0xFFFF  }
0xc0: {  	[dreg:$0x0] =	wrdreg $0xFFFFFFFF;
	(pc) =	sbr.abs _section_cstart, $3  }
0xc1: {  	[dreg:$0x1] =	wrdreg $0xFFFFFFFF  }
0xc2: {  	_ =	task.clear_ibuf [dreg:s7], $0x2FFFF;
	_ =	strace $0x9FFFFFFF  }
0xc3: {  	(tm) =	ssettm $0x7FFFFFFF  }
tec
execute0_lowered:
.L_overlay_start_1:
0x0: {  	(tag) =	ssettag $0x1  }
0x1: {  	s1 =	rddreg [dreg:$0x0]  }
0x2: {  	s0 =	rddreg [dreg:$0x1]  }
0x3: {  	s2 =	rddreg [dreg:$0x2];
	s3 =	srdreg.scid;
	s4 =	simm.s32 $0x0  }
0x4: {  	s10 =	stileid.u32;
	s28 =	simm.s32 $0x2;
	s29 =	simm.s32 $0x2C00  }
0x5: {  	s30 =	simm.s32 $0x200;
	s31 =	simm.s32 $0x6;
	s3 =	sand.u32 $0x1, s3  }
0x6: {  	[smem:$0x7FF] =	sst s4;
	s6 =	smul.u32 $0x14000, s10;
	s7 =	sadd.s32 $0x54800, s0  }
0x7: {  	s8 =	smul.u32 $0x50000, s10;
	s9 =	sadd.s32 $0x51C00, s0;
	s14 =	sshll.u32 s10, $0x10  }
0x8: {  	s10 =	simm.s32 $0x4;
	s5 =	smul.u32 $0x140000, s3;
	_ =	strace $0x8000004A  }
0x9: {  	s24 =	ssub.s32 $0x2, s3;
	[dreg:$0x4] =	wrdreg s9;
	s3 =	sshll.u32 s3, $0xF  }
0xa: {  	s9 =	simm.s32 $0x280;
	s25 =	sshrl.u32 s24, $0x1;
	s11 =	sshrl.u32 s8, $0x2  }
0xb: {  	s3 =	sor.u32 s3, s14;
	s8 =	simm.s32 $0x7;
	s14 =	simm.s32 $0x380  }
0xc: {  	s5 =	sadd.s32 s6, s5;
	s26 =	ssub.s32 s24, s25;
	s12 =	sadd.s32 s11, s2  }
0xd: {  	s19 =	sshrl.u32 s3, $0x3;
	s24 =	sor.u32 $0x500, s3;
	s3 =	sor.u32 $0x400, s3  }
0xe: {  	s11 =	simm.s32 $0x7C00;
	s15 =	sadd.s32 $0x2800, s12;
	[dreg:$0x5] =	wrdreg s12  }
0xf: {  	s5 =	sshrl.u32 s5, $0x3;
	s16 =	sadd.s32 $0x5000, s12;
	[dreg:$0x6] =	wrdreg s15  }
0x10: {  	s17 =	sadd.s32 $0x7800, s12;
	s18 =	sadd.s32 $0xA000, s12;
	[dreg:$0x7] =	wrdreg s16  }
0x11: {  	s20 =	sadd.s32 $0xC800, s12;
	s21 =	sadd.s32 $0xF000, s12;
	[dreg:$0x8] =	wrdreg s17  }
0x12: {  	s13 =	sadd.s32 s19, s7;
	s22 =	sadd.s32 $0x11800, s12;
	[dreg:$0x9] =	wrdreg s18  }
0x13: {  	s25 =	sshrl.u32 s24, $0x3;
	s24 =	simm.s32 $0x50;
	[dreg:$0xa] =	wrdreg s20  }
0x14: {  	s12 =	simm.s32 $0x8;
	s0 =	sadd.s32 s5, s0;
	[dreg:$0xb] =	wrdreg s21  }
0x15: {  	[dreg:$0xc] =	wrdreg s22;
	s23 =	sadd.s32 $0x20, s13;
	s5 =	smax.u32 s26, $0x1  }
0x16: {  	s18 =	sadd.s32 s25, s7;
	s26 =	sshrl.u32 s3, $0x3;
	s20 =	simm.s32 $0x400  }
0x17: {  	s16 =	simm.s32 $0xD;
	s22 =	simm.s32 $0x100;
	s25 =	simm.s32 $0x5  }
.Ltmp0:
0x18: {  	s3 =	simm.s32 $0x3;
	s17 =	simm.s32 $0x9;
	(pc) =	sbr.rel .LBB2_1-.Ltmp0, $4  }
0x19: {  	s15 =	simm.s32 $0xA;
	s21 =	simm.s32 $0x0;
	[dreg:$0xd] =	wrdreg s23  }
0x1a: {  	s0 =	sadd.s32 $0x74800, s0;
	[dreg:$0xf] =	wrdreg s5;
	s19 =	sadd.s32 s26, s7  }
0x1b: {  	s23 =	simm.s32 $0x1;
	s26 =	simm.s32 $0x80;
	s5 =	simm.s32 $0x5400  }
0x1c: {  	s7 =	simm.s32 $0x300;
	[dreg:$0xe] =	wrdreg s0;
	s0 =	simm.s32 $0x180  }
.LBB2_4:
0x1d: {  	_ =	swait.ge [sflag:s12], $0x2800  }
0x1e: {  	[sflag:s12] =	ssyncset.done $0x0  }
0x1f: {  	s6 =	simm.s32 $0xB;
	[sflag:s12] =	ssyncadd.s32 $0xFFFFD800  }
0x20: {  	[spmem:s2] =	stream.indirect.scatter.add.f32 [tilespmem:s11], [sflag:$0xC], $0x80, s14, s24, $0xb8;
	[tilespmem:$0x1E400] =	vst v63  }
0x21: {  	_ =	swait.ge [sflag:s6], $0x2800  }
0x22: {  	[sflag:s6] =	ssyncset.done $0x0  }
0x23: {  	s16 =	simm.s32 $0xC;
	[sflag:s6] =	ssyncadd.s32 $0xFFFFD800  }
0x24: {  	_ =	swait.ge [sflag:s16], $0x2800  }
0x25: {  	[sflag:s16] =	ssyncset.done $0x0  }
0x26: {  	[sflag:s16] =	ssyncadd.s32 $0xFFFFD800  }
0x27: {  	s21 =	stileid.u32;
	[bflag:$0x0] =	sbarrier.arrive $0xFFFF  }
0x28: {  	s6 =	sshll.u32 s21, $0x6;
	s16 =	rddreg [dreg:$0x5]  }
0x29: {  	s6 =	sor.u32 $0x1C0D, s6;
	s21 =	rddreg [dreg:$0xe];
	s16 =	sshrl.u32 s16, $0x3  }
0x2a: {  	[hbm:s21], [sflag:s6] =	dma.local [spmem:s16], $0x2800  }
0x2b: {  	s16 =	simm.s32 $0xD  }
0x2c: {  	_ =	swait.ge [sflag:s16], $0x2800  }
0x2d: {  	s6 =	rddreg [dreg:$0x10]  }
0x2e: {  	s21 =	sadd.s32 $0x1, s6;
	s6 =	rddreg [dreg:$0xf]  }
0x2f: {  	p0 =	sne.s32 s21, s6  }
.Ltmp1:
0x30: {  	_ = 	snop;
	(pc) =	sbr.rel @!p0 .LBB2_5-.Ltmp1, $3  }
0x31: {  	_ =	sdelay $0x1  }
0x32: {  	[sflag:s16] =	ssyncset.done $0x0  }
0x33: {  	[sflag:s16] =	ssyncadd.s32 $0xFFFFD800  }
.LBB2_1:
0x34: {  	[dreg:$0x10] =	wrdreg s21  }
0x35: {  	s6 =	rddreg [dreg:$0x4]  }
0x36: {  	[tilespmem:s20], [sflag:$0xD] =	stream.linear.gather [hbm4b:s6+s4], $0x2800, $0x38;
	[tilespmem:$0x1E400] =	vst v63  }
0x37: {  	_ =	swait.ge [sflag:s16], $0x2800  }
0x38: {  	[sflag:s16] =	ssyncset.done $0x0  }
0x39: {  	s21 =	rddreg [dreg:$0x5];
	[sflag:s16] =	ssyncadd.s32 $0xFFFFD800  }
0x3a: {  	[spmem:s21] =	stream.linear.scatter [tilespmem:s20], [sflag:$0xD], $0x2800, $0x38;
	[tilespmem:$0x1E400] =	vst v63  }
0x3b: {  	_ =	swait.ge [sflag:s16], $0x2800  }
0x3c: {  	[sflag:s16] =	ssyncset.done $0x0  }
0x3d: {  	s21 =	rddreg [dreg:$0x6];
	[sflag:s16] =	ssyncadd.s32 $0xFFFFD800  }
0x3e: {  	[spmem:s21] =	stream.linear.scatter [tilespmem:s20], [sflag:$0xD], $0x2800, $0x38;
	[tilespmem:$0x1E400] =	vst v63  }
0x3f: {  	_ =	swait.ge [sflag:s16], $0x2800  }
0x40: {  	[sflag:s16] =	ssyncset.done $0x0  }
0x41: {  	s21 =	rddreg [dreg:$0x7];
	[sflag:s16] =	ssyncadd.s32 $0xFFFFD800  }
0x42: {  	[spmem:s21] =	stream.linear.scatter [tilespmem:s20], [sflag:$0xD], $0x2800, $0x38;
	[tilespmem:$0x1E400] =	vst v63  }
0x43: {  	_ =	swait.ge [sflag:s16], $0x2800  }
0x44: {  	[sflag:s16] =	ssyncset.done $0x0  }
0x45: {  	s21 =	rddreg [dreg:$0x8];
	[sflag:s16] =	ssyncadd.s32 $0xFFFFD800  }
0x46: {  	[spmem:s21] =	stream.linear.scatter [tilespmem:s20], [sflag:$0xD], $0x2800, $0x38;
	[tilespmem:$0x1E400] =	vst v63  }
0x47: {  	_ =	swait.ge [sflag:s16], $0x2800  }
0x48: {  	[sflag:s16] =	ssyncset.done $0x0  }
0x49: {  	s21 =	rddreg [dreg:$0x9];
	[sflag:s16] =	ssyncadd.s32 $0xFFFFD800  }
0x4a: {  	[spmem:s21] =	stream.linear.scatter [tilespmem:s20], [sflag:$0xD], $0x2800, $0x38;
	[tilespmem:$0x1E400] =	vst v63  }
0x4b: {  	_ =	swait.ge [sflag:s16], $0x2800  }
0x4c: {  	[sflag:s16] =	ssyncset.done $0x0  }
0x4d: {  	s21 =	rddreg [dreg:$0xa];
	[sflag:s16] =	ssyncadd.s32 $0xFFFFD800  }
0x4e: {  	[spmem:s21] =	stream.linear.scatter [tilespmem:s20], [sflag:$0xD], $0x2800, $0x38;
	[tilespmem:$0x1E400] =	vst v63  }
0x4f: {  	_ =	swait.ge [sflag:s16], $0x2800  }
0x50: {  	[sflag:s16] =	ssyncset.done $0x0  }
0x51: {  	s21 =	rddreg [dreg:$0xb];
	[sflag:s16] =	ssyncadd.s32 $0xFFFFD800  }
0x52: {  	[spmem:s21] =	stream.linear.scatter [tilespmem:s20], [sflag:$0xD], $0x2800, $0x38;
	[tilespmem:$0x1E400] =	vst v63  }
0x53: {  	_ =	swait.ge [sflag:s16], $0x2800  }
0x54: {  	[sflag:s16] =	ssyncset.done $0x0  }
0x55: {  	s21 =	rddreg [dreg:$0xc];
	[sflag:s16] =	ssyncadd.s32 $0xFFFFD800  }
0x56: {  	[spmem:s21] =	stream.linear.scatter [tilespmem:s20], [sflag:$0xD], $0x2800, $0x38;
	[tilespmem:$0x1E400] =	vst v63  }
0x57: {  	_ =	swait.ge [sflag:s16], $0x2800  }
0x58: {  	[sflag:s16] =	ssyncset.done $0x0  }
0x59: {  	[sflag:s16] =	ssyncadd.s32 $0xFFFFD800  }
0x5a: {  	[tilespmem:s4], [sflag:$0x1] =	stream.linear.gather [hbm4b:s13+s4], $0x100, $0x38;
	[tilespmem:$0x1E400] =	vst v63  }
0x5b: {  	s21 =	rddreg [dreg:$0xd]  }
0x5c: {  	[tilespmem:s22], [sflag:$0x2] =	stream.linear.gather [hbm4b:s21+s4], $0x100, $0x38;
	[tilespmem:$0x1E400] =	vst v63  }
0x5d: {  	[bflag:$0x0] =	sbarrier.arrive $0xFFFF  }
0x5e: {  	_ =	swait.ge [sflag:s23], $0x100  }
0x5f: {  	[sflag:s23] =	ssyncset.done $0x0  }
0x60: {  	s6 =	simm.s32 $0x0;
	[sflag:s23] =	ssyncadd.s32 $0xFFFFFF00  }
0x61: {  	[tilespmem:s20], [sflag:$0x5] =	stream.indirect.gather [hbm4b:s1+s24], $0x80, s4, s24, $0xb8;
	[tilespmem:$0x1E400] =	vst v63  }
.LBB2_2:
0x62: {  	_ =	swait.ge [sflag:s25], $0x2800  }
0x63: {  	[sflag:s25] =	ssyncset.done $0x0  }
0x64: {  	[sflag:s25] =	ssyncadd.s32 $0xFFFFD800  }
0x65: {  	[spmem:s2] =	stream.indirect.scatter.add.f32 [tilespmem:s20], [sflag:$0x9], $0x80, s26, s24, $0xb8;
	[tilespmem:$0x1E400] =	vst v63  }
0x66: {  	_ =	swait.ge [sflag:s28], $0x100  }
0x67: {  	p0 =	seq.s32 s6, $0x0;
	[sflag:s28] =	ssyncset.done $0x0  }
0x68: {  	s16 =	simm.s32 @!p0 $0xB;
	[sflag:s28] =	ssyncadd.s32 $0xFFFFFF00  }
0x69: {  	[tilespmem:s29], [sflag:$0x6] =	stream.indirect.gather [hbm4b:s1+s24], $0x80, s22, s24, $0xb8;
	[tilespmem:$0x1E400] =	vst v63  }
0x6a: {  	_ =	swait.ge @!p0 [sflag:s16], $0x2800  }
0x6b: {  	s21 =	sadd.s32 s6, s13;
	[sflag:s16] =	ssyncset.done @!p0 $0x0  }
0x6c: {  	[sflag:s16] =	ssyncadd.s32 @!p0 $0xFFFFD800;
	s16 =	sadd.s32 $0x40, s21  }
0x6d: {  	[tilespmem:s30], [sflag:$0x3] =	stream.linear.gather [hbm4b:s16+s4], $0x100, $0x38;
	[tilespmem:$0x1E400] =	vst v63  }
0x6e: {  	_ =	swait.ge [sflag:s31], $0x2800  }
0x6f: {  	[sflag:s31] =	ssyncset.done $0x0  }
0x70: {  	[sflag:s31] =	ssyncadd.s32 $0xFFFFD800  }
0x71: {  	[spmem:s2] =	stream.indirect.scatter.add.f32 [tilespmem:s29], [sflag:$0xA], $0x80, s0, s24, $0xb8;
	[tilespmem:$0x1E400] =	vst v63  }
0x72: {  	_ =	swait.ge [sflag:s3], $0x100  }
0x73: {  	[sflag:s3] =	ssyncset.done $0x0  }
0x74: {  	s16 =	simm.s32 @!p0 $0xC;
	[sflag:s3] =	ssyncadd.s32 $0xFFFFFF00  }
0x75: {  	[tilespmem:s5], [sflag:$0x7] =	stream.indirect.gather [hbm4b:s1+s24], $0x80, s30, s24, $0xb8;
	[tilespmem:$0x1E400] =	vst v63  }
0x76: {  	_ =	swait.ge @!p0 [sflag:s16], $0x2800  }
0x77: {  	[sflag:s16] =	ssyncset.done @!p0 $0x0  }
0x78: {  	s21 =	sadd.s32 $0x60, s21;
	[sflag:s16] =	ssyncadd.s32 @!p0 $0xFFFFD800  }
0x79: {  	[tilespmem:s7], [sflag:$0x4] =	stream.linear.gather [hbm4b:s21+s4], $0x100, $0x38;
	[tilespmem:$0x1E400] =	vst v63  }
0x7a: {  	_ =	swait.ge [sflag:s8], $0x2800  }
0x7b: {  	[sflag:s8] =	ssyncset.done $0x0  }
0x7c: {  	p0 =	seq.s32 s6, $0xF80;
	[sflag:s8] =	ssyncadd.s32 $0xFFFFD800  }
0x7d: {  	[spmem:s2] =	stream.indirect.scatter.add.f32 [tilespmem:s5], [sflag:$0xB], $0x80, s9, s24, $0xb8;
	[tilespmem:$0x1E400] =	vst v63  }
.Ltmp2:
0x7e: {  	_ = 	snop;
	(pc) =	sbr.rel @p0 .LBB2_4-.Ltmp2, $4  }
0x7f: {  	_ =	swait.ge [sflag:s10], $0x100  }
0x80: {  	[sflag:s10] =	ssyncset.done $0x0  }
0x81: {  	[sflag:s10] =	ssyncadd.s32 $0xFFFFFF00  }
0x82: {  	[tilespmem:s11], [sflag:$0x8] =	stream.indirect.gather [hbm4b:s1+s24], $0x80, s7, s24, $0xb8;
	[tilespmem:$0x1E400] =	vst v63  }
0x83: {  	_ =	swait.ge [sflag:s17], $0x2800  }
0x84: {  	[sflag:s17] =	ssyncset.done $0x0  }
0x85: {  	s16 =	sadd.s32 s6, s19;
	[sflag:s17] =	ssyncadd.s32 $0xFFFFD800  }
0x86: {  	[tilespmem:s4], [sflag:$0x1] =	stream.linear.gather [hbm4b:s16+s4], $0x100, $0x38;
	[tilespmem:$0x1E400] =	vst v63  }
0x87: {  	_ =	swait.ge [sflag:s12], $0x2800  }
0x88: {  	[sflag:s12] =	ssyncset.done $0x0  }
0x89: {  	[sflag:s12] =	ssyncadd.s32 $0xFFFFD800  }
0x8a: {  	[spmem:s2] =	stream.indirect.scatter.add.f32 [tilespmem:s11], [sflag:$0xC], $0x80, s14, s24, $0xb8;
	[tilespmem:$0x1E400] =	vst v63  }
0x8b: {  	_ =	swait.ge [sflag:s23], $0x100  }
0x8c: {  	[sflag:s23] =	ssyncset.done $0x0  }
0x8d: {  	[sflag:s23] =	ssyncadd.s32 $0xFFFFFF00  }
0x8e: {  	[tilespmem:s20], [sflag:$0x5] =	stream.indirect.gather [hbm4b:s1+s24], $0x80, s4, s24, $0xb8;
	[tilespmem:$0x1E400] =	vst v63  }
.Ltmp3:
0x8f: {  	_ = 	snop;
	(pc) =	sbr.rel .LBB2_2-.Ltmp3, $4  }
0x90: {  	_ =	swait.ge [sflag:s15], $0x2800  }
0x91: {  	[sflag:s15] =	ssyncset.done $0x0  }
0x92: {  	s21 =	sadd.s32 s6, s18;
	s6 =	sadd.s32 $0x80, s6;
	[sflag:s15] =	ssyncadd.s32 $0xFFFFD800  }
0x93: {  	[tilespmem:s22], [sflag:$0x2] =	stream.linear.gather [hbm4b:s21+s4], $0x100, $0x38;
	[tilespmem:$0x1E400] =	vst v63  }
.LBB2_5:
0x94: {  	_ =	sfence.sel $0x180000  }
0x95: {  	[bflag:$0x0] =	sbarrier.arrive $0xFFFF  }
0x96: {  	_ =	strace $0x9000004A  }
0x97: {  	s0 =	stileid.u32;
	[bflag:$0x2] =	sbarrier.arrive $0xFFFF  }
0x98: {  	p0 =	sne.s32 s0, $0x0;
	s0 =	rddreg [dreg:$0x3]  }
0x99: {  	s0 =	sadd.s32 @!p0 $0x100000, s0  }
0x9a: {  	[sflag:s0] =	ssyncadd.tile.s32 @!p0 $0x1;
	_ =	shalt  }
.Lfunc_end2:
_tile_overlayer_lowered:
.L_overlay_start_2:
0x9b: {  	(tag) =	ssettag $0x2  }
0x9c: {  	s0 =	rddreg [dreg:$0x0];
	s2 =	stileid.u32  }
0x9d: {  	s1 =	rddreg [dreg:$0x1];
	p0 =	sne.s32 s2, $0x0  }
0x9e: {  	s3 =	rddreg [dreg:$0x2];
	[bflag:$0x3] =	sbarrier.arrive $0xFFFF;
	s2 =	simm.s32 @!p0 $0x1C0D  }
0x9f: {  	[timem:s3], [sflag:s2] =	dma.local @!p0 [hbm:s0], s1  }
0xa0: {  	s0 =	simm.s32 @!p0 $0xD  }
0xa1: {  	_ =	swait.ge @!p0 [sflag:s0], s1  }
0xa2: {  	s1 =	ssub.s32 @!p0 $0x0, s1;
	[sflag:s0] =	ssyncset.done @!p0 $0x0  }
0xa3: {  	[sflag:s0] =	ssyncadd.s32 @!p0 s1  }
0xa4: {  	[bflag:$0x3] =	sbarrier.arrive $0xFFFF  }
0xa5: {  	_ =	shalt  }

// kernel: kernel.14.cloned.1.call-start
scs
__scs_entry_jumppad:
0x0: {  	(pc) =	sbr.rel $0x88, $3  }
0x1: {  	(tag) =	ssettag $0x0;
	lr =	simm.s32 $0x1  }
0x2: {  	[smem:$0x3F9B] =	sst lr;
	_ =	strace $0xD0000000  }
0x3: {  	_ = 	snop  }
0x4: {  	_ = 	snop  }
0x5: {  	_ = 	snop  }
0x6: {  	_ = 	snop  }
0x7: {  	_ = 	snop  }
__scs_overlays_trampoline_lowered:
0x8: {  	[smem:$0x3FAA] =	sst s0  }
0x9: {  	[smem:$0x3FAB] =	sst s1  }
0xa: {  	[smem:$0x3FAC] =	sst s2  }
0xb: {  	[smem:$0x3FAD] =	sst s3  }
0xc: {  	[smem:$0x3FAE] =	sst s4  }
0xd: {  	[smem:$0x3FAF] =	sst s5  }
0xe: {  	[smem:$0x3FB0] =	sst s6  }
0xf: {  	[smem:$0x3FB1] =	sst s7  }
0x10: {  	[smem:$0x3FB2] =	sst s8  }
0x11: {  	[smem:$0x3FB3] =	sst s9;
	s0 =	simm.s32 @!p0 $0x0  }
0x12: {  	s1 =	sld [smem:$0x3F99];
	s0 =	simm.s32 @p0 $0x1  }
0x13: {  	[smem:$0x3FB4] =	sst s0;
	s0 =	simm.s32 @!p1 $0x0  }
0x14: {  	s2 =	sld [smem:$0x3F98];
	s0 =	simm.s32 @p1 $0x1  }
0x15: {  	[smem:$0x3FB5] =	sst s0;
	s0 =	simm.s32 @!p2 $0x0  }
0x16: {  	s3 =	sld [smem:$0x3FDB];
	s0 =	simm.s32 @p2 $0x1  }
0x17: {  	s4 =	simm.s32 $0x1BF5;
	[smem:$0x3FB7] =	sst s0  }
0x18: {  	s0 =	sld [smem:$0x3F9A];
	_ =	swait.ge [sflag:s4], $0x0  }
0x19: {  	s7 =	sld [smem:$0x3F9B]  }
0x1a: {  	s8 =	sadd.s32 $0xFFFFE003, lr  }
0x1b: {  	s9 =	sadd.s32 $0xFFFFFEF7, lr;
	s5 =	simm.s32 $0xFFFFFFFF;
	p2 =	slt.u32 s8, $0xFFFFF086  }
0x1c: {  	p1 =	slt.u32 s9, $0xF7A;
	s5 =	simm.s32 @!p2 $0x0  }
0x1d: {  	s5 =	simm.s32 @p1 $0x1;
	p0 =	seq.s32 s7, s2  }
0x1e: {  	s7 =	smul.u32 @!p0 $0xF7A, s2;
	p2 =	seq.s32 @!p0 s5, $0x0  }
0x1f: {  	s9 =	smul.u32 $0xF7A, s1;
	s8 =	simm.s32 @!p0 $0x1BF5;
	p2 =	por !p2, p0  }
0x20: {  	[sflag:s8] =	ssyncset.s32 @!p0 $0xFFFFF086;
	s6 =	sadd.s32 @!p0 s3, s7;
	s7 =	simm.s32 @!p0 $0x108  }
0x21: {  	s3 =	sadd.s32 s3, s9;
	s6 =	sadd.s32 @!p0 $0x88, s6;
	s7 =	simm.s32 @p2 $0x1082  }
0x22: {  	[simem:s7], [sflag:s8] =	dma.local @!p0 [hbm:s6], $0xF7A  }
0x23: {  	s9 =	sor.u32 $0xD0000000, s2;
	s6 =	simm.s32 $0x108;
	_ =	swait.ge @!p0 [sflag:s8], $0x0  }
0x24: {  	s3 =	sadd.s32 $0x88, s3;
	s6 =	simm.s32 @!p1 $0x1082;
	[sflag:s4] =	ssyncset.s32 $0xFFFFF086  }
0x25: {  	[simem:s6], [sflag:s4] =	dma.local [hbm:s3], $0xF7A  }
0x26: {  	[smem:$0x3F9B] =	sst s1;
	(tag) =	ssettag s2;
	_ =	strace s9  }
0x27: {  	s1 =	sld [smem:$0x3FAB]  }
0x28: {  	s2 =	sld [smem:$0x3FAC]  }
0x29: {  	s4 =	sld [smem:$0x3FAE]  }
0x2a: {  	p0 =	seq.s32 s5, $0x0;
	s5 =	sld [smem:$0x3FAF]  }
0x2b: {  	s6 =	sld [smem:$0x3FB0]  }
0x2c: {  	s7 =	sld [smem:$0x3FB1]  }
0x2d: {  	s3 =	simm.s32 $0x108;
	s8 =	sld [smem:$0x3FB2]  }
0x2e: {  	s3 =	simm.s32 @!p0 $0x1082;
	s9 =	sld [smem:$0x3FB3]  }
0x2f: {  	lr =	sadd.s32 s0, s3;
	s0 =	sld [smem:$0x3FAA]  }
0x30: {  	s3 =	sld [smem:$0x3FAD]  }
0x31: {  	[smem:$0x3FB6] =	sst s10  }
0x32: {  	s10 =	sld [smem:$0x3FB4];
	_ =	sdelay $0x3  }
0x33: {  	p0 =	seq.s32 s10, $0x1;
	s10 =	sld [smem:$0x3FB6];
	_ =	sdelay $0x3  }
0x34: {  	[smem:$0x3FB6] =	sst s10  }
0x35: {  	s10 =	sld [smem:$0x3FB5];
	_ =	sdelay $0x3  }
0x36: {  	p1 =	seq.s32 s10, $0x1;
	s10 =	sld [smem:$0x3FB6];
	_ =	sdelay $0x3  }
0x37: {  	[smem:$0x3FB6] =	sst s10  }
0x38: {  	s10 =	sld [smem:$0x3FB7]  }
0x39: {  	_ = 	snop;
	(pc) =	sbr.ind lr, $3  }
0x3a: {  	_ = 	snop  }
0x3b: {  	_ = 	snop  }
0x3c: {  	p2 =	seq.s32 s10, $0x1;
	s10 =	sld [smem:$0x3FB6]  }
0x3d: {  	_ =	shalt  }
0x3e: {  	_ =	shalt  }
0x3f: {  	_ =	shalt  }
0x40: {  	_ =	shalt  }
0x41: {  	_ =	shalt  }
0x42: {  	_ =	shalt  }
0x43: {  	_ =	shalt  }
0x44: {  	_ =	shalt  }
0x45: {  	_ =	shalt  }
0x46: {  	_ =	shalt  }
0x47: {  	_ =	shalt  }
0x48: {  	_ =	shalt  }
0x49: {  	_ =	shalt  }
0x4a: {  	_ =	shalt  }
0x4b: {  	_ =	shalt  }
0x4c: {  	_ =	shalt  }
0x4d: {  	_ =	shalt  }
0x4e: {  	_ =	shalt  }
0x4f: {  	_ =	shalt  }
0x50: {  	_ =	shalt  }
0x51: {  	_ =	shalt  }
0x52: {  	_ =	shalt  }
0x53: {  	_ =	shalt  }
0x54: {  	_ =	shalt  }
0x55: {  	_ =	shalt  }
0x56: {  	_ =	shalt  }
0x57: {  	_ =	shalt  }
0x58: {  	_ =	shalt  }
0x59: {  	_ =	shalt  }
0x5a: {  	_ =	shalt  }
0x5b: {  	_ =	shalt  }
0x5c: {  	_ =	shalt  }
0x5d: {  	_ =	shalt  }
0x5e: {  	_ =	shalt  }
0x5f: {  	_ =	shalt  }
0x60: {  	_ =	shalt  }
0x61: {  	_ =	shalt  }
0x62: {  	_ =	shalt  }
0x63: {  	_ =	shalt  }
0x64: {  	_ =	shalt  }
0x65: {  	_ =	shalt  }
0x66: {  	_ =	shalt  }
0x67: {  	_ =	shalt  }
0x68: {  	_ =	shalt  }
0x69: {  	_ =	shalt  }
0x6a: {  	_ =	shalt  }
0x6b: {  	_ =	shalt  }
0x6c: {  	_ =	shalt  }
0x6d: {  	_ =	shalt  }
0x6e: {  	_ =	shalt  }
0x6f: {  	_ =	shalt  }
0x70: {  	_ =	shalt  }
0x71: {  	_ =	shalt  }
0x72: {  	_ =	shalt  }
0x73: {  	_ =	shalt  }
0x74: {  	_ =	shalt  }
0x75: {  	_ =	shalt  }
0x76: {  	_ =	shalt  }
0x77: {  	_ =	shalt  }
0x78: {  	_ =	shalt  }
0x79: {  	_ =	shalt  }
0x7a: {  	_ =	shalt  }
0x7b: {  	_ =	shalt  }
0x7c: {  	_ =	shalt  }
0x7d: {  	_ =	shalt  }
0x7e: {  	_ =	shalt  }
0x7f: {  	_ =	shalt  }
0x80: {  	_ =	shalt  }
0x81: {  	_ =	shalt  }
0x82: {  	_ =	shalt  }
0x83: {  	_ =	shalt  }
0x84: {  	_ =	shalt  }
0x85: {  	_ =	shalt  }
0x86: {  	_ =	shalt  }
0x87: {  	_ =	shalt  }
.Lfunc_end0:
.L_simem_size_0:
called_computation.2_lowered:
.L_overlay_start_0:
0x88: {  	s2 =	sld [smem:$0x3FD9]  }
0x89: {  	s3 =	sld [smem:$0x3FFE];
	_ =	sdelay $0x1  }
0x8a: {  	s1 =	srdreg.scid  }
0x8b: {  	s0 =	sand.u32 $0x1, s1  }
0x8c: {  	s17 =	sshll.u32 s0, $0xA;
	s2 =	sadd.s32 s3, s2  }
0x8d: {  	s2 =	sadd.s32 s2, s17  }
0x8e: {  	[smem:$0x3FC2] =	sst s2  }
0x8f: {  	_ = 	snop  }
0x90: {  	s2 =	sld [smem:$0x3FD0];
	(tm) =	ssettm $0x1  }
0x91: {  	s18 =	sld [smem:$0x3FFB];
	_ =	sdelay $0x3  }
0x92: {  	_ =	strace s18  }
0x93: {  	s3 =	sld [smem:$0x3FFC];
	_ =	sdelay $0x3  }
0x94: {  	_ =	strace s3  }
0x95: {  	s3 =	sld [smem:$0x3FFD];
	_ =	sdelay $0x3  }
0x96: {  	_ =	strace s3  }
0x97: {  	_ =	strace $0x8FFFFFFF  }
0x98: {  	s19 =	sld [smem:$0x3FDB];
	_ =	sdelay $0x1  }
0x99: {  	s4 =	simm.s32 $_scs_section_size  }
0x9a: {  	s5 =	simm.s32 $_size__tile_overlayer_lowered;
	s6 =	simm.s32 $_tile_overlayer_lowered  }
0x9b: {  	s22 =	simm.s32 $0x1BFF;
	s21 =	sshll.u32 s6, $0x1;
	s3 =	sadd.s32 s4, s19  }
0x9c: {  	s7 =	simm.s32 $0x0;
	s20 =	sshll.u32 s5, $0x1;
	s5 =	sadd.s32 s21, s3  }
0x9d: {  	[timem:s7], [sflag:s22] =	dma.local [hbm:s5], s20  }
0x9e: {  	_ =	swait.ge [sflag:s22], s20  }
0x9f: {  	s4 =	ssub.s32 $0x0, s20;
	[sflag:s22] =	ssyncset.done $0x0  }
0xa0: {  	[sflag:s22] =	ssyncadd.s32 s4;
	_ =	sdelay $0x1  }
0xa1: {  	s23 =	simm.s32 $0x1B8B  }
0xa2: {  	_ =	swait.ge [sflag:s23], $0x1  }
0xa3: {  	[sflag:s23] =	ssyncset.done $0x0  }
0xa4: {  	s25 =	simm.s32 $0x1B8E;
	s24 =	sld [smem:$0x3FFE];
	[sflag:s23] =	ssyncadd.s32 $0xFFFFFFFF  }
0xa5: {  	s26 =	simm.s32 $execute0_lowered;
	[smem:$0x3FD2] =	sst s25  }
0xa6: {  	s5 =	sshll.u32 s26, $0x1;
	_ =	strace $0x8000004C;
	[dreg:$0x1] =	wrdreg $0xFFFFFFFF  }
0xa7: {  	s28 =	simm.s32 $_size_execute0_lowered;
	s3 =	sadd.s32 s3, s5;
	[dreg:$0x0] =	wrdreg $0x0  }
0xa8: {  	s5 =	sshll.u32 s28, $0x1;
	[dreg:$0x2] =	wrdreg s3  }
0xa9: {  	[dreg:$0x3] =	wrdreg s5  }
0xaa: {  	[dreg:$0x4] =	wrdreg $0xC0  }
0xab: {  	_ =	task [dreg:s7], $0x5FFFF  }
0xac: {  	[dreg:$0x1] =	wrdreg $0xFFFFFFFF  }
0xad: {  	[dreg:$0x0] =	wrdreg $0x60  }
0xae: {  	[dreg:$0x2] =	wrdreg s2  }
0xaf: {  	[dreg:$0x3] =	wrdreg s24  }
0xb0: {  	[dreg:$0x4] =	wrdreg $0xA4000  }
0xb1: {  	[dreg:$0x5] =	wrdreg $0x9  }
0xb2: {  	_ =	task.clear_ibuf [dreg:s7], $0x6FFFF;
	_ =	strace $0x9000004C  }
0xb3: {  	s29 =	simm.s32 $0x9;
	_ =	strace $0x8000004E  }
0xb4: {  	_ =	swait.ge [sflag:s29], $0x1  }
0xb5: {  	[sflag:s29] =	ssyncadd.s32 $0xFFFFFFFF  }
0xb6: {  	_ =	strace $0x9000004E  }
0xb7: {  	_ =	sfence  }
0xb8: {  	s30 =	sld [smem:$0x0];
	_ =	sdelay $0x2  }
0xb9: {  	s31 =	sshll.u32 s1, $0xD;
	s1 =	sshrl.u32 s1, $0x2  }
0xba: {  	s3 =	sand.u32 $0x4000, s31;
	s1 =	sadd.s32 s1, s30  }
0xbb: {  	s0 =	sor.u32 s3, s0;
	s1 =	sshll.u32 s1, $0x11  }
0xbc: {  	s0 =	sor.u32 s1, s0  }
0xbd: {  	s0 =	sadd.s32 $0x8F2B, s0  }
0xbe: {  	[sflag:s0] =	ssyncadd.remote.s32 $0x1  }
0xbf: {  	_ =	sfence.sel $0xFFFF  }
0xc0: {  	[dreg:$0x0] =	wrdreg $0xFFFFFFFF;
	(pc) =	sbr.abs _section_cstart, $3  }
0xc1: {  	[dreg:$0x1] =	wrdreg $0xFFFFFFFF  }
0xc2: {  	_ =	task.clear_ibuf [dreg:s7], $0x2FFFF;
	_ =	strace $0x9FFFFFFF  }
0xc3: {  	(tm) =	ssettm $0x7FFFFFFF  }
tec
execute0_lowered:
.L_overlay_start_1:
0x0: {  	(tag) =	ssettag $0x1  }
0x1: {  	s1 =	rddreg [dreg:$0x0]  }
0x2: {  	s0 =	rddreg [dreg:$0x1]  }
0x3: {  	s2 =	rddreg [dreg:$0x2];
	s3 =	srdreg.scid;
	s4 =	simm.s32 $0x0  }
0x4: {  	s10 =	stileid.u32;
	s28 =	simm.s32 $0x2;
	s29 =	simm.s32 $0x2C00  }
0x5: {  	s30 =	simm.s32 $0x200;
	s31 =	simm.s32 $0x6;
	s3 =	sand.u32 $0x1, s3  }
0x6: {  	[smem:$0x7FF] =	sst s4;
	s6 =	smul.u32 $0x14000, s10;
	s7 =	sadd.s32 $0x54800, s0  }
0x7: {  	s8 =	smul.u32 $0x50000, s10;
	s9 =	sadd.s32 $0x51C00, s0;
	s14 =	sshll.u32 s10, $0x10  }
0x8: {  	s10 =	simm.s32 $0x4;
	s5 =	smul.u32 $0x140000, s3;
	_ =	strace $0x8000004D  }
0x9: {  	s24 =	ssub.s32 $0x2, s3;
	[dreg:$0x4] =	wrdreg s9;
	s3 =	sshll.u32 s3, $0xF  }
0xa: {  	s9 =	simm.s32 $0x280;
	s25 =	sshrl.u32 s24, $0x1;
	s11 =	sshrl.u32 s8, $0x2  }
0xb: {  	s3 =	sor.u32 s3, s14;
	s8 =	simm.s32 $0x7;
	s14 =	simm.s32 $0x380  }
0xc: {  	s5 =	sadd.s32 s6, s5;
	s26 =	ssub.s32 s24, s25;
	s12 =	sadd.s32 s11, s2  }
0xd: {  	s19 =	sshrl.u32 s3, $0x3;
	s24 =	sor.u32 $0x500, s3;
	s3 =	sor.u32 $0x400, s3  }
0xe: {  	s11 =	simm.s32 $0x7C00;
	s15 =	sadd.s32 $0x2800, s12;
	[dreg:$0x5] =	wrdreg s12  }
0xf: {  	s5 =	sshrl.u32 s5, $0x3;
	s16 =	sadd.s32 $0x5000, s12;
	[dreg:$0x6] =	wrdreg s15  }
0x10: {  	s17 =	sadd.s32 $0x7800, s12;
	s18 =	sadd.s32 $0xA000, s12;
	[dreg:$0x7] =	wrdreg s16  }
0x11: {  	s20 =	sadd.s32 $0xC800, s12;
	s21 =	sadd.s32 $0xF000, s12;
	[dreg:$0x8] =	wrdreg s17  }
0x12: {  	s13 =	sadd.s32 s19, s7;
	s22 =	sadd.s32 $0x11800, s12;
	[dreg:$0x9] =	wrdreg s18  }
0x13: {  	s25 =	sshrl.u32 s24, $0x3;
	s24 =	simm.s32 $0x50;
	[dreg:$0xa] =	wrdreg s20  }
0x14: {  	s12 =	simm.s32 $0x8;
	s0 =	sadd.s32 s5, s0;
	[dreg:$0xb] =	wrdreg s21  }
0x15: {  	[dreg:$0xc] =	wrdreg s22;
	s23 =	sadd.s32 $0x20, s13;
	s5 =	smax.u32 s26, $0x1  }
0x16: {  	s18 =	sadd.s32 s25, s7;
	s26 =	sshrl.u32 s3, $0x3;
	s20 =	simm.s32 $0x400  }
0x17: {  	s16 =	simm.s32 $0xD;
	s22 =	simm.s32 $0x100;
	s25 =	simm.s32 $0x5  }
.Ltmp0:
0x18: {  	s3 =	simm.s32 $0x3;
	s17 =	simm.s32 $0x9;
	(pc) =	sbr.rel .LBB2_1-.Ltmp0, $4  }
0x19: {  	s15 =	simm.s32 $0xA;
	s21 =	simm.s32 $0x0;
	[dreg:$0xd] =	wrdreg s23  }
0x1a: {  	s0 =	sadd.s32 $0x74800, s0;
	[dreg:$0xf] =	wrdreg s5;
	s19 =	sadd.s32 s26, s7  }
0x1b: {  	s23 =	simm.s32 $0x1;
	s26 =	simm.s32 $0x80;
	s5 =	simm.s32 $0x5400  }
0x1c: {  	s7 =	simm.s32 $0x300;
	[dreg:$0xe] =	wrdreg s0;
	s0 =	simm.s32 $0x180  }
.LBB2_4:
0x1d: {  	_ =	swait.ge [sflag:s12], $0x2800  }
0x1e: {  	[sflag:s12] =	ssyncset.done $0x0  }
0x1f: {  	s6 =	simm.s32 $0xB;
	[sflag:s12] =	ssyncadd.s32 $0xFFFFD800  }
0x20: {  	[spmem:s2] =	stream.indirect.scatter.add.f32 [tilespmem:s11], [sflag:$0xC], $0x80, s14, s24, $0xb8;
	[tilespmem:$0x1E400] =	vst v63  }
0x21: {  	_ =	swait.ge [sflag:s6], $0x2800  }
0x22: {  	[sflag:s6] =	ssyncset.done $0x0  }
0x23: {  	s16 =	simm.s32 $0xC;
	[sflag:s6] =	ssyncadd.s32 $0xFFFFD800  }
0x24: {  	_ =	swait.ge [sflag:s16], $0x2800  }
0x25: {  	[sflag:s16] =	ssyncset.done $0x0  }
0x26: {  	[sflag:s16] =	ssyncadd.s32 $0xFFFFD800  }
0x27: {  	s21 =	stileid.u32;
	[bflag:$0x0] =	sbarrier.arrive $0xFFFF  }
0x28: {  	s6 =	sshll.u32 s21, $0x6;
	s16 =	rddreg [dreg:$0x5]  }
0x29: {  	s6 =	sor.u32 $0x1C0D, s6;
	s21 =	rddreg [dreg:$0xe];
	s16 =	sshrl.u32 s16, $0x3  }
0x2a: {  	[hbm:s21], [sflag:s6] =	dma.local [spmem:s16], $0x2800  }
0x2b: {  	s16 =	simm.s32 $0xD  }
0x2c: {  	_ =	swait.ge [sflag:s16], $0x2800  }
0x2d: {  	s6 =	rddreg [dreg:$0x10]  }
0x2e: {  	s21 =	sadd.s32 $0x1, s6;
	s6 =	rddreg [dreg:$0xf]  }
0x2f: {  	p0 =	sne.s32 s21, s6  }
.Ltmp1:
0x30: {  	_ = 	snop;
	(pc) =	sbr.rel @!p0 .LBB2_5-.Ltmp1, $3  }
0x31: {  	_ =	sdelay $0x1  }
0x32: {  	[sflag:s16] =	ssyncset.done $0x0  }
0x33: {  	[sflag:s16] =	ssyncadd.s32 $0xFFFFD800  }
.LBB2_1:
0x34: {  	[dreg:$0x10] =	wrdreg s21  }
0x35: {  	s6 =	rddreg [dreg:$0x4]  }
0x36: {  	[tilespmem:s20], [sflag:$0xD] =	stream.linear.gather [hbm4b:s6+s4], $0x2800, $0x38;
	[tilespmem:$0x1E400] =	vst v63  }
0x37: {  	_ =	swait.ge [sflag:s16], $0x2800  }
0x38: {  	[sflag:s16] =	ssyncset.done $0x0  }
0x39: {  	s21 =	rddreg [dreg:$0x5];
	[sflag:s16] =	ssyncadd.s32 $0xFFFFD800  }
0x3a: {  	[spmem:s21] =	stream.linear.scatter [tilespmem:s20], [sflag:$0xD], $0x2800, $0x38;
	[tilespmem:$0x1E400] =	vst v63  }
0x3b: {  	_ =	swait.ge [sflag:s16], $0x2800  }
0x3c: {  	[sflag:s16] =	ssyncset.done $0x0  }
0x3d: {  	s21 =	rddreg [dreg:$0x6];
	[sflag:s16] =	ssyncadd.s32 $0xFFFFD800  }
0x3e: {  	[spmem:s21] =	stream.linear.scatter [tilespmem:s20], [sflag:$0xD], $0x2800, $0x38;
	[tilespmem:$0x1E400] =	vst v63  }
0x3f: {  	_ =	swait.ge [sflag:s16], $0x2800  }
0x40: {  	[sflag:s16] =	ssyncset.done $0x0  }
0x41: {  	s21 =	rddreg [dreg:$0x7];
	[sflag:s16] =	ssyncadd.s32 $0xFFFFD800  }
0x42: {  	[spmem:s21] =	stream.linear.scatter [tilespmem:s20], [sflag:$0xD], $0x2800, $0x38;
	[tilespmem:$0x1E400] =	vst v63  }
0x43: {  	_ =	swait.ge [sflag:s16], $0x2800  }
0x44: {  	[sflag:s16] =	ssyncset.done $0x0  }
0x45: {  	s21 =	rddreg [dreg:$0x8];
	[sflag:s16] =	ssyncadd.s32 $0xFFFFD800  }
0x46: {  	[spmem:s21] =	stream.linear.scatter [tilespmem:s20], [sflag:$0xD], $0x2800, $0x38;
	[tilespmem:$0x1E400] =	vst v63  }
0x47: {  	_ =	swait.ge [sflag:s16], $0x2800  }
0x48: {  	[sflag:s16] =	ssyncset.done $0x0  }
0x49: {  	s21 =	rddreg [dreg:$0x9];
	[sflag:s16] =	ssyncadd.s32 $0xFFFFD800  }
0x4a: {  	[spmem:s21] =	stream.linear.scatter [tilespmem:s20], [sflag:$0xD], $0x2800, $0x38;
	[tilespmem:$0x1E400] =	vst v63  }
0x4b: {  	_ =	swait.ge [sflag:s16], $0x2800  }
0x4c: {  	[sflag:s16] =	ssyncset.done $0x0  }
0x4d: {  	s21 =	rddreg [dreg:$0xa];
	[sflag:s16] =	ssyncadd.s32 $0xFFFFD800  }
0x4e: {  	[spmem:s21] =	stream.linear.scatter [tilespmem:s20], [sflag:$0xD], $0x2800, $0x38;
	[tilespmem:$0x1E400] =	vst v63  }
0x4f: {  	_ =	swait.ge [sflag:s16], $0x2800  }
0x50: {  	[sflag:s16] =	ssyncset.done $0x0  }
0x51: {  	s21 =	rddreg [dreg:$0xb];
	[sflag:s16] =	ssyncadd.s32 $0xFFFFD800  }
0x52: {  	[spmem:s21] =	stream.linear.scatter [tilespmem:s20], [sflag:$0xD], $0x2800, $0x38;
	[tilespmem:$0x1E400] =	vst v63  }
0x53: {  	_ =	swait.ge [sflag:s16], $0x2800  }
0x54: {  	[sflag:s16] =	ssyncset.done $0x0  }
0x55: {  	s21 =	rddreg [dreg:$0xc];
	[sflag:s16] =	ssyncadd.s32 $0xFFFFD800  }
0x56: {  	[spmem:s21] =	stream.linear.scatter [tilespmem:s20], [sflag:$0xD], $0x2800, $0x38;
	[tilespmem:$0x1E400] =	vst v63  }
0x57: {  	_ =	swait.ge [sflag:s16], $0x2800  }
0x58: {  	[sflag:s16] =	ssyncset.done $0x0  }
0x59: {  	[sflag:s16] =	ssyncadd.s32 $0xFFFFD800  }
0x5a: {  	[tilespmem:s4], [sflag:$0x1] =	stream.linear.gather [hbm4b:s13+s4], $0x100, $0x38;
	[tilespmem:$0x1E400] =	vst v63  }
0x5b: {  	s21 =	rddreg [dreg:$0xd]  }
0x5c: {  	[tilespmem:s22], [sflag:$0x2] =	stream.linear.gather [hbm4b:s21+s4], $0x100, $0x38;
	[tilespmem:$0x1E400] =	vst v63  }
0x5d: {  	[bflag:$0x0] =	sbarrier.arrive $0xFFFF  }
0x5e: {  	_ =	swait.ge [sflag:s23], $0x100  }
0x5f: {  	[sflag:s23] =	ssyncset.done $0x0  }
0x60: {  	s6 =	simm.s32 $0x0;
	[sflag:s23] =	ssyncadd.s32 $0xFFFFFF00  }
0x61: {  	[tilespmem:s20], [sflag:$0x5] =	stream.indirect.gather [hbm4b:s1+s24], $0x80, s4, s24, $0xb8;
	[tilespmem:$0x1E400] =	vst v63  }
.LBB2_2:
0x62: {  	_ =	swait.ge [sflag:s25], $0x2800  }
0x63: {  	[sflag:s25] =	ssyncset.done $0x0  }
0x64: {  	[sflag:s25] =	ssyncadd.s32 $0xFFFFD800  }
0x65: {  	[spmem:s2] =	stream.indirect.scatter.add.f32 [tilespmem:s20], [sflag:$0x9], $0x80, s26, s24, $0xb8;
	[tilespmem:$0x1E400] =	vst v63  }
0x66: {  	_ =	swait.ge [sflag:s28], $0x100  }
0x67: {  	p0 =	seq.s32 s6, $0x0;
	[sflag:s28] =	ssyncset.done $0x0  }
0x68: {  	s16 =	simm.s32 @!p0 $0xB;
	[sflag:s28] =	ssyncadd.s32 $0xFFFFFF00  }
0x69: {  	[tilespmem:s29], [sflag:$0x6] =	stream.indirect.gather [hbm4b:s1+s24], $0x80, s22, s24, $0xb8;
	[tilespmem:$0x1E400] =	vst v63  }
0x6a: {  	_ =	swait.ge @!p0 [sflag:s16], $0x2800  }
0x6b: {  	s21 =	sadd.s32 s6, s13;
	[sflag:s16] =	ssyncset.done @!p0 $0x0  }
0x6c: {  	[sflag:s16] =	ssyncadd.s32 @!p0 $0xFFFFD800;
	s16 =	sadd.s32 $0x40, s21  }
0x6d: {  	[tilespmem:s30], [sflag:$0x3] =	stream.linear.gather [hbm4b:s16+s4], $0x100, $0x38;
	[tilespmem:$0x1E400] =	vst v63  }
0x6e: {  	_ =	swait.ge [sflag:s31], $0x2800  }
0x6f: {  	[sflag:s31] =	ssyncset.done $0x0  }
0x70: {  	[sflag:s31] =	ssyncadd.s32 $0xFFFFD800  }
0x71: {  	[spmem:s2] =	stream.indirect.scatter.add.f32 [tilespmem:s29], [sflag:$0xA], $0x80, s0, s24, $0xb8;
	[tilespmem:$0x1E400] =	vst v63  }
0x72: {  	_ =	swait.ge [sflag:s3], $0x100  }
0x73: {  	[sflag:s3] =	ssyncset.done $0x0  }
0x74: {  	s16 =	simm.s32 @!p0 $0xC;
	[sflag:s3] =	ssyncadd.s32 $0xFFFFFF00  }
0x75: {  	[tilespmem:s5], [sflag:$0x7] =	stream.indirect.gather [hbm4b:s1+s24], $0x80, s30, s24, $0xb8;
	[tilespmem:$0x1E400] =	vst v63  }
0x76: {  	_ =	swait.ge @!p0 [sflag:s16], $0x2800  }
0x77: {  	[sflag:s16] =	ssyncset.done @!p0 $0x0  }
0x78: {  	s21 =	sadd.s32 $0x60, s21;
	[sflag:s16] =	ssyncadd.s32 @!p0 $0xFFFFD800  }
0x79: {  	[tilespmem:s7], [sflag:$0x4] =	stream.linear.gather [hbm4b:s21+s4], $0x100, $0x38;
	[tilespmem:$0x1E400] =	vst v63  }
0x7a: {  	_ =	swait.ge [sflag:s8], $0x2800  }
0x7b: {  	[sflag:s8] =	ssyncset.done $0x0  }
0x7c: {  	p0 =	seq.s32 s6, $0xF80;
	[sflag:s8] =	ssyncadd.s32 $0xFFFFD800  }
0x7d: {  	[spmem:s2] =	stream.indirect.scatter.add.f32 [tilespmem:s5], [sflag:$0xB], $0x80, s9, s24, $0xb8;
	[tilespmem:$0x1E400] =	vst v63  }
.Ltmp2:
0x7e: {  	_ = 	snop;
	(pc) =	sbr.rel @p0 .LBB2_4-.Ltmp2, $4  }
0x7f: {  	_ =	swait.ge [sflag:s10], $0x100  }
0x80: {  	[sflag:s10] =	ssyncset.done $0x0  }
0x81: {  	[sflag:s10] =	ssyncadd.s32 $0xFFFFFF00  }
0x82: {  	[tilespmem:s11], [sflag:$0x8] =	stream.indirect.gather [hbm4b:s1+s24], $0x80, s7, s24, $0xb8;
	[tilespmem:$0x1E400] =	vst v63  }
0x83: {  	_ =	swait.ge [sflag:s17], $0x2800  }
0x84: {  	[sflag:s17] =	ssyncset.done $0x0  }
0x85: {  	s16 =	sadd.s32 s6, s19;
	[sflag:s17] =	ssyncadd.s32 $0xFFFFD800  }
0x86: {  	[tilespmem:s4], [sflag:$0x1] =	stream.linear.gather [hbm4b:s16+s4], $0x100, $0x38;
	[tilespmem:$0x1E400] =	vst v63  }
0x87: {  	_ =	swait.ge [sflag:s12], $0x2800  }
0x88: {  	[sflag:s12] =	ssyncset.done $0x0  }
0x89: {  	[sflag:s12] =	ssyncadd.s32 $0xFFFFD800  }
0x8a: {  	[spmem:s2] =	stream.indirect.scatter.add.f32 [tilespmem:s11], [sflag:$0xC], $0x80, s14, s24, $0xb8;
	[tilespmem:$0x1E400] =	vst v63  }
0x8b: {  	_ =	swait.ge [sflag:s23], $0x100  }
0x8c: {  	[sflag:s23] =	ssyncset.done $0x0  }
0x8d: {  	[sflag:s23] =	ssyncadd.s32 $0xFFFFFF00  }
0x8e: {  	[tilespmem:s20], [sflag:$0x5] =	stream.indirect.gather [hbm4b:s1+s24], $0x80, s4, s24, $0xb8;
	[tilespmem:$0x1E400] =	vst v63  }
.Ltmp3:
0x8f: {  	_ = 	snop;
	(pc) =	sbr.rel .LBB2_2-.Ltmp3, $4  }
0x90: {  	_ =	swait.ge [sflag:s15], $0x2800  }
0x91: {  	[sflag:s15] =	ssyncset.done $0x0  }
0x92: {  	s21 =	sadd.s32 s6, s18;
	s6 =	sadd.s32 $0x80, s6;
	[sflag:s15] =	ssyncadd.s32 $0xFFFFD800  }
0x93: {  	[tilespmem:s22], [sflag:$0x2] =	stream.linear.gather [hbm4b:s21+s4], $0x100, $0x38;
	[tilespmem:$0x1E400] =	vst v63  }
.LBB2_5:
0x94: {  	_ =	sfence.sel $0x180000  }
0x95: {  	[bflag:$0x0] =	sbarrier.arrive $0xFFFF  }
0x96: {  	_ =	strace $0x9000004D  }
0x97: {  	s0 =	stileid.u32;
	[bflag:$0x2] =	sbarrier.arrive $0xFFFF  }
0x98: {  	p0 =	sne.s32 s0, $0x0;
	s0 =	rddreg [dreg:$0x3]  }
0x99: {  	s0 =	sadd.s32 @!p0 $0x100000, s0  }
0x9a: {  	[sflag:s0] =	ssyncadd.tile.s32 @!p0 $0x1;
	_ =	shalt  }
.Lfunc_end2:
_tile_overlayer_lowered:
.L_overlay_start_2:
0x9b: {  	(tag) =	ssettag $0x2  }
0x9c: {  	s0 =	rddreg [dreg:$0x0];
	s2 =	stileid.u32  }
0x9d: {  	s1 =	rddreg [dreg:$0x1];
	p0 =	sne.s32 s2, $0x0  }
0x9e: {  	s3 =	rddreg [dreg:$0x2];
	[bflag:$0x3] =	sbarrier.arrive $0xFFFF;
	s2 =	simm.s32 @!p0 $0x1C0D  }
0x9f: {  	[timem:s3], [sflag:s2] =	dma.local @!p0 [hbm:s0], s1  }
0xa0: {  	s0 =	simm.s32 @!p0 $0xD  }
0xa1: {  	_ =	swait.ge @!p0 [sflag:s0], s1  }
0xa2: {  	s1 =	ssub.s32 @!p0 $0x0, s1;
	[sflag:s0] =	ssyncset.done @!p0 $0x0  }
0xa3: {  	[sflag:s0] =	ssyncadd.s32 @!p0 s1  }
0xa4: {  	[bflag:$0x3] =	sbarrier.arrive $0xFFFF  }
0xa5: {  	_ =	shalt  }

// kernel: kernel.8.cloned.1.call-start
scs
__scs_entry_jumppad:
0x0: {  	(pc) =	sbr.rel $0x88, $3  }
0x1: {  	(tag) =	ssettag $0x0;
	lr =	simm.s32 $0x1  }
0x2: {  	[smem:$0x3F9B] =	sst lr;
	_ =	strace $0xD0000000  }
0x3: {  	_ = 	snop  }
0x4: {  	_ = 	snop  }
0x5: {  	_ = 	snop  }
0x6: {  	_ = 	snop  }
0x7: {  	_ = 	snop  }
__scs_overlays_trampoline_lowered:
0x8: {  	[smem:$0x3FAA] =	sst s0  }
0x9: {  	[smem:$0x3FAB] =	sst s1  }
0xa: {  	[smem:$0x3FAC] =	sst s2  }
0xb: {  	[smem:$0x3FAD] =	sst s3  }
0xc: {  	[smem:$0x3FAE] =	sst s4  }
0xd: {  	[smem:$0x3FAF] =	sst s5  }
0xe: {  	[smem:$0x3FB0] =	sst s6  }
0xf: {  	[smem:$0x3FB1] =	sst s7  }
0x10: {  	[smem:$0x3FB2] =	sst s8  }
0x11: {  	[smem:$0x3FB3] =	sst s9;
	s0 =	simm.s32 @!p0 $0x0  }
0x12: {  	s1 =	sld [smem:$0x3F99];
	s0 =	simm.s32 @p0 $0x1  }
0x13: {  	[smem:$0x3FB4] =	sst s0;
	s0 =	simm.s32 @!p1 $0x0  }
0x14: {  	s2 =	sld [smem:$0x3F98];
	s0 =	simm.s32 @p1 $0x1  }
0x15: {  	[smem:$0x3FB5] =	sst s0;
	s0 =	simm.s32 @!p2 $0x0  }
0x16: {  	s3 =	sld [smem:$0x3FDB];
	s0 =	simm.s32 @p2 $0x1  }
0x17: {  	s4 =	simm.s32 $0x1BF5;
	[smem:$0x3FB7] =	sst s0  }
0x18: {  	s0 =	sld [smem:$0x3F9A];
	_ =	swait.ge [sflag:s4], $0x0  }
0x19: {  	s7 =	sld [smem:$0x3F9B]  }
0x1a: {  	s8 =	sadd.s32 $0xFFFFE003, lr  }
0x1b: {  	s9 =	sadd.s32 $0xFFFFFEF7, lr;
	s5 =	simm.s32 $0xFFFFFFFF;
	p2 =	slt.u32 s8, $0xFFFFF086  }
0x1c: {  	p1 =	slt.u32 s9, $0xF7A;
	s5 =	simm.s32 @!p2 $0x0  }
0x1d: {  	s5 =	simm.s32 @p1 $0x1;
	p0 =	seq.s32 s7, s2  }
0x1e: {  	s7 =	smul.u32 @!p0 $0xF7A, s2;
	p2 =	seq.s32 @!p0 s5, $0x0  }
0x1f: {  	s9 =	smul.u32 $0xF7A, s1;
	s8 =	simm.s32 @!p0 $0x1BF5;
	p2 =	por !p2, p0  }
0x20: {  	[sflag:s8] =	ssyncset.s32 @!p0 $0xFFFFF086;
	s6 =	sadd.s32 @!p0 s3, s7;
	s7 =	simm.s32 @!p0 $0x108  }
0x21: {  	s3 =	sadd.s32 s3, s9;
	s6 =	sadd.s32 @!p0 $0x88, s6;
	s7 =	simm.s32 @p2 $0x1082  }
0x22: {  	[simem:s7], [sflag:s8] =	dma.local @!p0 [hbm:s6], $0xF7A  }
0x23: {  	s9 =	sor.u32 $0xD0000000, s2;
	s6 =	simm.s32 $0x108;
	_ =	swait.ge @!p0 [sflag:s8], $0x0  }
0x24: {  	s3 =	sadd.s32 $0x88, s3;
	s6 =	simm.s32 @!p1 $0x1082;
	[sflag:s4] =	ssyncset.s32 $0xFFFFF086  }
0x25: {  	[simem:s6], [sflag:s4] =	dma.local [hbm:s3], $0xF7A  }
0x26: {  	[smem:$0x3F9B] =	sst s1;
	(tag) =	ssettag s2;
	_ =	strace s9  }
0x27: {  	s1 =	sld [smem:$0x3FAB]  }
0x28: {  	s2 =	sld [smem:$0x3FAC]  }
0x29: {  	s4 =	sld [smem:$0x3FAE]  }
0x2a: {  	p0 =	seq.s32 s5, $0x0;
	s5 =	sld [smem:$0x3FAF]  }
0x2b: {  	s6 =	sld [smem:$0x3FB0]  }
0x2c: {  	s7 =	sld [smem:$0x3FB1]  }
0x2d: {  	s3 =	simm.s32 $0x108;
	s8 =	sld [smem:$0x3FB2]  }
0x2e: {  	s3 =	simm.s32 @!p0 $0x1082;
	s9 =	sld [smem:$0x3FB3]  }
0x2f: {  	lr =	sadd.s32 s0, s3;
	s0 =	sld [smem:$0x3FAA]  }
0x30: {  	s3 =	sld [smem:$0x3FAD]  }
0x31: {  	[smem:$0x3FB6] =	sst s10  }
0x32: {  	s10 =	sld [smem:$0x3FB4];
	_ =	sdelay $0x3  }
0x33: {  	p0 =	seq.s32 s10, $0x1;
	s10 =	sld [smem:$0x3FB6];
	_ =	sdelay $0x3  }
0x34: {  	[smem:$0x3FB6] =	sst s10  }
0x35: {  	s10 =	sld [smem:$0x3FB5];
	_ =	sdelay $0x3  }
0x36: {  	p1 =	seq.s32 s10, $0x1;
	s10 =	sld [smem:$0x3FB6];
	_ =	sdelay $0x3  }
0x37: {  	[smem:$0x3FB6] =	sst s10  }
0x38: {  	s10 =	sld [smem:$0x3FB7]  }
0x39: {  	_ = 	snop;
	(pc) =	sbr.ind lr, $3  }
0x3a: {  	_ = 	snop  }
0x3b: {  	_ = 	snop  }
0x3c: {  	p2 =	seq.s32 s10, $0x1;
	s10 =	sld [smem:$0x3FB6]  }
0x3d: {  	_ =	shalt  }
0x3e: {  	_ =	shalt  }
0x3f: {  	_ =	shalt  }
0x40: {  	_ =	shalt  }
0x41: {  	_ =	shalt  }
0x42: {  	_ =	shalt  }
0x43: {  	_ =	shalt  }
0x44: {  	_ =	shalt  }
0x45: {  	_ =	shalt  }
0x46: {  	_ =	shalt  }
0x47: {  	_ =	shalt  }
0x48: {  	_ =	shalt  }
0x49: {  	_ =	shalt  }
0x4a: {  	_ =	shalt  }
0x4b: {  	_ =	shalt  }
0x4c: {  	_ =	shalt  }
0x4d: {  	_ =	shalt  }
0x4e: {  	_ =	shalt  }
0x4f: {  	_ =	shalt  }
0x50: {  	_ =	shalt  }
0x51: {  	_ =	shalt  }
0x52: {  	_ =	shalt  }
0x53: {  	_ =	shalt  }
0x54: {  	_ =	shalt  }
0x55: {  	_ =	shalt  }
0x56: {  	_ =	shalt  }
0x57: {  	_ =	shalt  }
0x58: {  	_ =	shalt  }
0x59: {  	_ =	shalt  }
0x5a: {  	_ =	shalt  }
0x5b: {  	_ =	shalt  }
0x5c: {  	_ =	shalt  }
0x5d: {  	_ =	shalt  }
0x5e: {  	_ =	shalt  }
0x5f: {  	_ =	shalt  }
0x60: {  	_ =	shalt  }
0x61: {  	_ =	shalt  }
0x62: {  	_ =	shalt  }
0x63: {  	_ =	shalt  }
0x64: {  	_ =	shalt  }
0x65: {  	_ =	shalt  }
0x66: {  	_ =	shalt  }
0x67: {  	_ =	shalt  }
0x68: {  	_ =	shalt  }
0x69: {  	_ =	shalt  }
0x6a: {  	_ =	shalt  }
0x6b: {  	_ =	shalt  }
0x6c: {  	_ =	shalt  }
0x6d: {  	_ =	shalt  }
0x6e: {  	_ =	shalt  }
0x6f: {  	_ =	shalt  }
0x70: {  	_ =	shalt  }
0x71: {  	_ =	shalt  }
0x72: {  	_ =	shalt  }
0x73: {  	_ =	shalt  }
0x74: {  	_ =	shalt  }
0x75: {  	_ =	shalt  }
0x76: {  	_ =	shalt  }
0x77: {  	_ =	shalt  }
0x78: {  	_ =	shalt  }
0x79: {  	_ =	shalt  }
0x7a: {  	_ =	shalt  }
0x7b: {  	_ =	shalt  }
0x7c: {  	_ =	shalt  }
0x7d: {  	_ =	shalt  }
0x7e: {  	_ =	shalt  }
0x7f: {  	_ =	shalt  }
0x80: {  	_ =	shalt  }
0x81: {  	_ =	shalt  }
0x82: {  	_ =	shalt  }
0x83: {  	_ =	shalt  }
0x84: {  	_ =	shalt  }
0x85: {  	_ =	shalt  }
0x86: {  	_ =	shalt  }
0x87: {  	_ =	shalt  }
.Lfunc_end0:
.L_simem_size_0:
called_computation_lowered:
.L_overlay_start_0:
0x88: {  	s2 =	sld [smem:$0x3FD9]  }
0x89: {  	s3 =	sld [smem:$0x3FFE];
	_ =	sdelay $0x1  }
0x8a: {  	s1 =	srdreg.scid  }
0x8b: {  	s0 =	sand.u32 $0x1, s1  }
0x8c: {  	s17 =	sshll.u32 s0, $0xA;
	s2 =	sadd.s32 s3, s2  }
0x8d: {  	s2 =	sadd.s32 s2, s17  }
0x8e: {  	[smem:$0x3FC2] =	sst s2  }
0x8f: {  	_ = 	snop  }
0x90: {  	s2 =	sld [smem:$0x3FD0];
	(tm) =	ssettm $0x1  }
0x91: {  	s18 =	sld [smem:$0x3FFB];
	_ =	sdelay $0x3  }
0x92: {  	_ =	strace s18  }
0x93: {  	s3 =	sld [smem:$0x3FFC];
	_ =	sdelay $0x3  }
0x94: {  	_ =	strace s3  }
0x95: {  	s3 =	sld [smem:$0x3FFD];
	_ =	sdelay $0x3  }
0x96: {  	_ =	strace s3  }
0x97: {  	_ =	strace $0x8FFFFFFF  }
0x98: {  	s19 =	sld [smem:$0x3FDB];
	_ =	sdelay $0x1  }
0x99: {  	s4 =	simm.s32 $_scs_section_size  }
0x9a: {  	s5 =	simm.s32 $_size__tile_overlayer_lowered;
	s6 =	simm.s32 $_tile_overlayer_lowered  }
0x9b: {  	s22 =	simm.s32 $0x1BFF;
	s21 =	sshll.u32 s6, $0x1;
	s3 =	sadd.s32 s4, s19  }
0x9c: {  	s7 =	simm.s32 $0x0;
	s20 =	sshll.u32 s5, $0x1;
	s5 =	sadd.s32 s21, s3  }
0x9d: {  	[timem:s7], [sflag:s22] =	dma.local [hbm:s5], s20  }
0x9e: {  	_ =	swait.ge [sflag:s22], s20  }
0x9f: {  	s4 =	ssub.s32 $0x0, s20;
	[sflag:s22] =	ssyncset.done $0x0  }
0xa0: {  	[sflag:s22] =	ssyncadd.s32 s4;
	_ =	sdelay $0x1  }
0xa1: {  	s23 =	simm.s32 $0x1B8B  }
0xa2: {  	_ =	swait.ge [sflag:s23], $0x1  }
0xa3: {  	[sflag:s23] =	ssyncset.done $0x0  }
0xa4: {  	s25 =	simm.s32 $0x1B8E;
	s24 =	sld [smem:$0x3FFE];
	[sflag:s23] =	ssyncadd.s32 $0xFFFFFFFF  }
0xa5: {  	s26 =	simm.s32 $execute0_lowered;
	[smem:$0x3FD2] =	sst s25  }
0xa6: {  	s5 =	sshll.u32 s26, $0x1;
	_ =	strace $0x80000046;
	[dreg:$0x1] =	wrdreg $0xFFFFFFFF  }
0xa7: {  	s28 =	simm.s32 $_size_execute0_lowered;
	s3 =	sadd.s32 s3, s5;
	[dreg:$0x0] =	wrdreg $0x0  }
0xa8: {  	s5 =	sshll.u32 s28, $0x1;
	[dreg:$0x2] =	wrdreg s3  }
0xa9: {  	[dreg:$0x3] =	wrdreg s5  }
0xaa: {  	[dreg:$0x4] =	wrdreg $0xC0  }
0xab: {  	_ =	task [dreg:s7], $0x5FFFF  }
0xac: {  	[dreg:$0x1] =	wrdreg $0xFFFFFFFF  }
0xad: {  	[dreg:$0x0] =	wrdreg $0x60  }
0xae: {  	[dreg:$0x2] =	wrdreg s2  }
0xaf: {  	[dreg:$0x3] =	wrdreg s24  }
0xb0: {  	[dreg:$0x4] =	wrdreg $0x68000  }
0xb1: {  	[dreg:$0x5] =	wrdreg $0x9  }
0xb2: {  	_ =	task.clear_ibuf [dreg:s7], $0x6FFFF;
	_ =	strace $0x90000046  }
0xb3: {  	s29 =	simm.s32 $0x9;
	_ =	strace $0x80000048  }
0xb4: {  	_ =	swait.ge [sflag:s29], $0x1  }
0xb5: {  	[sflag:s29] =	ssyncadd.s32 $0xFFFFFFFF  }
0xb6: {  	_ =	strace $0x90000048  }
0xb7: {  	_ =	sfence  }
0xb8: {  	s30 =	sld [smem:$0x0];
	_ =	sdelay $0x2  }
0xb9: {  	s31 =	sshll.u32 s1, $0xD;
	s1 =	sshrl.u32 s1, $0x2  }
0xba: {  	s3 =	sand.u32 $0x4000, s31;
	s1 =	sadd.s32 s1, s30  }
0xbb: {  	s0 =	sor.u32 s3, s0;
	s1 =	sshll.u32 s1, $0x11  }
0xbc: {  	s0 =	sor.u32 s1, s0  }
0xbd: {  	s0 =	sadd.s32 $0x8F2B, s0  }
0xbe: {  	[sflag:s0] =	ssyncadd.remote.s32 $0x1  }
0xbf: {  	_ =	sfence.sel $0xFFFF  }
0xc0: {  	[dreg:$0x0] =	wrdreg $0xFFFFFFFF;
	(pc) =	sbr.abs _section_cstart, $3  }
0xc1: {  	[dreg:$0x1] =	wrdreg $0xFFFFFFFF  }
0xc2: {  	_ =	task.clear_ibuf [dreg:s7], $0x2FFFF;
	_ =	strace $0x9FFFFFFF  }
0xc3: {  	(tm) =	ssettm $0x7FFFFFFF  }
tec
execute0_lowered:
.L_overlay_start_1:
0x0: {  	(tag) =	ssettag $0x1  }
0x1: {  	s11 =	rddreg [dreg:$0x0]  }
0x2: {  	s6 =	rddreg [dreg:$0x1]  }
0x3: {  	s2 =	rddreg [dreg:$0x2]  }
0x4: {  	s0 =	srdreg.scid;
	s1 =	rddreg [dreg:$0x3];
	s3 =	simm.s32 $0x0  }
0x5: {  	s15 =	simm.s32 $0x3;
	s16 =	simm.s32 $0x80;
	s7 =	sand.u32 $0x1, s0  }
0x6: {  	s17 =	simm.s32 $0x1;
	s0 =	stileid.u32;
	s4 =	smul.u32 $0x140000, s7  }
0x7: {  	s18 =	simm.s32 $0x2;
	[smem:$0x7FF] =	sst s3;
	s5 =	smul.u32 $0x14000, s0  }
0x8: {  	s21 =	simm.s32 $0x0;
	_ =	strace $0x80000047;
	s9 =	smul.u32 $0x50000, s0  }
0x9: {  	s29 =	ssub.s32 $0x2, s7;
	s31 =	sshll.u32 s0, $0x1;
	s19 =	sshll.u32 s0, $0x6  }
0xa: {  	s10 =	sshrl.u32 s29, $0x1;
	s19 =	sor.u32 $0x1C03, s19;
	s4 =	sadd.s32 s5, s4  }
0xb: {  	s5 =	sadd.s32 $0x3800, s6;
	s30 =	sshrl.u32 s9, $0x2;
	s9 =	sor.u32 s7, s31  }
0xc: {  	s13 =	ssub.s32 s29, s10;
	s8 =	sshrl.u32 s4, $0x3;
	s4 =	sadd.s32 $0x4000, s6  }
0xd: {  	s14 =	smul.u32 $0x500, s9;
	s12 =	sadd.s32 s8, s6;
	s6 =	sadd.s32 s30, s2  }
0xe: {  	s13 =	smax.u32 s13, $0x1;
	s7 =	sadd.s32 $0x4000, s6;
	s8 =	sadd.s32 $0x8000, s6  }
0xf: {  	s9 =	sadd.s32 $0xC000, s6;
	s10 =	sadd.s32 $0x10000, s6;
	s11 =	sadd.s32 s11, s14  }
0x10: {  	s12 =	sadd.s32 $0x4800, s12;
	s14 =	simm.s32 $0x2800;
	s20 =	sshrl.u32 s6, $0x3  }
.LBB2_1:
0x11: {  	[tilespmem:s14], [sflag:$0x3] =	stream.linear.gather [hbm4b:s5+s3], $0x4000, $0x38;
	[tilespmem:$0x1A800] =	vst v63  }
0x12: {  	_ =	swait.ge [sflag:s15], $0x4000  }
0x13: {  	[sflag:s15] =	ssyncset.done $0x0  }
0x14: {  	[sflag:s15] =	ssyncadd.s32 $0xFFFFC000  }
0x15: {  	[spmem:s6] =	stream.linear.scatter [tilespmem:s14], [sflag:$0x3], $0x4000, $0x38;
	[tilespmem:$0x1A800] =	vst v63  }
0x16: {  	_ =	swait.ge [sflag:s15], $0x4000  }
0x17: {  	[sflag:s15] =	ssyncset.done $0x0  }
0x18: {  	[sflag:s15] =	ssyncadd.s32 $0xFFFFC000  }
0x19: {  	[spmem:s7] =	stream.linear.scatter [tilespmem:s14], [sflag:$0x3], $0x4000, $0x38;
	[tilespmem:$0x1A800] =	vst v63  }
0x1a: {  	_ =	swait.ge [sflag:s15], $0x4000  }
0x1b: {  	[sflag:s15] =	ssyncset.done $0x0  }
0x1c: {  	[sflag:s15] =	ssyncadd.s32 $0xFFFFC000  }
0x1d: {  	[spmem:s8] =	stream.linear.scatter [tilespmem:s14], [sflag:$0x3], $0x4000, $0x38;
	[tilespmem:$0x1A800] =	vst v63  }
0x1e: {  	_ =	swait.ge [sflag:s15], $0x4000  }
0x1f: {  	[sflag:s15] =	ssyncset.done $0x0  }
0x20: {  	[sflag:s15] =	ssyncadd.s32 $0xFFFFC000  }
0x21: {  	[spmem:s9] =	stream.linear.scatter [tilespmem:s14], [sflag:$0x3], $0x4000, $0x38;
	[tilespmem:$0x1A800] =	vst v63  }
0x22: {  	_ =	swait.ge [sflag:s15], $0x4000  }
0x23: {  	[sflag:s15] =	ssyncset.done $0x0  }
0x24: {  	[sflag:s15] =	ssyncadd.s32 $0xFFFFC000  }
0x25: {  	[spmem:s10] =	stream.linear.scatter [tilespmem:s14], [sflag:$0x3], $0x4000, $0x38;
	[tilespmem:$0x1A800] =	vst v63  }
0x26: {  	_ =	swait.ge [sflag:s15], $0x4000  }
0x27: {  	[sflag:s15] =	ssyncset.done $0x0  }
0x28: {  	[sflag:s15] =	ssyncadd.s32 $0xFFFFC000  }
0x29: {  	[tilespmem:s3], [sflag:$0x3] =	stream.linear.gather [hbm4b:s11+s3], $0x2800, $0x38;
	[tilespmem:$0x1A800] =	vst v63  }
0x2a: {  	_ =	swait.ge [sflag:s15], $0x2800  }
0x2b: {  	[sflag:s15] =	ssyncset.done $0x0  }
0x2c: {  	[sflag:s15] =	ssyncadd.s32 $0xFFFFD800  }
0x2d: {  	[tilespmem:s14], [sflag:$0x3] =	stream.linear.gather [hbm4b:s4+s3], $0x4000, $0x38;
	[tilespmem:$0x1A800] =	vst v63  }
0x2e: {  	_ =	swait.ge [sflag:s15], $0x4000  }
0x2f: {  	[sflag:s15] =	ssyncset.done $0x0  }
0x30: {  	[sflag:s15] =	ssyncadd.s32 $0xFFFFC000  }
0x31: {  	[bflag:$0x0] =	sbarrier.arrive $0xFFFF  }
0x32: {  	[spmem:s2] =	stream.indirect.scatter.add.f32 [tilespmem:s14], [sflag:$0x1], $0x80, s3, s16, $0xb8;
	[tilespmem:$0x1A800] =	vst v63  }
0x33: {  	_ = 	snop  }
0x34: {  	[spmem:s2] =	stream.indirect.scatter.add.f32 [tilespmem:s14], [sflag:$0x2], $0x80, s16, s16, $0xb8;
	[tilespmem:$0x1A800] =	vst v63  }
0x35: {  	_ =	swait.ge [sflag:s17], $0x4000  }
0x36: {  	[sflag:s17] =	ssyncset.done $0x0  }
0x37: {  	s22 =	simm.s32 $0x100;
	[sflag:s17] =	ssyncadd.s32 $0xFFFFC000  }
0x38: {  	[spmem:s2] =	stream.indirect.scatter.add.f32 [tilespmem:s14], [sflag:$0x1], $0x80, s22, s16, $0xb8;
	[tilespmem:$0x1A800] =	vst v63  }
0x39: {  	_ =	swait.ge [sflag:s18], $0x4000  }
0x3a: {  	[sflag:s18] =	ssyncset.done $0x0  }
0x3b: {  	s23 =	simm.s32 $0x180;
	s22 =	simm.s32 $0xFFFF6800;
	[sflag:s18] =	ssyncadd.s32 $0xFFFFC000  }
.LBB2_2:
0x3c: {  	[spmem:s2] =	stream.indirect.scatter.add.f32 [tilespmem:s14], [sflag:$0x2], $0x80, s23, s16, $0xb8;
	[tilespmem:$0x1A800] =	vst v63  }
0x3d: {  	s23 =	smov.u32 s22  }
0x3e: {  	p0 =	sne.s32 s22, $0xFFFFFC00;
	s22 =	sadd.s32 $0x400, s22;
	_ =	swait.ge [sflag:s17], $0x4000  }
0x3f: {  	s23 =	sshra.s32 s23, $0x2;
	[sflag:s17] =	ssyncset.done $0x0  }
.Ltmp0:
0x40: {  	s24 =	sadd.s32 $0x2800, s23;
	[sflag:s17] =	ssyncadd.s32 $0xFFFFC000;
	(pc) =	sbr.rel @p0 .LBB2_2-.Ltmp0, $4  }
0x41: {  	[spmem:s2] =	stream.indirect.scatter.add.f32 [tilespmem:s14], [sflag:$0x1], $0x80, s24, s16, $0xb8;
	[tilespmem:$0x1A800] =	vst v63  }
0x42: {  	_ =	swait.ge [sflag:s18], $0x4000  }
0x43: {  	[sflag:s18] =	ssyncset.done $0x0  }
0x44: {  	s23 =	sadd.s32 $0x2880, s23;
	[sflag:s18] =	ssyncadd.s32 $0xFFFFC000  }
0x45: {  	[spmem:s2] =	stream.indirect.scatter.add.f32 [tilespmem:s14], [sflag:$0x2], $0x80, s23, s16, $0xb8;
	[tilespmem:$0x1A800] =	vst v63  }
0x46: {  	_ =	swait.ge [sflag:s17], $0x4000  }
0x47: {  	[sflag:s17] =	ssyncset.done $0x0  }
0x48: {  	[sflag:s17] =	ssyncadd.s32 $0xFFFFC000  }
0x49: {  	_ =	swait.ge [sflag:s18], $0x4000  }
0x4a: {  	s21 =	sadd.s32 $0x1, s21;
	[sflag:s18] =	ssyncset.done $0x0  }
0x4b: {  	p0 =	sne.s32 s21, s13;
	[sflag:s18] =	ssyncadd.s32 $0xFFFFC000  }
.Ltmp1:
0x4c: {  	[bflag:$0x0] =	sbarrier.arrive $0xFFFF;
	(pc) =	sbr.rel @p0 .LBB2_1-.Ltmp1, $4  }
0x4d: {  	[hbm:s12], [sflag:s19] =	dma.local [spmem:s20], $0x2800  }
0x4e: {  	_ =	swait.ge [sflag:s15], $0x2800  }
0x4f: {  	[sflag:s15] =	ssyncset.done $0x0  }
0x50: {  	[sflag:s15] =	ssyncadd.s32 $0xFFFFD800  }
0x51: {  	_ =	sfence.sel $0x180000  }
0x52: {  	[bflag:$0x0] =	sbarrier.arrive $0xFFFF  }
0x53: {  	p0 =	sne.s32 s0, $0x0;
	_ =	strace $0x90000047  }
0x54: {  	s0 =	sadd.s32 @!p0 $0x100000, s1;
	[bflag:$0x2] =	sbarrier.arrive $0xFFFF  }
0x55: {  	[sflag:s0] =	ssyncadd.tile.s32 @!p0 $0x1;
	_ =	shalt  }
.Lfunc_end2:
_tile_overlayer_lowered:
.L_overlay_start_2:
0x56: {  	(tag) =	ssettag $0x2  }
0x57: {  	s0 =	rddreg [dreg:$0x0];
	s2 =	stileid.u32  }
0x58: {  	s1 =	rddreg [dreg:$0x1];
	p0 =	sne.s32 s2, $0x0  }
0x59: {  	s3 =	rddreg [dreg:$0x2];
	[bflag:$0x3] =	sbarrier.arrive $0xFFFF;
	s2 =	simm.s32 @!p0 $0x1C03  }
0x5a: {  	[timem:s3], [sflag:s2] =	dma.local @!p0 [hbm:s0], s1  }
0x5b: {  	s0 =	simm.s32 @!p0 $0x3  }
0x5c: {  	_ =	swait.ge @!p0 [sflag:s0], s1  }
0x5d: {  	s1 =	ssub.s32 @!p0 $0x0, s1;
	[sflag:s0] =	ssyncset.done @!p0 $0x0  }
0x5e: {  	[sflag:s0] =	ssyncadd.s32 @!p0 s1  }
0x5f: {  	[bflag:$0x3] =	sbarrier.arrive $0xFFFF  }
0x60: {  	_ =	shalt  }

</sc_bundles>
